<compile_context>
chip_gen: v7x
topology: tpu7x:2x2x1
jax: 0.10.2.dev20260603
libtpu: 0.0.44.dev20260713+nightly
codegen_flags: <defaults>
</compile_context>

<pallas_src>
import functools

import jax
import jax.numpy as jnp
from jax import lax
from jax.experimental import pallas as pl
from jax.experimental.pallas import tpu as pltpu
from jax.experimental.pallas import tpu_sc as plsc

WIDTH = 16
N_NODES = 10000
N_EDGES = 320000
D_EDGE = 16

NC = 2
NS = 16
NW = NC * NS
EW = N_EDGES // NW
ROW = 125
RPW = EW // ROW
CH_ROWS = 16
CH_E = CH_ROWS * ROW
NCHUNK = RPW // CH_ROWS
NPT = N_NODES // NS

EB = 12800
HI = lax.Precision.HIGHEST


def _selT():
    r = lax.broadcasted_iota(jnp.int32, (WIDTH, WIDTH * WIDTH), 0)
    c = lax.broadcasted_iota(jnp.int32, (WIDTH, WIDTH * WIDTH), 1)
    return jnp.where(c // WIDTH == r, 1.0, 0.0)


def _wgen_body(at_ref, w_ref, b_ref, o_ref):
    aT = at_ref[...]
    W = w_ref[...]
    b2 = b_ref[...]
    w = lax.dot_general(aT, W, (((0,), (0,)), ((), ())),
                        preferred_element_type=jnp.float32)
    wb = (w + b2).astype(jnp.bfloat16)
    o_ref[...] = lax.dot_general(_selT().astype(jnp.bfloat16), wb,
                                 (((1,), (1,)), ((), ())),
                                 preferred_element_type=jnp.float32)


_wgen = pl.pallas_call(
    _wgen_body,
    grid=(N_EDGES // EB,),
    in_specs=[
        pl.BlockSpec((WIDTH, EB), lambda b: (0, b)),
        pl.BlockSpec((WIDTH, WIDTH * WIDTH), lambda b: (0, 0)),
        pl.BlockSpec((1, WIDTH * WIDTH), lambda b: (0, 0)),
    ],
    out_specs=pl.BlockSpec((WIDTH, EB), lambda b: (0, b)),
    out_shape=jax.ShapeDtypeStruct((WIDTH, N_EDGES), jnp.float32),
)


def _sc_segsum_body(idx_hbm, wT_hbm, s_out,
                    idx_buf, tbuf, vbuf, stage, s_sh,
                    sem_idx, sem_t0, sem_t1, sem_sc):
    cid = lax.axis_index("c")
    sid = lax.axis_index("s")
    wid = sid * NC + cid

    idx_cp = pltpu.async_copy(idx_hbm.at[wid], idx_buf, sem_idx)
    t_sems = (sem_t0, sem_t1)
    e_base = wid * EW
    pltpu.async_copy(wT_hbm.at[:, pl.ds(e_base, CH_E)], tbuf.at[0], sem_t0)
    pltpu.async_copy(wT_hbm.at[:, pl.ds(e_base + CH_E, CH_E)],
                     tbuf.at[1], sem_t1)

    def zfill(i, _):
        stage[i, :] = jnp.zeros((16,), jnp.float32)
        return 0
    lax.fori_loop(0, NPT, zfill, 0)

    pltpu.sync_copy(stage, s_sh.at[pl.ds(sid * NPT, NPT)])
    idx_cp.wait()
    plsc.subcore_barrier()

    rows16 = jax.lax.iota(jnp.int32, 16)

    def do_chunk(k, par):
        pltpu.make_async_copy(wT_hbm.at[:, pl.ds(e_base, CH_E)],
                              tbuf.at[par], t_sems[par]).wait()

        def repack(q, _):
            e0 = q * 4
            for u in range(4):
                cols = jnp.zeros((16,), jnp.int32) + (e0 + u)
                vbuf[e0 + u, :] = plsc.load_gather(tbuf.at[par],
                                                   [rows16, cols])
            return 0
        lax.fori_loop(0, CH_E // 4, repack, 0)

        if not (isinstance(k, int) and k + 2 >= NCHUNK):
            @pl.when(k + 2 < NCHUNK)
            def _():
                pltpu.async_copy(
                    wT_hbm.at[:, pl.ds(e_base + (k + 2) * CH_E, CH_E)],
                    tbuf.at[par], t_sems[par])

        for j in range(CH_ROWS):
            r = k * CH_ROWS + j
            pltpu.async_copy(vbuf.at[pl.ds(j * ROW, ROW)],
                             s_sh.at[idx_buf.at[r]], sem_sc, add=True)
        for j in range(CH_ROWS):
            r = k * CH_ROWS + j
            pltpu.make_async_copy(vbuf.at[pl.ds(j * ROW, ROW)],
                                  s_sh.at[idx_buf.at[r]], sem_sc).wait()

    def chunk_pair(t, _):
        do_chunk(2 * t, 0)
        do_chunk(2 * t + 1, 1)
        return 0
    lax.fori_loop(0, NCHUNK // 2, chunk_pair, 0)
    do_chunk(NCHUNK - 1, 0)

    plsc.subcore_barrier()

    pltpu.sync_copy(s_sh.at[pl.ds(sid * NPT, NPT)], stage)
    pltpu.sync_copy(stage, s_out.at[cid, pl.ds(sid * NPT, NPT)])


_sc_segsum = pl.kernel(
    _sc_segsum_body,
    out_type=jax.ShapeDtypeStruct((NC, N_NODES, D_EDGE), jnp.float32),
    mesh=plsc.VectorSubcoreMesh(
        core_axis_name="c", subcore_axis_name="s",
        num_cores=NC, num_subcores=NS),
    compiler_params=pltpu.CompilerParams(use_tc_tiling_on_sc=False,
                                         needs_layout_passes=False),
    scratch_types=[
        pltpu.VMEM((RPW, ROW), jnp.int32),
        pltpu.VMEM((2, D_EDGE, CH_E), jnp.float32),
        pltpu.VMEM((CH_E, D_EDGE), jnp.float32),
        pltpu.VMEM((NPT, D_EDGE), jnp.float32),
        pltpu.VMEM_SHARED((N_NODES, D_EDGE), jnp.float32),
        pltpu.SemaphoreType.DMA,
        pltpu.SemaphoreType.DMA,
        pltpu.SemaphoreType.DMA,
        pltpu.SemaphoreType.DMA,
    ],
)


def _finish_body(xt_ref, s_ref, o_ref):
    xtb = xt_ref[...].astype(jnp.bfloat16).astype(jnp.float32)
    S = s_ref[0] + s_ref[1]
    M = lax.dot_general(xtb, S, (((1,), (0,)), ((), ())),
                        preferred_element_type=jnp.float32,
                        precision=HI)
    r = lax.broadcasted_iota(jnp.int32, (WIDTH, WIDTH), 0)
    c = lax.broadcasted_iota(jnp.int32, (WIDTH, WIDTH), 1)
    trace = jnp.sum(jnp.where(r == c, M, 0.0))
    o_ref[0, 0] = trace * (1.0 / (N_EDGES * WIDTH))


_finish = pl.pallas_call(
    _finish_body,
    out_shape=jax.ShapeDtypeStruct((1, 1), jnp.float32),
    out_specs=pl.BlockSpec(memory_space=pltpu.SMEM),
)


def kernel(x, edge_index, edge_attr, W_nn, b_nn):
    idx3d = edge_index[1].reshape(NW, RPW, ROW)
    wrowT = _wgen(edge_attr.T, W_nn, b_nn.reshape(1, WIDTH * WIDTH))
    sw2 = _sc_segsum(idx3d, wrowT)
    out = _finish(x.T, sw2)
    return out[0, 0]

# --- scband reference (transcript-rebuilt; emitter-appended) ---
"""Pipeline reference for scband-nnconv-2808908612210 (READ-ONLY COPY).

The authoritative reference and input builder live on the scoring server;
editing this copy changes nothing except your own understanding.
"""

import jax, jax.numpy as jnp
import numpy as np

WIDTH = 16
N_NODES = 10000
N_EDGES = 320000
D_EDGE = 16


def setup_inputs(seed: int = 0) -> dict:
    key = jax.random.key(seed)
    k1, k2, k3, k4 = jax.random.split(key, 4)
    x = jax.random.normal(k1, (N_NODES, WIDTH), dtype=jnp.float32)
    edge_index = jax.random.randint(k2, (2, N_EDGES), 0, N_NODES, dtype=jnp.int32)
    edge_attr = jax.random.normal(k3, (N_EDGES, D_EDGE), dtype=jnp.float32) * 0.1
    # Parameters of the edge-network `nn` (a single Linear: d_edge -> width*width)
    W_nn = jax.random.normal(k4, (D_EDGE, WIDTH * WIDTH), dtype=jnp.float32) / np.sqrt(D_EDGE)
    b_nn = jnp.zeros((WIDTH * WIDTH,), dtype=jnp.float32)
    return {"x": x, "edge_index": edge_index, "edge_attr": edge_attr, "W_nn": W_nn, "b_nn": b_nn}


def reference(x, edge_index, edge_attr, W_nn, b_nn):
    # nn(edge_attr): Linear producing per-edge flattened weight matrices
    weight = edge_attr @ W_nn + b_nn              # (E, width*width)
    weight = weight.reshape(-1, WIDTH, WIDTH)     # (E, width, width)
    # gather source-node features for each edge (x[edge_index[1]])
    x_j = x[edge_index[1]][:, None]               # (E, 1, width)
    msgs = jnp.matmul(x_j, weight).squeeze(1)     # (E, width)
    # aggr == 'mean' : faithful to the original module (global mean -> scalar)
    msg = jnp.mean(msgs)
    updated_x = msg
    return updated_x

if __name__ == "__main__":
    import jax
    _d = setup_inputs()
    print(jax.jit(kernel)(*tuple(_d.values())))

</pallas_src>

<mosaic_0001>
#map = affine_map<(d0, d1) -> (0, 0, 0)>
#map1 = affine_map<(d0, d1) -> (0, 0)>
module attributes {stable_mosaic.version = 14 : i64} {
  func.func @_sc_segsum_body(%arg0: i32, %arg1: i32, %arg2: memref<32x80x125xi32, #tpu.memory_space<hbm>>, %arg3: memref<16x320000xf32, #tpu.memory_space<hbm>>, %arg4: memref<2x10000x16xf32, #tpu.memory_space<hbm>>, %arg5: memref<80x125xi32, #tpu.memory_space<vmem>>, %arg6: memref<2x16x2000xf32, #tpu.memory_space<vmem>>, %arg7: memref<2000x16xf32, #tpu.memory_space<vmem>>, %arg8: memref<625x16xf32, #tpu.memory_space<vmem>>, %arg9: memref<10000x16xf32, #tpu.memory_space<vmem_shared>>, %arg10: memref<!tpu.dma_semaphore, #tpu.memory_space<semaphore_mem>>, %arg11: memref<!tpu.dma_semaphore, #tpu.memory_space<semaphore_mem>>, %arg12: memref<!tpu.dma_semaphore, #tpu.memory_space<semaphore_mem>>, %arg13: memref<!tpu.dma_semaphore, #tpu.memory_space<semaphore_mem>>) attributes {dimension_semantics = [#tpu.dimension_semantics<core_parallel>, #tpu.dimension_semantics<subcore_parallel>], iteration_bounds = array<i64: 2, 16>, scalar_prefetch = 0 : i64, scratch_operands = 9 : i64, tpu.core_type = #tpu.core_type<sc_vector_subcore>, window_params = [{transform_indices = #map}, {transform_indices = #map1}, {transform_indices = #map}]} {
    %mul3A = arith.constant 2 : i32
    %mul3A_0 = arith.muli %arg1, %mul3A : i32
    %add3A = arith.addi %mul3A_0, %arg0 : i32
    %dma_start3A = arith.constant 0 : i32
    %dma_start3A_1 = arith.constant 0 : i32
    %dma_start3A_2 = tpu.memref_slice %arg2[%add3A, %dma_start3A, %dma_start3A_1] : memref<32x80x125xi32, #tpu.memory_space<hbm>> -> memref<1x80x125xi32, #tpu.memory_space<hbm>>
    %dma_start3A_3 = tpu.memref_squeeze %dma_start3A_2 : memref<1x80x125xi32, #tpu.memory_space<hbm>> -> memref<80x125xi32, #tpu.memory_space<hbm>>
    %dma_start3A_4 = arith.constant 0 : i32
    %dma_start3A_5 = arith.constant 0 : i32
    %dma_start3A_6 = tpu.memref_slice %arg2[%add3A, %dma_start3A_4, %dma_start3A_5] : memref<32x80x125xi32, #tpu.memory_space<hbm>> -> memref<1x80x125xi32, #tpu.memory_space<hbm>>
    %dma_start3A_7 = tpu.memref_squeeze %dma_start3A_6 : memref<1x80x125xi32, #tpu.memory_space<hbm>> -> memref<80x125xi32, #tpu.memory_space<hbm>>
    tpu.enqueue_dma source(%dma_start3A_7 : memref<80x125xi32, #tpu.memory_space<hbm>>) target(%arg5 : memref<80x125xi32, #tpu.memory_space<vmem>>) target_semaphore(%arg10 : memref<!tpu.dma_semaphore, #tpu.memory_space<semaphore_mem>>)
    %mul3A_8 = arith.constant 10000 : i32
    %mul3A_9 = arith.muli %add3A, %mul3A_8 : i32
    %dma_start3A_10 = arith.constant 0 : i32
    %dma_start3A_11 = arith.constant 0 : i32
    %dma_start3A_12 = arith.constant 0 : i32
    %dma_start3A_13 = tpu.memref_slice %arg6[%dma_start3A_10, %dma_start3A_11, %dma_start3A_12] : memref<2x16x2000xf32, #tpu.memory_space<vmem>> -> memref<1x16x2000xf32, #tpu.memory_space<vmem>>
    %dma_start3A_14 = tpu.memref_squeeze %dma_start3A_13 : memref<1x16x2000xf32, #tpu.memory_space<vmem>> -> memref<16x2000xf32, #tpu.memory_space<vmem>>
    %dma_start3A_15 = arith.constant 0 : i32
    %dma_start3A_16 = tpu.memref_slice %arg3[%dma_start3A_15, %mul3A_9] : memref<16x320000xf32, #tpu.memory_space<hbm>> -> memref<16x2000xf32, #tpu.memory_space<hbm>>
    %dma_start3A_17 = arith.constant 0 : i32
    %dma_start3A_18 = arith.constant 0 : i32
    %dma_start3A_19 = tpu.memref_slice %arg6[%dma_start3A_10, %dma_start3A_17, %dma_start3A_18] : memref<2x16x2000xf32, #tpu.memory_space<vmem>> -> memref<1x16x2000xf32, #tpu.memory_space<vmem>>
    %dma_start3A_20 = tpu.memref_squeeze %dma_start3A_19 : memref<1x16x2000xf32, #tpu.memory_space<vmem>> -> memref<16x2000xf32, #tpu.memory_space<vmem>>
    %dma_start3A_21 = arith.constant 0 : i32
    %dma_start3A_22 = tpu.memref_slice %arg3[%dma_start3A_21, %mul3A_9] : memref<16x320000xf32, #tpu.memory_space<hbm>> -> memref<16x2000xf32, #tpu.memory_space<hbm>>
    tpu.enqueue_dma source(%dma_start3A_22 : memref<16x2000xf32, #tpu.memory_space<hbm>>) target(%dma_start3A_20 : memref<16x2000xf32, #tpu.memory_space<vmem>>) target_semaphore(%arg11 : memref<!tpu.dma_semaphore, #tpu.memory_space<semaphore_mem>>)
    %add3A_23 = arith.constant 2000 : i32
    %add3A_24 = arith.addi %mul3A_9, %add3A_23 : i32
    %dma_start3A_25 = arith.constant 1 : i32
    %dma_start3A_26 = arith.constant 0 : i32
    %dma_start3A_27 = arith.constant 0 : i32
    %dma_start3A_28 = tpu.memref_slice %arg6[%dma_start3A_25, %dma_start3A_26, %dma_start3A_27] : memref<2x16x2000xf32, #tpu.memory_space<vmem>> -> memref<1x16x2000xf32, #tpu.memory_space<vmem>>
    %dma_start3A_29 = tpu.memref_squeeze %dma_start3A_28 : memref<1x16x2000xf32, #tpu.memory_space<vmem>> -> memref<16x2000xf32, #tpu.memory_space<vmem>>
    %dma_start3A_30 = arith.constant 0 : i32
    %dma_start3A_31 = tpu.memref_slice %arg3[%dma_start3A_30, %add3A_24] : memref<16x320000xf32, #tpu.memory_space<hbm>> -> memref<16x2000xf32, #tpu.memory_space<hbm>>
    %dma_start3A_32 = arith.constant 0 : i32
    %dma_start3A_33 = arith.constant 0 : i32
    %dma_start3A_34 = tpu.memref_slice %arg6[%dma_start3A_25, %dma_start3A_32, %dma_start3A_33] : memref<2x16x2000xf32, #tpu.memory_space<vmem>> -> memref<1x16x2000xf32, #tpu.memory_space<vmem>>
    %dma_start3A_35 = tpu.memref_squeeze %dma_start3A_34 : memref<1x16x2000xf32, #tpu.memory_space<vmem>> -> memref<16x2000xf32, #tpu.memory_space<vmem>>
    %dma_start3A_36 = arith.constant 0 : i32
    %dma_start3A_37 = tpu.memref_slice %arg3[%dma_start3A_36, %add3A_24] : memref<16x320000xf32, #tpu.memory_space<hbm>> -> memref<16x2000xf32, #tpu.memory_space<hbm>>
    tpu.enqueue_dma source(%dma_start3A_37 : memref<16x2000xf32, #tpu.memory_space<hbm>>) target(%dma_start3A_35 : memref<16x2000xf32, #tpu.memory_space<vmem>>) target_semaphore(%arg12 : memref<!tpu.dma_semaphore, #tpu.memory_space<semaphore_mem>>)
    %scan3A = arith.constant 0 : i32
    %scan3A_38 = arith.constant 0 : i32
    %scan3A_39 = arith.constant 625 : i32
    %scan3A_40 = arith.addi %scan3A_38, %scan3A_39 : i32
    %scan3A_41 = arith.constant 1 : i32
    %scan3A_42 = scf.for %scan3A_405 = %scan3A_38 to %scan3A_40 step %scan3A_41 iter_args(%scan3A_406 = %scan3A) -> (i32)  : i32 {
      %broadcast_in_dim3A = arith.constant 0.000000e+00 : f32
      %broadcast_in_dim3A_407 = vector.broadcast %broadcast_in_dim3A : f32 to vector<16xf32>
      %swap3A = arith.index_cast %scan3A_405 : i32 to index
      %swap3A_408 = arith.constant 0 : index
      %swap3A_409 = tpu.vector_load %arg8[%swap3A, %swap3A_408] {strides = array<i32>} : memref<625x16xf32, #tpu.memory_space<vmem>>, vector<16xf32>,
      tpu.vector_store %arg8[%swap3A, %swap3A_408], %broadcast_in_dim3A_407 {strides = array<i32>} : memref<625x16xf32, #tpu.memory_space<vmem>>, vector<16xf32>,
      %scan3A_410 = arith.constant 0 : i32
      scf.yield %scan3A_410 : i32
    }
    %scan3A_43 = arith.constant 625 : i32
    %mul3A_44 = arith.constant 625 : i32
    %mul3A_45 = arith.muli %arg1, %mul3A_44 : i32
    "tpu.region"() ({
      %run_scoped3A = tpu.sem_alloc : memref<!tpu.dma_semaphore, #tpu.memory_space<semaphore_mem>>
      %dma_start3A_405 = arith.constant 0 : i32
      %dma_start3A_406 = tpu.memref_slice %arg9[%mul3A_45, %dma_start3A_405] : memref<10000x16xf32, #tpu.memory_space<vmem_shared>> -> memref<625x16xf32, #tpu.memory_space<vmem_shared>>
      %dma_start3A_407 = arith.constant 0 : i32
      %dma_start3A_408 = tpu.memref_slice %arg9[%mul3A_45, %dma_start3A_407] : memref<10000x16xf32, #tpu.memory_space<vmem_shared>> -> memref<625x16xf32, #tpu.memory_space<vmem_shared>>
      tpu.enqueue_dma source(%arg8 : memref<625x16xf32, #tpu.memory_space<vmem>>) target(%dma_start3A_408 : memref<625x16xf32, #tpu.memory_space<vmem_shared>>) target_semaphore(%run_scoped3A : memref<!tpu.dma_semaphore, #tpu.memory_space<semaphore_mem>>)
      %dma_wait3A_409 = arith.constant 0 : i32
      %dma_wait3A_410 = tpu.memref_slice %arg9[%mul3A_45, %dma_wait3A_409] : memref<10000x16xf32, #tpu.memory_space<vmem_shared>> -> memref<625x16xf32, #tpu.memory_space<vmem_shared>>
      %dma_wait3A_411 = arith.constant 0 : i32
      %dma_wait3A_412 = tpu.memref_slice %arg9[%mul3A_45, %dma_wait3A_411] : memref<10000x16xf32, #tpu.memory_space<vmem_shared>> -> memref<625x16xf32, #tpu.memory_space<vmem_shared>>
      tpu.wait_dma2 semaphore(%run_scoped3A : memref<!tpu.dma_semaphore, #tpu.memory_space<semaphore_mem>>) src(%arg8 : memref<625x16xf32, #tpu.memory_space<vmem>>) dst(%dma_wait3A_412 : memref<625x16xf32, #tpu.memory_space<vmem_shared>>)
      tpu.yield
    }) : () -> ()
    %dma_wait3A = arith.constant 0 : i32
    %dma_wait3A_46 = arith.constant 0 : i32
    %dma_wait3A_47 = tpu.memref_slice %arg2[%add3A, %dma_wait3A, %dma_wait3A_46] : memref<32x80x125xi32, #tpu.memory_space<hbm>> -> memref<1x80x125xi32, #tpu.memory_space<hbm>>
    %dma_wait3A_48 = tpu.memref_squeeze %dma_wait3A_47 : memref<1x80x125xi32, #tpu.memory_space<hbm>> -> memref<80x125xi32, #tpu.memory_space<hbm>>
    %dma_wait3A_49 = arith.constant 0 : i32
    %dma_wait3A_50 = arith.constant 0 : i32
    %dma_wait3A_51 = tpu.memref_slice %arg2[%add3A, %dma_wait3A_49, %dma_wait3A_50] : memref<32x80x125xi32, #tpu.memory_space<hbm>> -> memref<1x80x125xi32, #tpu.memory_space<hbm>>
    %dma_wait3A_52 = tpu.memref_squeeze %dma_wait3A_51 : memref<1x80x125xi32, #tpu.memory_space<hbm>> -> memref<80x125xi32, #tpu.memory_space<hbm>>
    tpu.wait_dma2 semaphore(%arg10 : memref<!tpu.dma_semaphore, #tpu.memory_space<semaphore_mem>>) src(%dma_wait3A_52 : memref<80x125xi32, #tpu.memory_space<hbm>>) dst(%arg5 : memref<80x125xi32, #tpu.memory_space<vmem>>)
    %barrier3A = arith.constant 0 : index
    tpu.barrier barrier_id(%barrier3A)
    %iota3A = tpu.iota {dimensions = array<i32: 0>} : vector<16xi32>
    %scan3A_53 = arith.constant 0 : i32
    %scan3A_54 = arith.constant 0 : i32
    %scan3A_55 = arith.constant 2 : i32
    %scan3A_56 = arith.addi %scan3A_54, %scan3A_55 : i32
    %scan3A_57 = arith.constant 1 : i32
    %scan3A_58 = scf.for %scan3A_405 = %scan3A_54 to %scan3A_56 step %scan3A_57 iter_args(%scan3A_406 = %scan3A_53) -> (i32)  : i32 {
      %mul3A_407 = arith.constant 2 : i32
      %mul3A_408 = arith.muli %mul3A_407, %scan3A_405 : i32
      %dma_wait3A_409 = arith.constant 0 : i32
      %dma_wait3A_410 = arith.constant 0 : i32
      %dma_wait3A_411 = arith.constant 0 : i32
      %dma_wait3A_412 = tpu.memref_slice %arg6[%dma_wait3A_409, %dma_wait3A_410, %dma_wait3A_411] : memref<2x16x2000xf32, #tpu.memory_space<vmem>> -> memref<1x16x2000xf32, #tpu.memory_space<vmem>>
      %dma_wait3A_413 = tpu.memref_squeeze %dma_wait3A_412 : memref<1x16x2000xf32, #tpu.memory_space<vmem>> -> memref<16x2000xf32, #tpu.memory_space<vmem>>
      %dma_wait3A_414 = arith.constant 0 : i32
      %dma_wait3A_415 = tpu.memref_slice %arg3[%dma_wait3A_414, %mul3A_9] : memref<16x320000xf32, #tpu.memory_space<hbm>> -> memref<16x2000xf32, #tpu.memory_space<hbm>>
      %dma_wait3A_416 = arith.constant 0 : i32
      %dma_wait3A_417 = arith.constant 0 : i32
      %dma_wait3A_418 = tpu.memref_slice %arg6[%dma_wait3A_409, %dma_wait3A_416, %dma_wait3A_417] : memref<2x16x2000xf32, #tpu.memory_space<vmem>> -> memref<1x16x2000xf32, #tpu.memory_space<vmem>>
      %dma_wait3A_419 = tpu.memref_squeeze %dma_wait3A_418 : memref<1x16x2000xf32, #tpu.memory_space<vmem>> -> memref<16x2000xf32, #tpu.memory_space<vmem>>
      %dma_wait3A_420 = arith.constant 0 : i32
      %dma_wait3A_421 = tpu.memref_slice %arg3[%dma_wait3A_420, %mul3A_9] : memref<16x320000xf32, #tpu.memory_space<hbm>> -> memref<16x2000xf32, #tpu.memory_space<hbm>>
      tpu.wait_dma2 semaphore(%arg11 : memref<!tpu.dma_semaphore, #tpu.memory_space<semaphore_mem>>) src(%dma_wait3A_421 : memref<16x2000xf32, #tpu.memory_space<hbm>>) dst(%dma_wait3A_419 : memref<16x2000xf32, #tpu.memory_space<vmem>>)
      %scan3A_422 = arith.constant 0 : i32
      %scan3A_423 = arith.constant 0 : i32
      %scan3A_424 = arith.constant 500 : i32
      %scan3A_425 = arith.addi %scan3A_423, %scan3A_424 : i32
      %scan3A_426 = arith.constant 1 : i32
      %scan3A_427 = scf.for %scan3A_1297 = %scan3A_423 to %scan3A_425 step %scan3A_426 iter_args(%scan3A_1298 = %scan3A_422) -> (i32)  : i32 {
        %mul3A_1299 = arith.constant 4 : i32
        %mul3A_1300 = arith.muli %scan3A_1297, %mul3A_1299 : i32
        %broadcast_in_dim3A = arith.constant 0 : i32
        %broadcast_in_dim3A_1301 = vector.broadcast %broadcast_in_dim3A : i32 to vector<16xi32>
        %add3A_1302 = arith.constant 0 : i32
        %add3A_1303 = arith.addi %mul3A_1300, %add3A_1302 : i32
        %add3A_1304 = vector.broadcast %add3A_1303 : i32 to vector<16xi32>
        %add3A_1305 = arith.addi %broadcast_in_dim3A_1301, %add3A_1304 : vector<16xi32>
        %gather3A = arith.constant 0 : i32
        %gather3A_1306 = arith.constant 0 : i32
        %gather3A_1307 = arith.constant 0 : i32
        %gather3A_1308 = tpu.memref_slice %arg6[%gather3A, %gather3A_1306, %gather3A_1307] : memref<2x16x2000xf32, #tpu.memory_space<vmem>> -> memref<1x16x2000xf32, #tpu.memory_space<vmem>>
        %gather3A_1309 = tpu.memref_squeeze %gather3A_1308 : memref<1x16x2000xf32, #tpu.memory_space<vmem>> -> memref<16x2000xf32, #tpu.memory_space<vmem>>
        %gather3A_1310 = tpu.vector_load_idx %gather3A_1309[%iota3A, %add3A_1305] : memref<16x2000xf32, #tpu.memory_space<vmem>>[vector<16xi32>, vector<16xi32>], vector<16xf32>,
        %add3A_1311 = arith.constant 0 : i32
        %add3A_1312 = arith.addi %mul3A_1300, %add3A_1311 : i32
        %swap3A = arith.index_cast %add3A_1312 : i32 to index
        %swap3A_1313 = arith.constant 0 : index
        %swap3A_1314 = tpu.vector_load %arg7[%swap3A, %swap3A_1313] {strides = array<i32>} : memref<2000x16xf32, #tpu.memory_space<vmem>>, vector<16xf32>,
        tpu.vector_store %arg7[%swap3A, %swap3A_1313], %gather3A_1310 {strides = array<i32>} : memref<2000x16xf32, #tpu.memory_space<vmem>>, vector<16xf32>,
        %broadcast_in_dim3A_1315 = arith.constant 0 : i32
        %broadcast_in_dim3A_1316 = vector.broadcast %broadcast_in_dim3A_1315 : i32 to vector<16xi32>
        %add3A_1317 = arith.constant 1 : i32
        %add3A_1318 = arith.addi %mul3A_1300, %add3A_1317 : i32
        %add3A_1319 = vector.broadcast %add3A_1318 : i32 to vector<16xi32>
        %add3A_1320 = arith.addi %broadcast_in_dim3A_1316, %add3A_1319 : vector<16xi32>
        %gather3A_1321 = arith.constant 0 : i32
        %gather3A_1322 = arith.constant 0 : i32
        %gather3A_1323 = arith.constant 0 : i32
        %gather3A_1324 = tpu.memref_slice %arg6[%gather3A_1321, %gather3A_1322, %gather3A_1323] : memref<2x16x2000xf32, #tpu.memory_space<vmem>> -> memref<1x16x2000xf32, #tpu.memory_space<vmem>>
        %gather3A_1325 = tpu.memref_squeeze %gather3A_1324 : memref<1x16x2000xf32, #tpu.memory_space<vmem>> -> memref<16x2000xf32, #tpu.memory_space<vmem>>
        %gather3A_1326 = tpu.vector_load_idx %gather3A_1325[%iota3A, %add3A_1320] : memref<16x2000xf32, #tpu.memory_space<vmem>>[vector<16xi32>, vector<16xi32>], vector<16xf32>,
        %add3A_1327 = arith.constant 1 : i32
        %add3A_1328 = arith.addi %mul3A_1300, %add3A_1327 : i32
        %swap3A_1329 = arith.index_cast %add3A_1328 : i32 to index
        %swap3A_1330 = arith.constant 0 : index
        %swap3A_1331 = tpu.vector_load %arg7[%swap3A_1329, %swap3A_1330] {strides = array<i32>} : memref<2000x16xf32, #tpu.memory_space<vmem>>, vector<16xf32>,
        tpu.vector_store %arg7[%swap3A_1329, %swap3A_1330], %gather3A_1326 {strides = array<i32>} : memref<2000x16xf32, #tpu.memory_space<vmem>>, vector<16xf32>,
        %broadcast_in_dim3A_1332 = arith.constant 0 : i32
        %broadcast_in_dim3A_1333 = vector.broadcast %broadcast_in_dim3A_1332 : i32 to vector<16xi32>
        %add3A_1334 = arith.constant 2 : i32
        %add3A_1335 = arith.addi %mul3A_1300, %add3A_1334 : i32
        %add3A_1336 = vector.broadcast %add3A_1335 : i32 to vector<16xi32>
        %add3A_1337 = arith.addi %broadcast_in_dim3A_1333, %add3A_1336 : vector<16xi32>
        %gather3A_1338 = arith.constant 0 : i32
        %gather3A_1339 = arith.constant 0 : i32
        %gather3A_1340 = arith.constant 0 : i32
        %gather3A_1341 = tpu.memref_slice %arg6[%gather3A_1338, %gather3A_1339, %gather3A_1340] : memref<2x16x2000xf32, #tpu.memory_space<vmem>> -> memref<1x16x2000xf32, #tpu.memory_space<vmem>>
        %gather3A_1342 = tpu.memref_squeeze %gather3A_1341 : memref<1x16x2000xf32, #tpu.memory_space<vmem>> -> memref<16x2000xf32, #tpu.memory_space<vmem>>
        %gather3A_1343 = tpu.vector_load_idx %gather3A_1342[%iota3A, %add3A_1337] : memref<16x2000xf32, #tpu.memory_space<vmem>>[vector<16xi32>, vector<16xi32>], vector<16xf32>,
        %add3A_1344 = arith.constant 2 : i32
        %add3A_1345 = arith.addi %mul3A_1300, %add3A_1344 : i32
        %swap3A_1346 = arith.index_cast %add3A_1345 : i32 to index
        %swap3A_1347 = arith.constant 0 : index
        %swap3A_1348 = tpu.vector_load %arg7[%swap3A_1346, %swap3A_1347] {strides = array<i32>} : memref<2000x16xf32, #tpu.memory_space<vmem>>, vector<16xf32>,
        tpu.vector_store %arg7[%swap3A_1346, %swap3A_1347], %gather3A_1343 {strides = array<i32>} : memref<2000x16xf32, #tpu.memory_space<vmem>>, vector<16xf32>,
        %broadcast_in_dim3A_1349 = arith.constant 0 : i32
        %broadcast_in_dim3A_1350 = vector.broadcast %broadcast_in_dim3A_1349 : i32 to vector<16xi32>
        %add3A_1351 = arith.constant 3 : i32
        %add3A_1352 = arith.addi %mul3A_1300, %add3A_1351 : i32
        %add3A_1353 = vector.broadcast %add3A_1352 : i32 to vector<16xi32>
        %add3A_1354 = arith.addi %broadcast_in_dim3A_1350, %add3A_1353 : vector<16xi32>
        %gather3A_1355 = arith.constant 0 : i32
        %gather3A_1356 = arith.constant 0 : i32
        %gather3A_1357 = arith.constant 0 : i32
        %gather3A_1358 = tpu.memref_slice %arg6[%gather3A_1355, %gather3A_1356, %gather3A_1357] : memref<2x16x2000xf32, #tpu.memory_space<vmem>> -> memref<1x16x2000xf32, #tpu.memory_space<vmem>>
        %gather3A_1359 = tpu.memref_squeeze %gather3A_1358 : memref<1x16x2000xf32, #tpu.memory_space<vmem>> -> memref<16x2000xf32, #tpu.memory_space<vmem>>
        %gather3A_1360 = tpu.vector_load_idx %gather3A_1359[%iota3A, %add3A_1354] : memref<16x2000xf32, #tpu.memory_space<vmem>>[vector<16xi32>, vector<16xi32>], vector<16xf32>,
        %add3A_1361 = arith.constant 3 : i32
        %add3A_1362 = arith.addi %mul3A_1300, %add3A_1361 : i32
        %swap3A_1363 = arith.index_cast %add3A_1362 : i32 to index
        %swap3A_1364 = arith.constant 0 : index
        %swap3A_1365 = tpu.vector_load %arg7[%swap3A_1363, %swap3A_1364] {strides = array<i32>} : memref<2000x16xf32, #tpu.memory_space<vmem>>, vector<16xf32>,
        tpu.vector_store %arg7[%swap3A_1363, %swap3A_1364], %gather3A_1360 {strides = array<i32>} : memref<2000x16xf32, #tpu.memory_space<vmem>>, vector<16xf32>,
        %scan3A_1366 = arith.constant 0 : i32
        scf.yield %scan3A_1366 : i32
      }
      %scan3A_428 = arith.constant 500 : i32
      %add3A_429 = arith.constant 2 : i32
      %add3A_430 = arith.addi %mul3A_408, %add3A_429 : i32
      %lt3A = arith.constant 5 : i32
      %lt3A_431 = arith.cmpi slt, %add3A_430, %lt3A : i32
      %convert_element_type3A = arith.extui %lt3A_431 : i1 to i32
      %cond3A = arith.constant 0 : i32
      %cond3A_432 = arith.cmpi ne, %convert_element_type3A, %cond3A : i32
      scf.if %cond3A_432 {
        %add3A_1297 = arith.constant 2 : i32
        %add3A_1298 = arith.addi %mul3A_408, %add3A_1297 : i32
        %mul3A_1299 = arith.constant 2000 : i32
        %mul3A_1300 = arith.muli %add3A_1298, %mul3A_1299 : i32
        %add3A_1301 = arith.addi %mul3A_9, %mul3A_1300 : i32
        %dma_start3A_1302 = arith.constant 0 : i32
        %dma_start3A_1303 = arith.constant 0 : i32
        %dma_start3A_1304 = arith.constant 0 : i32
        %dma_start3A_1305 = tpu.memref_slice %arg6[%dma_start3A_1302, %dma_start3A_1303, %dma_start3A_1304] : memref<2x16x2000xf32, #tpu.memory_space<vmem>> -> memref<1x16x2000xf32, #tpu.memory_space<vmem>>
        %dma_start3A_1306 = tpu.memref_squeeze %dma_start3A_1305 : memref<1x16x2000xf32, #tpu.memory_space<vmem>> -> memref<16x2000xf32, #tpu.memory_space<vmem>>
        %dma_start3A_1307 = arith.constant 0 : i32
        %dma_start3A_1308 = tpu.memref_slice %arg3[%dma_start3A_1307, %add3A_1301] : memref<16x320000xf32, #tpu.memory_space<hbm>> -> memref<16x2000xf32, #tpu.memory_space<hbm>>
        %dma_start3A_1309 = arith.constant 0 : i32
        %dma_start3A_1310 = arith.constant 0 : i32
        %dma_start3A_1311 = tpu.memref_slice %arg6[%dma_start3A_1302, %dma_start3A_1309, %dma_start3A_1310] : memref<2x16x2000xf32, #tpu.memory_space<vmem>> -> memref<1x16x2000xf32, #tpu.memory_space<vmem>>
        %dma_start3A_1312 = tpu.memref_squeeze %dma_start3A_1311 : memref<1x16x2000xf32, #tpu.memory_space<vmem>> -> memref<16x2000xf32, #tpu.memory_space<vmem>>
        %dma_start3A_1313 = arith.constant 0 : i32
        %dma_start3A_1314 = tpu.memref_slice %arg3[%dma_start3A_1313, %add3A_1301] : memref<16x320000xf32, #tpu.memory_space<hbm>> -> memref<16x2000xf32, #tpu.memory_space<hbm>>
        tpu.enqueue_dma source(%dma_start3A_1314 : memref<16x2000xf32, #tpu.memory_space<hbm>>) target(%dma_start3A_1312 : memref<16x2000xf32, #tpu.memory_space<vmem>>) target_semaphore(%arg11 : memref<!tpu.dma_semaphore, #tpu.memory_space<semaphore_mem>>)
      } else {
      }
      %mul3A_433 = arith.constant 16 : i32
      %mul3A_434 = arith.muli %mul3A_408, %mul3A_433 : i32
      %add3A_435 = arith.constant 0 : i32
      %add3A_436 = arith.addi %mul3A_434, %add3A_435 : i32
      %dma_start3A_437 = arith.constant 0 : i32
      %dma_start3A_438 = arith.constant 0 : i32
      %dma_start3A_439 = tpu.memref_slice %arg7[%dma_start3A_437, %dma_start3A_438] : memref<2000x16xf32, #tpu.memory_space<vmem>> -> memref<125x16xf32, #tpu.memory_space<vmem>>
      %dma_start3A_440 = arith.constant 0 : i32
      %dma_start3A_441 = tpu.memref_slice %arg5[%add3A_436, %dma_start3A_440] : memref<80x125xi32, #tpu.memory_space<vmem>> -> memref<1x125xi32, #tpu.memory_space<vmem>>
      %dma_start3A_442 = tpu.memref_squeeze %dma_start3A_441 : memref<1x125xi32, #tpu.memory_space<vmem>> -> memref<125xi32, #tpu.memory_space<vmem>>
      %dma_start3A_443 = arith.constant 0 : i32
      %dma_start3A_444 = arith.constant 0 : i32
      %dma_start3A_445 = tpu.memref_slice %arg9[%dma_start3A_443, %dma_start3A_444] : memref<10000x16xf32, #tpu.memory_space<vmem_shared>> -> memref<10000x16xf32, #tpu.memory_space<vmem_shared>>
      tpu.enqueue_indirect_dma source(%dma_start3A_439 : memref<125x16xf32, #tpu.memory_space<vmem>>) target(%dma_start3A_445 : memref<10000x16xf32, #tpu.memory_space<vmem_shared>>) offsets(%dma_start3A_442 : memref<125xi32, #tpu.memory_space<vmem>>) semaphore(%arg13 : memref<!tpu.dma_semaphore, #tpu.memory_space<semaphore_mem>>) {add = true}
      %mul3A_446 = arith.constant 16 : i32
      %mul3A_447 = arith.muli %mul3A_408, %mul3A_446 : i32
      %add3A_448 = arith.constant 1 : i32
      %add3A_449 = arith.addi %mul3A_447, %add3A_448 : i32
      %dma_start3A_450 = arith.constant 125 : i32
      %dma_start3A_451 = arith.constant 0 : i32
      %dma_start3A_452 = tpu.memref_slice %arg7[%dma_start3A_450, %dma_start3A_451] : memref<2000x16xf32, #tpu.memory_space<vmem>> -> memref<125x16xf32, #tpu.memory_space<vmem>>
      %dma_start3A_453 = arith.constant 0 : i32
      %dma_start3A_454 = tpu.memref_slice %arg5[%add3A_449, %dma_start3A_453] : memref<80x125xi32, #tpu.memory_space<vmem>> -> memref<1x125xi32, #tpu.memory_space<vmem>>
      %dma_start3A_455 = tpu.memref_squeeze %dma_start3A_454 : memref<1x125xi32, #tpu.memory_space<vmem>> -> memref<125xi32, #tpu.memory_space<vmem>>
      %dma_start3A_456 = arith.constant 0 : i32
      %dma_start3A_457 = arith.constant 0 : i32
      %dma_start3A_458 = tpu.memref_slice %arg9[%dma_start3A_456, %dma_start3A_457] : memref<10000x16xf32, #tpu.memory_space<vmem_shared>> -> memref<10000x16xf32, #tpu.memory_space<vmem_shared>>
      tpu.enqueue_indirect_dma source(%dma_start3A_452 : memref<125x16xf32, #tpu.memory_space<vmem>>) target(%dma_start3A_458 : memref<10000x16xf32, #tpu.memory_space<vmem_shared>>) offsets(%dma_start3A_455 : memref<125xi32, #tpu.memory_space<vmem>>) semaphore(%arg13 : memref<!tpu.dma_semaphore, #tpu.memory_space<semaphore_mem>>) {add = true}
      %mul3A_459 = arith.constant 16 : i32
      %mul3A_460 = arith.muli %mul3A_408, %mul3A_459 : i32
      %add3A_461 = arith.constant 2 : i32
      %add3A_462 = arith.addi %mul3A_460, %add3A_461 : i32
      %dma_start3A_463 = arith.constant 250 : i32
      %dma_start3A_464 = arith.constant 0 : i32
      %dma_start3A_465 = tpu.memref_slice %arg7[%dma_start3A_463, %dma_start3A_464] : memref<2000x16xf32, #tpu.memory_space<vmem>> -> memref<125x16xf32, #tpu.memory_space<vmem>>
      %dma_start3A_466 = arith.constant 0 : i32
      %dma_start3A_467 = tpu.memref_slice %arg5[%add3A_462, %dma_start3A_466] : memref<80x125xi32, #tpu.memory_space<vmem>> -> memref<1x125xi32, #tpu.memory_space<vmem>>
      %dma_start3A_468 = tpu.memref_squeeze %dma_start3A_467 : memref<1x125xi32, #tpu.memory_space<vmem>> -> memref<125xi32, #tpu.memory_space<vmem>>
      %dma_start3A_469 = arith.constant 0 : i32
      %dma_start3A_470 = arith.constant 0 : i32
      %dma_start3A_471 = tpu.memref_slice %arg9[%dma_start3A_469, %dma_start3A_470] : memref<10000x16xf32, #tpu.memory_space<vmem_shared>> -> memref<10000x16xf32, #tpu.memory_space<vmem_shared>>
      tpu.enqueue_indirect_dma source(%dma_start3A_465 : memref<125x16xf32, #tpu.memory_space<vmem>>) target(%dma_start3A_471 : memref<10000x16xf32, #tpu.memory_space<vmem_shared>>) offsets(%dma_start3A_468 : memref<125xi32, #tpu.memory_space<vmem>>) semaphore(%arg13 : memref<!tpu.dma_semaphore, #tpu.memory_space<semaphore_mem>>) {add = true}
      %mul3A_472 = arith.constant 16 : i32
      %mul3A_473 = arith.muli %mul3A_408, %mul3A_472 : i32
      %add3A_474 = arith.constant 3 : i32
      %add3A_475 = arith.addi %mul3A_473, %add3A_474 : i32
      %dma_start3A_476 = arith.constant 375 : i32
      %dma_start3A_477 = arith.constant 0 : i32
      %dma_start3A_478 = tpu.memref_slice %arg7[%dma_start3A_476, %dma_start3A_477] : memref<2000x16xf32, #tpu.memory_space<vmem>> -> memref<125x16xf32, #tpu.memory_space<vmem>>
      %dma_start3A_479 = arith.constant 0 : i32
      %dma_start3A_480 = tpu.memref_slice %arg5[%add3A_475, %dma_start3A_479] : memref<80x125xi32, #tpu.memory_space<vmem>> -> memref<1x125xi32, #tpu.memory_space<vmem>>
      %dma_start3A_481 = tpu.memref_squeeze %dma_start3A_480 : memref<1x125xi32, #tpu.memory_space<vmem>> -> memref<125xi32, #tpu.memory_space<vmem>>
      %dma_start3A_482 = arith.constant 0 : i32
      %dma_start3A_483 = arith.constant 0 : i32
      %dma_start3A_484 = tpu.memref_slice %arg9[%dma_start3A_482, %dma_start3A_483] : memref<10000x16xf32, #tpu.memory_space<vmem_shared>> -> memref<10000x16xf32, #tpu.memory_space<vmem_shared>>
      tpu.enqueue_indirect_dma source(%dma_start3A_478 : memref<125x16xf32, #tpu.memory_space<vmem>>) target(%dma_start3A_484 : memref<10000x16xf32, #tpu.memory_space<vmem_shared>>) offsets(%dma_start3A_481 : memref<125xi32, #tpu.memory_space<vmem>>) semaphore(%arg13 : memref<!tpu.dma_semaphore, #tpu.memory_space<semaphore_mem>>) {add = true}
      %mul3A_485 = arith.constant 16 : i32
      %mul3A_486 = arith.muli %mul3A_408, %mul3A_485 : i32
      %add3A_487 = arith.constant 4 : i32
      %add3A_488 = arith.addi %mul3A_486, %add3A_487 : i32
      %dma_start3A_489 = arith.constant 500 : i32
      %dma_start3A_490 = arith.constant 0 : i32
      %dma_start3A_491 = tpu.memref_slice %arg7[%dma_start3A_489, %dma_start3A_490] : memref<2000x16xf32, #tpu.memory_space<vmem>> -> memref<125x16xf32, #tpu.memory_space<vmem>>
      %dma_start3A_492 = arith.constant 0 : i32
      %dma_start3A_493 = tpu.memref_slice %arg5[%add3A_488, %dma_start3A_492] : memref<80x125xi32, #tpu.memory_space<vmem>> -> memref<1x125xi32, #tpu.memory_space<vmem>>
      %dma_start3A_494 = tpu.memref_squeeze %dma_start3A_493 : memref<1x125xi32, #tpu.memory_space<vmem>> -> memref<125xi32, #tpu.memory_space<vmem>>
      %dma_start3A_495 = arith.constant 0 : i32
      %dma_start3A_496 = arith.constant 0 : i32
      %dma_start3A_497 = tpu.memref_slice %arg9[%dma_start3A_495, %dma_start3A_496] : memref<10000x16xf32, #tpu.memory_space<vmem_shared>> -> memref<10000x16xf32, #tpu.memory_space<vmem_shared>>
      tpu.enqueue_indirect_dma source(%dma_start3A_491 : memref<125x16xf32, #tpu.memory_space<vmem>>) target(%dma_start3A_497 : memref<10000x16xf32, #tpu.memory_space<vmem_shared>>) offsets(%dma_start3A_494 : memref<125xi32, #tpu.memory_space<vmem>>) semaphore(%arg13 : memref<!tpu.dma_semaphore, #tpu.memory_space<semaphore_mem>>) {add = true}
      %mul3A_498 = arith.constant 16 : i32
      %mul3A_499 = arith.muli %mul3A_408, %mul3A_498 : i32
      %add3A_500 = arith.constant 5 : i32
      %add3A_501 = arith.addi %mul3A_499, %add3A_500 : i32
      %dma_start3A_502 = arith.constant 625 : i32
      %dma_start3A_503 = arith.constant 0 : i32
      %dma_start3A_504 = tpu.memref_slice %arg7[%dma_start3A_502, %dma_start3A_503] : memref<2000x16xf32, #tpu.memory_space<vmem>> -> memref<125x16xf32, #tpu.memory_space<vmem>>
      %dma_start3A_505 = arith.constant 0 : i32
      %dma_start3A_506 = tpu.memref_slice %arg5[%add3A_501, %dma_start3A_505] : memref<80x125xi32, #tpu.memory_space<vmem>> -> memref<1x125xi32, #tpu.memory_space<vmem>>
      %dma_start3A_507 = tpu.memref_squeeze %dma_start3A_506 : memref<1x125xi32, #tpu.memory_space<vmem>> -> memref<125xi32, #tpu.memory_space<vmem>>
      %dma_start3A_508 = arith.constant 0 : i32
      %dma_start3A_509 = arith.constant 0 : i32
      %dma_start3A_510 = tpu.memref_slice %arg9[%dma_start3A_508, %dma_start3A_509] : memref<10000x16xf32, #tpu.memory_space<vmem_shared>> -> memref<10000x16xf32, #tpu.memory_space<vmem_shared>>
      tpu.enqueue_indirect_dma source(%dma_start3A_504 : memref<125x16xf32, #tpu.memory_space<vmem>>) target(%dma_start3A_510 : memref<10000x16xf32, #tpu.memory_space<vmem_shared>>) offsets(%dma_start3A_507 : memref<125xi32, #tpu.memory_space<vmem>>) semaphore(%arg13 : memref<!tpu.dma_semaphore, #tpu.memory_space<semaphore_mem>>) {add = true}
      %mul3A_511 = arith.constant 16 : i32
      %mul3A_512 = arith.muli %mul3A_408, %mul3A_511 : i32
      %add3A_513 = arith.constant 6 : i32
      %add3A_514 = arith.addi %mul3A_512, %add3A_513 : i32
      %dma_start3A_515 = arith.constant 750 : i32
      %dma_start3A_516 = arith.constant 0 : i32
      %dma_start3A_517 = tpu.memref_slice %arg7[%dma_start3A_515, %dma_start3A_516] : memref<2000x16xf32, #tpu.memory_space<vmem>> -> memref<125x16xf32, #tpu.memory_space<vmem>>
      %dma_start3A_518 = arith.constant 0 : i32
      %dma_start3A_519 = tpu.memref_slice %arg5[%add3A_514, %dma_start3A_518] : memref<80x125xi32, #tpu.memory_space<vmem>> -> memref<1x125xi32, #tpu.memory_space<vmem>>
      %dma_start3A_520 = tpu.memref_squeeze %dma_start3A_519 : memref<1x125xi32, #tpu.memory_space<vmem>> -> memref<125xi32, #tpu.memory_space<vmem>>
      %dma_start3A_521 = arith.constant 0 : i32
      %dma_start3A_522 = arith.constant 0 : i32
      %dma_start3A_523 = tpu.memref_slice %arg9[%dma_start3A_521, %dma_start3A_522] : memref<10000x16xf32, #tpu.memory_space<vmem_shared>> -> memref<10000x16xf32, #tpu.memory_space<vmem_shared>>
      tpu.enqueue_indirect_dma source(%dma_start3A_517 : memref<125x16xf32, #tpu.memory_space<vmem>>) target(%dma_start3A_523 : memref<10000x16xf32, #tpu.memory_space<vmem_shared>>) offsets(%dma_start3A_520 : memref<125xi32, #tpu.memory_space<vmem>>) semaphore(%arg13 : memref<!tpu.dma_semaphore, #tpu.memory_space<semaphore_mem>>) {add = true}
      %mul3A_524 = arith.constant 16 : i32
      %mul3A_525 = arith.muli %mul3A_408, %mul3A_524 : i32
      %add3A_526 = arith.constant 7 : i32
      %add3A_527 = arith.addi %mul3A_525, %add3A_526 : i32
      %dma_start3A_528 = arith.constant 875 : i32
      %dma_start3A_529 = arith.constant 0 : i32
      %dma_start3A_530 = tpu.memref_slice %arg7[%dma_start3A_528, %dma_start3A_529] : memref<2000x16xf32, #tpu.memory_space<vmem>> -> memref<125x16xf32, #tpu.memory_space<vmem>>
      %dma_start3A_531 = arith.constant 0 : i32
      %dma_start3A_532 = tpu.memref_slice %arg5[%add3A_527, %dma_start3A_531] : memref<80x125xi32, #tpu.memory_space<vmem>> -> memref<1x125xi32, #tpu.memory_space<vmem>>
      %dma_start3A_533 = tpu.memref_squeeze %dma_start3A_532 : memref<1x125xi32, #tpu.memory_space<vmem>> -> memref<125xi32, #tpu.memory_space<vmem>>
      %dma_start3A_534 = arith.constant 0 : i32
      %dma_start3A_535 = arith.constant 0 : i32
      %dma_start3A_536 = tpu.memref_slice %arg9[%dma_start3A_534, %dma_start3A_535] : memref<10000x16xf32, #tpu.memory_space<vmem_shared>> -> memref<10000x16xf32, #tpu.memory_space<vmem_shared>>
      tpu.enqueue_indirect_dma source(%dma_start3A_530 : memref<125x16xf32, #tpu.memory_space<vmem>>) target(%dma_start3A_536 : memref<10000x16xf32, #tpu.memory_space<vmem_shared>>) offsets(%dma_start3A_533 : memref<125xi32, #tpu.memory_space<vmem>>) semaphore(%arg13 : memref<!tpu.dma_semaphore, #tpu.memory_space<semaphore_mem>>) {add = true}
      %mul3A_537 = arith.constant 16 : i32
      %mul3A_538 = arith.muli %mul3A_408, %mul3A_537 : i32
      %add3A_539 = arith.constant 8 : i32
      %add3A_540 = arith.addi %mul3A_538, %add3A_539 : i32
      %dma_start3A_541 = arith.constant 1000 : i32
      %dma_start3A_542 = arith.constant 0 : i32
      %dma_start3A_543 = tpu.memref_slice %arg7[%dma_start3A_541, %dma_start3A_542] : memref<2000x16xf32, #tpu.memory_space<vmem>> -> memref<125x16xf32, #tpu.memory_space<vmem>>
      %dma_start3A_544 = arith.constant 0 : i32
      %dma_start3A_545 = tpu.memref_slice %arg5[%add3A_540, %dma_start3A_544] : memref<80x125xi32, #tpu.memory_space<vmem>> -> memref<1x125xi32, #tpu.memory_space<vmem>>
      %dma_start3A_546 = tpu.memref_squeeze %dma_start3A_545 : memref<1x125xi32, #tpu.memory_space<vmem>> -> memref<125xi32, #tpu.memory_space<vmem>>
      %dma_start3A_547 = arith.constant 0 : i32
      %dma_start3A_548 = arith.constant 0 : i32
      %dma_start3A_549 = tpu.memref_slice %arg9[%dma_start3A_547, %dma_start3A_548] : memref<10000x16xf32, #tpu.memory_space<vmem_shared>> -> memref<10000x16xf32, #tpu.memory_space<vmem_shared>>
      tpu.enqueue_indirect_dma source(%dma_start3A_543 : memref<125x16xf32, #tpu.memory_space<vmem>>) target(%dma_start3A_549 : memref<10000x16xf32, #tpu.memory_space<vmem_shared>>) offsets(%dma_start3A_546 : memref<125xi32, #tpu.memory_space<vmem>>) semaphore(%arg13 : memref<!tpu.dma_semaphore, #tpu.memory_space<semaphore_mem>>) {add = true}
      %mul3A_550 = arith.constant 16 : i32
      %mul3A_551 = arith.muli %mul3A_408, %mul3A_550 : i32
      %add3A_552 = arith.constant 9 : i32
      %add3A_553 = arith.addi %mul3A_551, %add3A_552 : i32
      %dma_start3A_554 = arith.constant 1125 : i32
      %dma_start3A_555 = arith.constant 0 : i32
      %dma_start3A_556 = tpu.memref_slice %arg7[%dma_start3A_554, %dma_start3A_555] : memref<2000x16xf32, #tpu.memory_space<vmem>> -> memref<125x16xf32, #tpu.memory_space<vmem>>
      %dma_start3A_557 = arith.constant 0 : i32
      %dma_start3A_558 = tpu.memref_slice %arg5[%add3A_553, %dma_start3A_557] : memref<80x125xi32, #tpu.memory_space<vmem>> -> memref<1x125xi32, #tpu.memory_space<vmem>>
      %dma_start3A_559 = tpu.memref_squeeze %dma_start3A_558 : memref<1x125xi32, #tpu.memory_space<vmem>> -> memref<125xi32, #tpu.memory_space<vmem>>
      %dma_start3A_560 = arith.constant 0 : i32
      %dma_start3A_561 = arith.constant 0 : i32
      %dma_start3A_562 = tpu.memref_slice %arg9[%dma_start3A_560, %dma_start3A_561] : memref<10000x16xf32, #tpu.memory_space<vmem_shared>> -> memref<10000x16xf32, #tpu.memory_space<vmem_shared>>
      tpu.enqueue_indirect_dma source(%dma_start3A_556 : memref<125x16xf32, #tpu.memory_space<vmem>>) target(%dma_start3A_562 : memref<10000x16xf32, #tpu.memory_space<vmem_shared>>) offsets(%dma_start3A_559 : memref<125xi32, #tpu.memory_space<vmem>>) semaphore(%arg13 : memref<!tpu.dma_semaphore, #tpu.memory_space<semaphore_mem>>) {add = true}
      %mul3A_563 = arith.constant 16 : i32
      %mul3A_564 = arith.muli %mul3A_408, %mul3A_563 : i32
      %add3A_565 = arith.constant 10 : i32
      %add3A_566 = arith.addi %mul3A_564, %add3A_565 : i32
      %dma_start3A_567 = arith.constant 1250 : i32
      %dma_start3A_568 = arith.constant 0 : i32
      %dma_start3A_569 = tpu.memref_slice %arg7[%dma_start3A_567, %dma_start3A_568] : memref<2000x16xf32, #tpu.memory_space<vmem>> -> memref<125x16xf32, #tpu.memory_space<vmem>>
      %dma_start3A_570 = arith.constant 0 : i32
      %dma_start3A_571 = tpu.memref_slice %arg5[%add3A_566, %dma_start3A_570] : memref<80x125xi32, #tpu.memory_space<vmem>> -> memref<1x125xi32, #tpu.memory_space<vmem>>
      %dma_start3A_572 = tpu.memref_squeeze %dma_start3A_571 : memref<1x125xi32, #tpu.memory_space<vmem>> -> memref<125xi32, #tpu.memory_space<vmem>>
      %dma_start3A_573 = arith.constant 0 : i32
      %dma_start3A_574 = arith.constant 0 : i32
      %dma_start3A_575 = tpu.memref_slice %arg9[%dma_start3A_573, %dma_start3A_574] : memref<10000x16xf32, #tpu.memory_space<vmem_shared>> -> memref<10000x16xf32, #tpu.memory_space<vmem_shared>>
      tpu.enqueue_indirect_dma source(%dma_start3A_569 : memref<125x16xf32, #tpu.memory_space<vmem>>) target(%dma_start3A_575 : memref<10000x16xf32, #tpu.memory_space<vmem_shared>>) offsets(%dma_start3A_572 : memref<125xi32, #tpu.memory_space<vmem>>) semaphore(%arg13 : memref<!tpu.dma_semaphore, #tpu.memory_space<semaphore_mem>>) {add = true}
      %mul3A_576 = arith.constant 16 : i32
      %mul3A_577 = arith.muli %mul3A_408, %mul3A_576 : i32
      %add3A_578 = arith.constant 11 : i32
      %add3A_579 = arith.addi %mul3A_577, %add3A_578 : i32
      %dma_start3A_580 = arith.constant 1375 : i32
      %dma_start3A_581 = arith.constant 0 : i32
      %dma_start3A_582 = tpu.memref_slice %arg7[%dma_start3A_580, %dma_start3A_581] : memref<2000x16xf32, #tpu.memory_space<vmem>> -> memref<125x16xf32, #tpu.memory_space<vmem>>
      %dma_start3A_583 = arith.constant 0 : i32
      %dma_start3A_584 = tpu.memref_slice %arg5[%add3A_579, %dma_start3A_583] : memref<80x125xi32, #tpu.memory_space<vmem>> -> memref<1x125xi32, #tpu.memory_space<vmem>>
      %dma_start3A_585 = tpu.memref_squeeze %dma_start3A_584 : memref<1x125xi32, #tpu.memory_space<vmem>> -> memref<125xi32, #tpu.memory_space<vmem>>
      %dma_start3A_586 = arith.constant 0 : i32
      %dma_start3A_587 = arith.constant 0 : i32
      %dma_start3A_588 = tpu.memref_slice %arg9[%dma_start3A_586, %dma_start3A_587] : memref<10000x16xf32, #tpu.memory_space<vmem_shared>> -> memref<10000x16xf32, #tpu.memory_space<vmem_shared>>
      tpu.enqueue_indirect_dma source(%dma_start3A_582 : memref<125x16xf32, #tpu.memory_space<vmem>>) target(%dma_start3A_588 : memref<10000x16xf32, #tpu.memory_space<vmem_shared>>) offsets(%dma_start3A_585 : memref<125xi32, #tpu.memory_space<vmem>>) semaphore(%arg13 : memref<!tpu.dma_semaphore, #tpu.memory_space<semaphore_mem>>) {add = true}
      %mul3A_589 = arith.constant 16 : i32
      %mul3A_590 = arith.muli %mul3A_408, %mul3A_589 : i32
      %add3A_591 = arith.constant 12 : i32
      %add3A_592 = arith.addi %mul3A_590, %add3A_591 : i32
      %dma_start3A_593 = arith.constant 1500 : i32
      %dma_start3A_594 = arith.constant 0 : i32
      %dma_start3A_595 = tpu.memref_slice %arg7[%dma_start3A_593, %dma_start3A_594] : memref<2000x16xf32, #tpu.memory_space<vmem>> -> memref<125x16xf32, #tpu.memory_space<vmem>>
      %dma_start3A_596 = arith.constant 0 : i32
      %dma_start3A_597 = tpu.memref_slice %arg5[%add3A_592, %dma_start3A_596] : memref<80x125xi32, #tpu.memory_space<vmem>> -> memref<1x125xi32, #tpu.memory_space<vmem>>
      %dma_start3A_598 = tpu.memref_squeeze %dma_start3A_597 : memref<1x125xi32, #tpu.memory_space<vmem>> -> memref<125xi32, #tpu.memory_space<vmem>>
      %dma_start3A_599 = arith.constant 0 : i32
      %dma_start3A_600 = arith.constant 0 : i32
      %dma_start3A_601 = tpu.memref_slice %arg9[%dma_start3A_599, %dma_start3A_600] : memref<10000x16xf32, #tpu.memory_space<vmem_shared>> -> memref<10000x16xf32, #tpu.memory_space<vmem_shared>>
      tpu.enqueue_indirect_dma source(%dma_start3A_595 : memref<125x16xf32, #tpu.memory_space<vmem>>) target(%dma_start3A_601 : memref<10000x16xf32, #tpu.memory_space<vmem_shared>>) offsets(%dma_start3A_598 : memref<125xi32, #tpu.memory_space<vmem>>) semaphore(%arg13 : memref<!tpu.dma_semaphore, #tpu.memory_space<semaphore_mem>>) {add = true}
      %mul3A_602 = arith.constant 16 : i32
      %mul3A_603 = arith.muli %mul3A_408, %mul3A_602 : i32
      %add3A_604 = arith.constant 13 : i32
      %add3A_605 = arith.addi %mul3A_603, %add3A_604 : i32
      %dma_start3A_606 = arith.constant 1625 : i32
      %dma_start3A_607 = arith.constant 0 : i32
      %dma_start3A_608 = tpu.memref_slice %arg7[%dma_start3A_606, %dma_start3A_607] : memref<2000x16xf32, #tpu.memory_space<vmem>> -> memref<125x16xf32, #tpu.memory_space<vmem>>
      %dma_start3A_609 = arith.constant 0 : i32
      %dma_start3A_610 = tpu.memref_slice %arg5[%add3A_605, %dma_start3A_609] : memref<80x125xi32, #tpu.memory_space<vmem>> -> memref<1x125xi32, #tpu.memory_space<vmem>>
      %dma_start3A_611 = tpu.memref_squeeze %dma_start3A_610 : memref<1x125xi32, #tpu.memory_space<vmem>> -> memref<125xi32, #tpu.memory_space<vmem>>
      %dma_start3A_612 = arith.constant 0 : i32
      %dma_start3A_613 = arith.constant 0 : i32
      %dma_start3A_614 = tpu.memref_slice %arg9[%dma_start3A_612, %dma_start3A_613] : memref<10000x16xf32, #tpu.memory_space<vmem_shared>> -> memref<10000x16xf32, #tpu.memory_space<vmem_shared>>
      tpu.enqueue_indirect_dma source(%dma_start3A_608 : memref<125x16xf32, #tpu.memory_space<vmem>>) target(%dma_start3A_614 : memref<10000x16xf32, #tpu.memory_space<vmem_shared>>) offsets(%dma_start3A_611 : memref<125xi32, #tpu.memory_space<vmem>>) semaphore(%arg13 : memref<!tpu.dma_semaphore, #tpu.memory_space<semaphore_mem>>) {add = true}
      %mul3A_615 = arith.constant 16 : i32
      %mul3A_616 = arith.muli %mul3A_408, %mul3A_615 : i32
      %add3A_617 = arith.constant 14 : i32
      %add3A_618 = arith.addi %mul3A_616, %add3A_617 : i32
      %dma_start3A_619 = arith.constant 1750 : i32
      %dma_start3A_620 = arith.constant 0 : i32
      %dma_start3A_621 = tpu.memref_slice %arg7[%dma_start3A_619, %dma_start3A_620] : memref<2000x16xf32, #tpu.memory_space<vmem>> -> memref<125x16xf32, #tpu.memory_space<vmem>>
      %dma_start3A_622 = arith.constant 0 : i32
      %dma_start3A_623 = tpu.memref_slice %arg5[%add3A_618, %dma_start3A_622] : memref<80x125xi32, #tpu.memory_space<vmem>> -> memref<1x125xi32, #tpu.memory_space<vmem>>
      %dma_start3A_624 = tpu.memref_squeeze %dma_start3A_623 : memref<1x125xi32, #tpu.memory_space<vmem>> -> memref<125xi32, #tpu.memory_space<vmem>>
      %dma_start3A_625 = arith.constant 0 : i32
      %dma_start3A_626 = arith.constant 0 : i32
      %dma_start3A_627 = tpu.memref_slice %arg9[%dma_start3A_625, %dma_start3A_626] : memref<10000x16xf32, #tpu.memory_space<vmem_shared>> -> memref<10000x16xf32, #tpu.memory_space<vmem_shared>>
      tpu.enqueue_indirect_dma source(%dma_start3A_621 : memref<125x16xf32, #tpu.memory_space<vmem>>) target(%dma_start3A_627 : memref<10000x16xf32, #tpu.memory_space<vmem_shared>>) offsets(%dma_start3A_624 : memref<125xi32, #tpu.memory_space<vmem>>) semaphore(%arg13 : memref<!tpu.dma_semaphore, #tpu.memory_space<semaphore_mem>>) {add = true}
      %mul3A_628 = arith.constant 16 : i32
      %mul3A_629 = arith.muli %mul3A_408, %mul3A_628 : i32
      %add3A_630 = arith.constant 15 : i32
      %add3A_631 = arith.addi %mul3A_629, %add3A_630 : i32
      %dma_start3A_632 = arith.constant 1875 : i32
      %dma_start3A_633 = arith.constant 0 : i32
      %dma_start3A_634 = tpu.memref_slice %arg7[%dma_start3A_632, %dma_start3A_633] : memref<2000x16xf32, #tpu.memory_space<vmem>> -> memref<125x16xf32, #tpu.memory_space<vmem>>
      %dma_start3A_635 = arith.constant 0 : i32
      %dma_start3A_636 = tpu.memref_slice %arg5[%add3A_631, %dma_start3A_635] : memref<80x125xi32, #tpu.memory_space<vmem>> -> memref<1x125xi32, #tpu.memory_space<vmem>>
      %dma_start3A_637 = tpu.memref_squeeze %dma_start3A_636 : memref<1x125xi32, #tpu.memory_space<vmem>> -> memref<125xi32, #tpu.memory_space<vmem>>
      %dma_start3A_638 = arith.constant 0 : i32
      %dma_start3A_639 = arith.constant 0 : i32
      %dma_start3A_640 = tpu.memref_slice %arg9[%dma_start3A_638, %dma_start3A_639] : memref<10000x16xf32, #tpu.memory_space<vmem_shared>> -> memref<10000x16xf32, #tpu.memory_space<vmem_shared>>
      tpu.enqueue_indirect_dma source(%dma_start3A_634 : memref<125x16xf32, #tpu.memory_space<vmem>>) target(%dma_start3A_640 : memref<10000x16xf32, #tpu.memory_space<vmem_shared>>) offsets(%dma_start3A_637 : memref<125xi32, #tpu.memory_space<vmem>>) semaphore(%arg13 : memref<!tpu.dma_semaphore, #tpu.memory_space<semaphore_mem>>) {add = true}
      %mul3A_641 = arith.constant 16 : i32
      %mul3A_642 = arith.muli %mul3A_408, %mul3A_641 : i32
      %add3A_643 = arith.constant 0 : i32
      %add3A_644 = arith.addi %mul3A_642, %add3A_643 : i32
      %dma_wait3A_645 = arith.constant 0 : i32
      %dma_wait3A_646 = arith.constant 0 : i32
      %dma_wait3A_647 = tpu.memref_slice %arg7[%dma_wait3A_645, %dma_wait3A_646] : memref<2000x16xf32, #tpu.memory_space<vmem>> -> memref<125x16xf32, #tpu.memory_space<vmem>>
      %dma_wait3A_648 = arith.constant 0 : i32
      %dma_wait3A_649 = tpu.memref_slice %arg5[%add3A_644, %dma_wait3A_648] : memref<80x125xi32, #tpu.memory_space<vmem>> -> memref<1x125xi32, #tpu.memory_space<vmem>>
      %dma_wait3A_650 = tpu.memref_squeeze %dma_wait3A_649 : memref<1x125xi32, #tpu.memory_space<vmem>> -> memref<125xi32, #tpu.memory_space<vmem>>
      %dma_wait3A_651 = arith.constant 0 : i32
      %dma_wait3A_652 = arith.constant 0 : i32
      %dma_wait3A_653 = tpu.memref_slice %arg9[%dma_wait3A_651, %dma_wait3A_652] : memref<10000x16xf32, #tpu.memory_space<vmem_shared>> -> memref<10000x16xf32, #tpu.memory_space<vmem_shared>>
      tpu.wait_indirect_dma semaphore(%arg13 : memref<!tpu.dma_semaphore, #tpu.memory_space<semaphore_mem>>) src(%dma_wait3A_647 : memref<125x16xf32, #tpu.memory_space<vmem>>) dst(%dma_wait3A_653 : memref<10000x16xf32, #tpu.memory_space<vmem_shared>>)
      %mul3A_654 = arith.constant 16 : i32
      %mul3A_655 = arith.muli %mul3A_408, %mul3A_654 : i32
      %add3A_656 = arith.constant 1 : i32
      %add3A_657 = arith.addi %mul3A_655, %add3A_656 : i32
      %dma_wait3A_658 = arith.constant 125 : i32
      %dma_wait3A_659 = arith.constant 0 : i32
      %dma_wait3A_660 = tpu.memref_slice %arg7[%dma_wait3A_658, %dma_wait3A_659] : memref<2000x16xf32, #tpu.memory_space<vmem>> -> memref<125x16xf32, #tpu.memory_space<vmem>>
      %dma_wait3A_661 = arith.constant 0 : i32
      %dma_wait3A_662 = tpu.memref_slice %arg5[%add3A_657, %dma_wait3A_661] : memref<80x125xi32, #tpu.memory_space<vmem>> -> memref<1x125xi32, #tpu.memory_space<vmem>>
      %dma_wait3A_663 = tpu.memref_squeeze %dma_wait3A_662 : memref<1x125xi32, #tpu.memory_space<vmem>> -> memref<125xi32, #tpu.memory_space<vmem>>
      %dma_wait3A_664 = arith.constant 0 : i32
      %dma_wait3A_665 = arith.constant 0 : i32
      %dma_wait3A_666 = tpu.memref_slice %arg9[%dma_wait3A_664, %dma_wait3A_665] : memref<10000x16xf32, #tpu.memory_space<vmem_shared>> -> memref<10000x16xf32, #tpu.memory_space<vmem_shared>>
      tpu.wait_indirect_dma semaphore(%arg13 : memref<!tpu.dma_semaphore, #tpu.memory_space<semaphore_mem>>) src(%dma_wait3A_660 : memref<125x16xf32, #tpu.memory_space<vmem>>) dst(%dma_wait3A_666 : memref<10000x16xf32, #tpu.memory_space<vmem_shared>>)
      %mul3A_667 = arith.constant 16 : i32
      %mul3A_668 = arith.muli %mul3A_408, %mul3A_667 : i32
      %add3A_669 = arith.constant 2 : i32
      %add3A_670 = arith.addi %mul3A_668, %add3A_669 : i32
      %dma_wait3A_671 = arith.constant 250 : i32
      %dma_wait3A_672 = arith.constant 0 : i32
      %dma_wait3A_673 = tpu.memref_slice %arg7[%dma_wait3A_671, %dma_wait3A_672] : memref<2000x16xf32, #tpu.memory_space<vmem>> -> memref<125x16xf32, #tpu.memory_space<vmem>>
      %dma_wait3A_674 = arith.constant 0 : i32
      %dma_wait3A_675 = tpu.memref_slice %arg5[%add3A_670, %dma_wait3A_674] : memref<80x125xi32, #tpu.memory_space<vmem>> -> memref<1x125xi32, #tpu.memory_space<vmem>>
      %dma_wait3A_676 = tpu.memref_squeeze %dma_wait3A_675 : memref<1x125xi32, #tpu.memory_space<vmem>> -> memref<125xi32, #tpu.memory_space<vmem>>
      %dma_wait3A_677 = arith.constant 0 : i32
      %dma_wait3A_678 = arith.constant 0 : i32
      %dma_wait3A_679 = tpu.memref_slice %arg9[%dma_wait3A_677, %dma_wait3A_678] : memref<10000x16xf32, #tpu.memory_space<vmem_shared>> -> memref<10000x16xf32, #tpu.memory_space<vmem_shared>>
      tpu.wait_indirect_dma semaphore(%arg13 : memref<!tpu.dma_semaphore, #tpu.memory_space<semaphore_mem>>) src(%dma_wait3A_673 : memref<125x16xf32, #tpu.memory_space<vmem>>) dst(%dma_wait3A_679 : memref<10000x16xf32, #tpu.memory_space<vmem_shared>>)
      %mul3A_680 = arith.constant 16 : i32
      %mul3A_681 = arith.muli %mul3A_408, %mul3A_680 : i32
      %add3A_682 = arith.constant 3 : i32
      %add3A_683 = arith.addi %mul3A_681, %add3A_682 : i32
      %dma_wait3A_684 = arith.constant 375 : i32
      %dma_wait3A_685 = arith.constant 0 : i32
      %dma_wait3A_686 = tpu.memref_slice %arg7[%dma_wait3A_684, %dma_wait3A_685] : memref<2000x16xf32, #tpu.memory_space<vmem>> -> memref<125x16xf32, #tpu.memory_space<vmem>>
      %dma_wait3A_687 = arith.constant 0 : i32
      %dma_wait3A_688 = tpu.memref_slice %arg5[%add3A_683, %dma_wait3A_687] : memref<80x125xi32, #tpu.memory_space<vmem>> -> memref<1x125xi32, #tpu.memory_space<vmem>>
      %dma_wait3A_689 = tpu.memref_squeeze %dma_wait3A_688 : memref<1x125xi32, #tpu.memory_space<vmem>> -> memref<125xi32, #tpu.memory_space<vmem>>
      %dma_wait3A_690 = arith.constant 0 : i32
      %dma_wait3A_691 = arith.constant 0 : i32
      %dma_wait3A_692 = tpu.memref_slice %arg9[%dma_wait3A_690, %dma_wait3A_691] : memref<10000x16xf32, #tpu.memory_space<vmem_shared>> -> memref<10000x16xf32, #tpu.memory_space<vmem_shared>>
      tpu.wait_indirect_dma semaphore(%arg13 : memref<!tpu.dma_semaphore, #tpu.memory_space<semaphore_mem>>) src(%dma_wait3A_686 : memref<125x16xf32, #tpu.memory_space<vmem>>) dst(%dma_wait3A_692 : memref<10000x16xf32, #tpu.memory_space<vmem_shared>>)
      %mul3A_693 = arith.constant 16 : i32
      %mul3A_694 = arith.muli %mul3A_408, %mul3A_693 : i32
      %add3A_695 = arith.constant 4 : i32
      %add3A_696 = arith.addi %mul3A_694, %add3A_695 : i32
      %dma_wait3A_697 = arith.constant 500 : i32
      %dma_wait3A_698 = arith.constant 0 : i32
      %dma_wait3A_699 = tpu.memref_slice %arg7[%dma_wait3A_697, %dma_wait3A_698] : memref<2000x16xf32, #tpu.memory_space<vmem>> -> memref<125x16xf32, #tpu.memory_space<vmem>>
      %dma_wait3A_700 = arith.constant 0 : i32
      %dma_wait3A_701 = tpu.memref_slice %arg5[%add3A_696, %dma_wait3A_700] : memref<80x125xi32, #tpu.memory_space<vmem>> -> memref<1x125xi32, #tpu.memory_space<vmem>>
      %dma_wait3A_702 = tpu.memref_squeeze %dma_wait3A_701 : memref<1x125xi32, #tpu.memory_space<vmem>> -> memref<125xi32, #tpu.memory_space<vmem>>
      %dma_wait3A_703 = arith.constant 0 : i32
      %dma_wait3A_704 = arith.constant 0 : i32
      %dma_wait3A_705 = tpu.memref_slice %arg9[%dma_wait3A_703, %dma_wait3A_704] : memref<10000x16xf32, #tpu.memory_space<vmem_shared>> -> memref<10000x16xf32, #tpu.memory_space<vmem_shared>>
      tpu.wait_indirect_dma semaphore(%arg13 : memref<!tpu.dma_semaphore, #tpu.memory_space<semaphore_mem>>) src(%dma_wait3A_699 : memref<125x16xf32, #tpu.memory_space<vmem>>) dst(%dma_wait3A_705 : memref<10000x16xf32, #tpu.memory_space<vmem_shared>>)
      %mul3A_706 = arith.constant 16 : i32
      %mul3A_707 = arith.muli %mul3A_408, %mul3A_706 : i32
      %add3A_708 = arith.constant 5 : i32
      %add3A_709 = arith.addi %mul3A_707, %add3A_708 : i32
      %dma_wait3A_710 = arith.constant 625 : i32
      %dma_wait3A_711 = arith.constant 0 : i32
      %dma_wait3A_712 = tpu.memref_slice %arg7[%dma_wait3A_710, %dma_wait3A_711] : memref<2000x16xf32, #tpu.memory_space<vmem>> -> memref<125x16xf32, #tpu.memory_space<vmem>>
      %dma_wait3A_713 = arith.constant 0 : i32
      %dma_wait3A_714 = tpu.memref_slice %arg5[%add3A_709, %dma_wait3A_713] : memref<80x125xi32, #tpu.memory_space<vmem>> -> memref<1x125xi32, #tpu.memory_space<vmem>>
      %dma_wait3A_715 = tpu.memref_squeeze %dma_wait3A_714 : memref<1x125xi32, #tpu.memory_space<vmem>> -> memref<125xi32, #tpu.memory_space<vmem>>
      %dma_wait3A_716 = arith.constant 0 : i32
      %dma_wait3A_717 = arith.constant 0 : i32
      %dma_wait3A_718 = tpu.memref_slice %arg9[%dma_wait3A_716, %dma_wait3A_717] : memref<10000x16xf32, #tpu.memory_space<vmem_shared>> -> memref<10000x16xf32, #tpu.memory_space<vmem_shared>>
      tpu.wait_indirect_dma semaphore(%arg13 : memref<!tpu.dma_semaphore, #tpu.memory_space<semaphore_mem>>) src(%dma_wait3A_712 : memref<125x16xf32, #tpu.memory_space<vmem>>) dst(%dma_wait3A_718 : memref<10000x16xf32, #tpu.memory_space<vmem_shared>>)
      %mul3A_719 = arith.constant 16 : i32
      %mul3A_720 = arith.muli %mul3A_408, %mul3A_719 : i32
      %add3A_721 = arith.constant 6 : i32
      %add3A_722 = arith.addi %mul3A_720, %add3A_721 : i32
      %dma_wait3A_723 = arith.constant 750 : i32
      %dma_wait3A_724 = arith.constant 0 : i32
      %dma_wait3A_725 = tpu.memref_slice %arg7[%dma_wait3A_723, %dma_wait3A_724] : memref<2000x16xf32, #tpu.memory_space<vmem>> -> memref<125x16xf32, #tpu.memory_space<vmem>>
      %dma_wait3A_726 = arith.constant 0 : i32
      %dma_wait3A_727 = tpu.memref_slice %arg5[%add3A_722, %dma_wait3A_726] : memref<80x125xi32, #tpu.memory_space<vmem>> -> memref<1x125xi32, #tpu.memory_space<vmem>>
      %dma_wait3A_728 = tpu.memref_squeeze %dma_wait3A_727 : memref<1x125xi32, #tpu.memory_space<vmem>> -> memref<125xi32, #tpu.memory_space<vmem>>
      %dma_wait3A_729 = arith.constant 0 : i32
      %dma_wait3A_730 = arith.constant 0 : i32
      %dma_wait3A_731 = tpu.memref_slice %arg9[%dma_wait3A_729, %dma_wait3A_730] : memref<10000x16xf32, #tpu.memory_space<vmem_shared>> -> memref<10000x16xf32, #tpu.memory_space<vmem_shared>>
      tpu.wait_indirect_dma semaphore(%arg13 : memref<!tpu.dma_semaphore, #tpu.memory_space<semaphore_mem>>) src(%dma_wait3A_725 : memref<125x16xf32, #tpu.memory_space<vmem>>) dst(%dma_wait3A_731 : memref<10000x16xf32, #tpu.memory_space<vmem_shared>>)
      %mul3A_732 = arith.constant 16 : i32
      %mul3A_733 = arith.muli %mul3A_408, %mul3A_732 : i32
      %add3A_734 = arith.constant 7 : i32
      %add3A_735 = arith.addi %mul3A_733, %add3A_734 : i32
      %dma_wait3A_736 = arith.constant 875 : i32
      %dma_wait3A_737 = arith.constant 0 : i32
      %dma_wait3A_738 = tpu.memref_slice %arg7[%dma_wait3A_736, %dma_wait3A_737] : memref<2000x16xf32, #tpu.memory_space<vmem>> -> memref<125x16xf32, #tpu.memory_space<vmem>>
      %dma_wait3A_739 = arith.constant 0 : i32
      %dma_wait3A_740 = tpu.memref_slice %arg5[%add3A_735, %dma_wait3A_739] : memref<80x125xi32, #tpu.memory_space<vmem>> -> memref<1x125xi32, #tpu.memory_space<vmem>>
      %dma_wait3A_741 = tpu.memref_squeeze %dma_wait3A_740 : memref<1x125xi32, #tpu.memory_space<vmem>> -> memref<125xi32, #tpu.memory_space<vmem>>
      %dma_wait3A_742 = arith.constant 0 : i32
      %dma_wait3A_743 = arith.constant 0 : i32
      %dma_wait3A_744 = tpu.memref_slice %arg9[%dma_wait3A_742, %dma_wait3A_743] : memref<10000x16xf32, #tpu.memory_space<vmem_shared>> -> memref<10000x16xf32, #tpu.memory_space<vmem_shared>>
      tpu.wait_indirect_dma semaphore(%arg13 : memref<!tpu.dma_semaphore, #tpu.memory_space<semaphore_mem>>) src(%dma_wait3A_738 : memref<125x16xf32, #tpu.memory_space<vmem>>) dst(%dma_wait3A_744 : memref<10000x16xf32, #tpu.memory_space<vmem_shared>>)
      %mul3A_745 = arith.constant 16 : i32
      %mul3A_746 = arith.muli %mul3A_408, %mul3A_745 : i32
      %add3A_747 = arith.constant 8 : i32
      %add3A_748 = arith.addi %mul3A_746, %add3A_747 : i32
      %dma_wait3A_749 = arith.constant 1000 : i32
      %dma_wait3A_750 = arith.constant 0 : i32
      %dma_wait3A_751 = tpu.memref_slice %arg7[%dma_wait3A_749, %dma_wait3A_750] : memref<2000x16xf32, #tpu.memory_space<vmem>> -> memref<125x16xf32, #tpu.memory_space<vmem>>
      %dma_wait3A_752 = arith.constant 0 : i32
      %dma_wait3A_753 = tpu.memref_slice %arg5[%add3A_748, %dma_wait3A_752] : memref<80x125xi32, #tpu.memory_space<vmem>> -> memref<1x125xi32, #tpu.memory_space<vmem>>
      %dma_wait3A_754 = tpu.memref_squeeze %dma_wait3A_753 : memref<1x125xi32, #tpu.memory_space<vmem>> -> memref<125xi32, #tpu.memory_space<vmem>>
      %dma_wait3A_755 = arith.constant 0 : i32
      %dma_wait3A_756 = arith.constant 0 : i32
      %dma_wait3A_757 = tpu.memref_slice %arg9[%dma_wait3A_755, %dma_wait3A_756] : memref<10000x16xf32, #tpu.memory_space<vmem_shared>> -> memref<10000x16xf32, #tpu.memory_space<vmem_shared>>
      tpu.wait_indirect_dma semaphore(%arg13 : memref<!tpu.dma_semaphore, #tpu.memory_space<semaphore_mem>>) src(%dma_wait3A_751 : memref<125x16xf32, #tpu.memory_space<vmem>>) dst(%dma_wait3A_757 : memref<10000x16xf32, #tpu.memory_space<vmem_shared>>)
      %mul3A_758 = arith.constant 16 : i32
      %mul3A_759 = arith.muli %mul3A_408, %mul3A_758 : i32
      %add3A_760 = arith.constant 9 : i32
      %add3A_761 = arith.addi %mul3A_759, %add3A_760 : i32
      %dma_wait3A_762 = arith.constant 1125 : i32
      %dma_wait3A_763 = arith.constant 0 : i32
      %dma_wait3A_764 = tpu.memref_slice %arg7[%dma_wait3A_762, %dma_wait3A_763] : memref<2000x16xf32, #tpu.memory_space<vmem>> -> memref<125x16xf32, #tpu.memory_space<vmem>>
      %dma_wait3A_765 = arith.constant 0 : i32
      %dma_wait3A_766 = tpu.memref_slice %arg5[%add3A_761, %dma_wait3A_765] : memref<80x125xi32, #tpu.memory_space<vmem>> -> memref<1x125xi32, #tpu.memory_space<vmem>>
      %dma_wait3A_767 = tpu.memref_squeeze %dma_wait3A_766 : memref<1x125xi32, #tpu.memory_space<vmem>> -> memref<125xi32, #tpu.memory_space<vmem>>
      %dma_wait3A_768 = arith.constant 0 : i32
      %dma_wait3A_769 = arith.constant 0 : i32
      %dma_wait3A_770 = tpu.memref_slice %arg9[%dma_wait3A_768, %dma_wait3A_769] : memref<10000x16xf32, #tpu.memory_space<vmem_shared>> -> memref<10000x16xf32, #tpu.memory_space<vmem_shared>>
      tpu.wait_indirect_dma semaphore(%arg13 : memref<!tpu.dma_semaphore, #tpu.memory_space<semaphore_mem>>) src(%dma_wait3A_764 : memref<125x16xf32, #tpu.memory_space<vmem>>) dst(%dma_wait3A_770 : memref<10000x16xf32, #tpu.memory_space<vmem_shared>>)
      %mul3A_771 = arith.constant 16 : i32
      %mul3A_772 = arith.muli %mul3A_408, %mul3A_771 : i32
      %add3A_773 = arith.constant 10 : i32
      %add3A_774 = arith.addi %mul3A_772, %add3A_773 : i32
      %dma_wait3A_775 = arith.constant 1250 : i32
      %dma_wait3A_776 = arith.constant 0 : i32
      %dma_wait3A_777 = tpu.memref_slice %arg7[%dma_wait3A_775, %dma_wait3A_776] : memref<2000x16xf32, #tpu.memory_space<vmem>> -> memref<125x16xf32, #tpu.memory_space<vmem>>
      %dma_wait3A_778 = arith.constant 0 : i32
      %dma_wait3A_779 = tpu.memref_slice %arg5[%add3A_774, %dma_wait3A_778] : memref<80x125xi32, #tpu.memory_space<vmem>> -> memref<1x125xi32, #tpu.memory_space<vmem>>
      %dma_wait3A_780 = tpu.memref_squeeze %dma_wait3A_779 : memref<1x125xi32, #tpu.memory_space<vmem>> -> memref<125xi32, #tpu.memory_space<vmem>>
      %dma_wait3A_781 = arith.constant 0 : i32
      %dma_wait3A_782 = arith.constant 0 : i32
      %dma_wait3A_783 = tpu.memref_slice %arg9[%dma_wait3A_781, %dma_wait3A_782] : memref<10000x16xf32, #tpu.memory_space<vmem_shared>> -> memref<10000x16xf32, #tpu.memory_space<vmem_shared>>
      tpu.wait_indirect_dma semaphore(%arg13 : memref<!tpu.dma_semaphore, #tpu.memory_space<semaphore_mem>>) src(%dma_wait3A_777 : memref<125x16xf32, #tpu.memory_space<vmem>>) dst(%dma_wait3A_783 : memref<10000x16xf32, #tpu.memory_space<vmem_shared>>)
      %mul3A_784 = arith.constant 16 : i32
      %mul3A_785 = arith.muli %mul3A_408, %mul3A_784 : i32
      %add3A_786 = arith.constant 11 : i32
      %add3A_787 = arith.addi %mul3A_785, %add3A_786 : i32
      %dma_wait3A_788 = arith.constant 1375 : i32
      %dma_wait3A_789 = arith.constant 0 : i32
      %dma_wait3A_790 = tpu.memref_slice %arg7[%dma_wait3A_788, %dma_wait3A_789] : memref<2000x16xf32, #tpu.memory_space<vmem>> -> memref<125x16xf32, #tpu.memory_space<vmem>>
      %dma_wait3A_791 = arith.constant 0 : i32
      %dma_wait3A_792 = tpu.memref_slice %arg5[%add3A_787, %dma_wait3A_791] : memref<80x125xi32, #tpu.memory_space<vmem>> -> memref<1x125xi32, #tpu.memory_space<vmem>>
      %dma_wait3A_793 = tpu.memref_squeeze %dma_wait3A_792 : memref<1x125xi32, #tpu.memory_space<vmem>> -> memref<125xi32, #tpu.memory_space<vmem>>
      %dma_wait3A_794 = arith.constant 0 : i32
      %dma_wait3A_795 = arith.constant 0 : i32
      %dma_wait3A_796 = tpu.memref_slice %arg9[%dma_wait3A_794, %dma_wait3A_795] : memref<10000x16xf32, #tpu.memory_space<vmem_shared>> -> memref<10000x16xf32, #tpu.memory_space<vmem_shared>>
      tpu.wait_indirect_dma semaphore(%arg13 : memref<!tpu.dma_semaphore, #tpu.memory_space<semaphore_mem>>) src(%dma_wait3A_790 : memref<125x16xf32, #tpu.memory_space<vmem>>) dst(%dma_wait3A_796 : memref<10000x16xf32, #tpu.memory_space<vmem_shared>>)
      %mul3A_797 = arith.constant 16 : i32
      %mul3A_798 = arith.muli %mul3A_408, %mul3A_797 : i32
      %add3A_799 = arith.constant 12 : i32
      %add3A_800 = arith.addi %mul3A_798, %add3A_799 : i32
      %dma_wait3A_801 = arith.constant 1500 : i32
      %dma_wait3A_802 = arith.constant 0 : i32
      %dma_wait3A_803 = tpu.memref_slice %arg7[%dma_wait3A_801, %dma_wait3A_802] : memref<2000x16xf32, #tpu.memory_space<vmem>> -> memref<125x16xf32, #tpu.memory_space<vmem>>
      %dma_wait3A_804 = arith.constant 0 : i32
      %dma_wait3A_805 = tpu.memref_slice %arg5[%add3A_800, %dma_wait3A_804] : memref<80x125xi32, #tpu.memory_space<vmem>> -> memref<1x125xi32, #tpu.memory_space<vmem>>
      %dma_wait3A_806 = tpu.memref_squeeze %dma_wait3A_805 : memref<1x125xi32, #tpu.memory_space<vmem>> -> memref<125xi32, #tpu.memory_space<vmem>>
      %dma_wait3A_807 = arith.constant 0 : i32
      %dma_wait3A_808 = arith.constant 0 : i32
      %dma_wait3A_809 = tpu.memref_slice %arg9[%dma_wait3A_807, %dma_wait3A_808] : memref<10000x16xf32, #tpu.memory_space<vmem_shared>> -> memref<10000x16xf32, #tpu.memory_space<vmem_shared>>
      tpu.wait_indirect_dma semaphore(%arg13 : memref<!tpu.dma_semaphore, #tpu.memory_space<semaphore_mem>>) src(%dma_wait3A_803 : memref<125x16xf32, #tpu.memory_space<vmem>>) dst(%dma_wait3A_809 : memref<10000x16xf32, #tpu.memory_space<vmem_shared>>)
      %mul3A_810 = arith.constant 16 : i32
      %mul3A_811 = arith.muli %mul3A_408, %mul3A_810 : i32
      %add3A_812 = arith.constant 13 : i32
      %add3A_813 = arith.addi %mul3A_811, %add3A_812 : i32
      %dma_wait3A_814 = arith.constant 1625 : i32
      %dma_wait3A_815 = arith.constant 0 : i32
      %dma_wait3A_816 = tpu.memref_slice %arg7[%dma_wait3A_814, %dma_wait3A_815] : memref<2000x16xf32, #tpu.memory_space<vmem>> -> memref<125x16xf32, #tpu.memory_space<vmem>>
      %dma_wait3A_817 = arith.constant 0 : i32
      %dma_wait3A_818 = tpu.memref_slice %arg5[%add3A_813, %dma_wait3A_817] : memref<80x125xi32, #tpu.memory_space<vmem>> -> memref<1x125xi32, #tpu.memory_space<vmem>>
      %dma_wait3A_819 = tpu.memref_squeeze %dma_wait3A_818 : memref<1x125xi32, #tpu.memory_space<vmem>> -> memref<125xi32, #tpu.memory_space<vmem>>
      %dma_wait3A_820 = arith.constant 0 : i32
      %dma_wait3A_821 = arith.constant 0 : i32
      %dma_wait3A_822 = tpu.memref_slice %arg9[%dma_wait3A_820, %dma_wait3A_821] : memref<10000x16xf32, #tpu.memory_space<vmem_shared>> -> memref<10000x16xf32, #tpu.memory_space<vmem_shared>>
      tpu.wait_indirect_dma semaphore(%arg13 : memref<!tpu.dma_semaphore, #tpu.memory_space<semaphore_mem>>) src(%dma_wait3A_816 : memref<125x16xf32, #tpu.memory_space<vmem>>) dst(%dma_wait3A_822 : memref<10000x16xf32, #tpu.memory_space<vmem_shared>>)
      %mul3A_823 = arith.constant 16 : i32
      %mul3A_824 = arith.muli %mul3A_408, %mul3A_823 : i32
      %add3A_825 = arith.constant 14 : i32
      %add3A_826 = arith.addi %mul3A_824, %add3A_825 : i32
      %dma_wait3A_827 = arith.constant 1750 : i32
      %dma_wait3A_828 = arith.constant 0 : i32
      %dma_wait3A_829 = tpu.memref_slice %arg7[%dma_wait3A_827, %dma_wait3A_828] : memref<2000x16xf32, #tpu.memory_space<vmem>> -> memref<125x16xf32, #tpu.memory_space<vmem>>
      %dma_wait3A_830 = arith.constant 0 : i32
      %dma_wait3A_831 = tpu.memref_slice %arg5[%add3A_826, %dma_wait3A_830] : memref<80x125xi32, #tpu.memory_space<vmem>> -> memref<1x125xi32, #tpu.memory_space<vmem>>
      %dma_wait3A_832 = tpu.memref_squeeze %dma_wait3A_831 : memref<1x125xi32, #tpu.memory_space<vmem>> -> memref<125xi32, #tpu.memory_space<vmem>>
      %dma_wait3A_833 = arith.constant 0 : i32
      %dma_wait3A_834 = arith.constant 0 : i32
      %dma_wait3A_835 = tpu.memref_slice %arg9[%dma_wait3A_833, %dma_wait3A_834] : memref<10000x16xf32, #tpu.memory_space<vmem_shared>> -> memref<10000x16xf32, #tpu.memory_space<vmem_shared>>
      tpu.wait_indirect_dma semaphore(%arg13 : memref<!tpu.dma_semaphore, #tpu.memory_space<semaphore_mem>>) src(%dma_wait3A_829 : memref<125x16xf32, #tpu.memory_space<vmem>>) dst(%dma_wait3A_835 : memref<10000x16xf32, #tpu.memory_space<vmem_shared>>)
      %mul3A_836 = arith.constant 16 : i32
      %mul3A_837 = arith.muli %mul3A_408, %mul3A_836 : i32
      %add3A_838 = arith.constant 15 : i32
      %add3A_839 = arith.addi %mul3A_837, %add3A_838 : i32
      %dma_wait3A_840 = arith.constant 1875 : i32
      %dma_wait3A_841 = arith.constant 0 : i32
      %dma_wait3A_842 = tpu.memref_slice %arg7[%dma_wait3A_840, %dma_wait3A_841] : memref<2000x16xf32, #tpu.memory_space<vmem>> -> memref<125x16xf32, #tpu.memory_space<vmem>>
      %dma_wait3A_843 = arith.constant 0 : i32
      %dma_wait3A_844 = tpu.memref_slice %arg5[%add3A_839, %dma_wait3A_843] : memref<80x125xi32, #tpu.memory_space<vmem>> -> memref<1x125xi32, #tpu.memory_space<vmem>>
      %dma_wait3A_845 = tpu.memref_squeeze %dma_wait3A_844 : memref<1x125xi32, #tpu.memory_space<vmem>> -> memref<125xi32, #tpu.memory_space<vmem>>
      %dma_wait3A_846 = arith.constant 0 : i32
      %dma_wait3A_847 = arith.constant 0 : i32
      %dma_wait3A_848 = tpu.memref_slice %arg9[%dma_wait3A_846, %dma_wait3A_847] : memref<10000x16xf32, #tpu.memory_space<vmem_shared>> -> memref<10000x16xf32, #tpu.memory_space<vmem_shared>>
      tpu.wait_indirect_dma semaphore(%arg13 : memref<!tpu.dma_semaphore, #tpu.memory_space<semaphore_mem>>) src(%dma_wait3A_842 : memref<125x16xf32, #tpu.memory_space<vmem>>) dst(%dma_wait3A_848 : memref<10000x16xf32, #tpu.memory_space<vmem_shared>>)
      %mul3A_849 = arith.constant 2 : i32
      %mul3A_850 = arith.muli %mul3A_849, %scan3A_405 : i32
      %add3A_851 = arith.constant 1 : i32
      %add3A_852 = arith.addi %mul3A_850, %add3A_851 : i32
      %dma_wait3A_853 = arith.constant 1 : i32
      %dma_wait3A_854 = arith.constant 0 : i32
      %dma_wait3A_855 = arith.constant 0 : i32
      %dma_wait3A_856 = tpu.memref_slice %arg6[%dma_wait3A_853, %dma_wait3A_854, %dma_wait3A_855] : memref<2x16x2000xf32, #tpu.memory_space<vmem>> -> memref<1x16x2000xf32, #tpu.memory_space<vmem>>
      %dma_wait3A_857 = tpu.memref_squeeze %dma_wait3A_856 : memref<1x16x2000xf32, #tpu.memory_space<vmem>> -> memref<16x2000xf32, #tpu.memory_space<vmem>>
      %dma_wait3A_858 = arith.constant 0 : i32
      %dma_wait3A_859 = tpu.memref_slice %arg3[%dma_wait3A_858, %mul3A_9] : memref<16x320000xf32, #tpu.memory_space<hbm>> -> memref<16x2000xf32, #tpu.memory_space<hbm>>
      %dma_wait3A_860 = arith.constant 0 : i32
      %dma_wait3A_861 = arith.constant 0 : i32
      %dma_wait3A_862 = tpu.memref_slice %arg6[%dma_wait3A_853, %dma_wait3A_860, %dma_wait3A_861] : memref<2x16x2000xf32, #tpu.memory_space<vmem>> -> memref<1x16x2000xf32, #tpu.memory_space<vmem>>
      %dma_wait3A_863 = tpu.memref_squeeze %dma_wait3A_862 : memref<1x16x2000xf32, #tpu.memory_space<vmem>> -> memref<16x2000xf32, #tpu.memory_space<vmem>>
      %dma_wait3A_864 = arith.constant 0 : i32
      %dma_wait3A_865 = tpu.memref_slice %arg3[%dma_wait3A_864, %mul3A_9] : memref<16x320000xf32, #tpu.memory_space<hbm>> -> memref<16x2000xf32, #tpu.memory_space<hbm>>
      tpu.wait_dma2 semaphore(%arg12 : memref<!tpu.dma_semaphore, #tpu.memory_space<semaphore_mem>>) src(%dma_wait3A_865 : memref<16x2000xf32, #tpu.memory_space<hbm>>) dst(%dma_wait3A_863 : memref<16x2000xf32, #tpu.memory_space<vmem>>)
      %scan3A_866 = arith.constant 0 : i32
      %scan3A_867 = arith.constant 0 : i32
      %scan3A_868 = arith.constant 500 : i32
      %scan3A_869 = arith.addi %scan3A_867, %scan3A_868 : i32
      %scan3A_870 = arith.constant 1 : i32
      %scan3A_871 = scf.for %scan3A_1297 = %scan3A_867 to %scan3A_869 step %scan3A_870 iter_args(%scan3A_1298 = %scan3A_866) -> (i32)  : i32 {
        %mul3A_1299 = arith.constant 4 : i32
        %mul3A_1300 = arith.muli %scan3A_1297, %mul3A_1299 : i32
        %broadcast_in_dim3A = arith.constant 0 : i32
        %broadcast_in_dim3A_1301 = vector.broadcast %broadcast_in_dim3A : i32 to vector<16xi32>
        %add3A_1302 = arith.constant 0 : i32
        %add3A_1303 = arith.addi %mul3A_1300, %add3A_1302 : i32
        %add3A_1304 = vector.broadcast %add3A_1303 : i32 to vector<16xi32>
        %add3A_1305 = arith.addi %broadcast_in_dim3A_1301, %add3A_1304 : vector<16xi32>
        %gather3A = arith.constant 1 : i32
        %gather3A_1306 = arith.constant 0 : i32
        %gather3A_1307 = arith.constant 0 : i32
        %gather3A_1308 = tpu.memref_slice %arg6[%gather3A, %gather3A_1306, %gather3A_1307] : memref<2x16x2000xf32, #tpu.memory_space<vmem>> -> memref<1x16x2000xf32, #tpu.memory_space<vmem>>
        %gather3A_1309 = tpu.memref_squeeze %gather3A_1308 : memref<1x16x2000xf32, #tpu.memory_space<vmem>> -> memref<16x2000xf32, #tpu.memory_space<vmem>>
        %gather3A_1310 = tpu.vector_load_idx %gather3A_1309[%iota3A, %add3A_1305] : memref<16x2000xf32, #tpu.memory_space<vmem>>[vector<16xi32>, vector<16xi32>], vector<16xf32>,
        %add3A_1311 = arith.constant 0 : i32
        %add3A_1312 = arith.addi %mul3A_1300, %add3A_1311 : i32
        %swap3A = arith.index_cast %add3A_1312 : i32 to index
        %swap3A_1313 = arith.constant 0 : index
        %swap3A_1314 = tpu.vector_load %arg7[%swap3A, %swap3A_1313] {strides = array<i32>} : memref<2000x16xf32, #tpu.memory_space<vmem>>, vector<16xf32>,
        tpu.vector_store %arg7[%swap3A, %swap3A_1313], %gather3A_1310 {strides = array<i32>} : memref<2000x16xf32, #tpu.memory_space<vmem>>, vector<16xf32>,
        %broadcast_in_dim3A_1315 = arith.constant 0 : i32
        %broadcast_in_dim3A_1316 = vector.broadcast %broadcast_in_dim3A_1315 : i32 to vector<16xi32>
        %add3A_1317 = arith.constant 1 : i32
        %add3A_1318 = arith.addi %mul3A_1300, %add3A_1317 : i32
        %add3A_1319 = vector.broadcast %add3A_1318 : i32 to vector<16xi32>
        %add3A_1320 = arith.addi %broadcast_in_dim3A_1316, %add3A_1319 : vector<16xi32>
        %gather3A_1321 = arith.constant 1 : i32
        %gather3A_1322 = arith.constant 0 : i32
        %gather3A_1323 = arith.constant 0 : i32
        %gather3A_1324 = tpu.memref_slice %arg6[%gather3A_1321, %gather3A_1322, %gather3A_1323] : memref<2x16x2000xf32, #tpu.memory_space<vmem>> -> memref<1x16x2000xf32, #tpu.memory_space<vmem>>
        %gather3A_1325 = tpu.memref_squeeze %gather3A_1324 : memref<1x16x2000xf32, #tpu.memory_space<vmem>> -> memref<16x2000xf32, #tpu.memory_space<vmem>>
        %gather3A_1326 = tpu.vector_load_idx %gather3A_1325[%iota3A, %add3A_1320] : memref<16x2000xf32, #tpu.memory_space<vmem>>[vector<16xi32>, vector<16xi32>], vector<16xf32>,
        %add3A_1327 = arith.constant 1 : i32
        %add3A_1328 = arith.addi %mul3A_1300, %add3A_1327 : i32
        %swap3A_1329 = arith.index_cast %add3A_1328 : i32 to index
        %swap3A_1330 = arith.constant 0 : index
        %swap3A_1331 = tpu.vector_load %arg7[%swap3A_1329, %swap3A_1330] {strides = array<i32>} : memref<2000x16xf32, #tpu.memory_space<vmem>>, vector<16xf32>,
        tpu.vector_store %arg7[%swap3A_1329, %swap3A_1330], %gather3A_1326 {strides = array<i32>} : memref<2000x16xf32, #tpu.memory_space<vmem>>, vector<16xf32>,
        %broadcast_in_dim3A_1332 = arith.constant 0 : i32
        %broadcast_in_dim3A_1333 = vector.broadcast %broadcast_in_dim3A_1332 : i32 to vector<16xi32>
        %add3A_1334 = arith.constant 2 : i32
        %add3A_1335 = arith.addi %mul3A_1300, %add3A_1334 : i32
        %add3A_1336 = vector.broadcast %add3A_1335 : i32 to vector<16xi32>
        %add3A_1337 = arith.addi %broadcast_in_dim3A_1333, %add3A_1336 : vector<16xi32>
        %gather3A_1338 = arith.constant 1 : i32
        %gather3A_1339 = arith.constant 0 : i32
        %gather3A_1340 = arith.constant 0 : i32
        %gather3A_1341 = tpu.memref_slice %arg6[%gather3A_1338, %gather3A_1339, %gather3A_1340] : memref<2x16x2000xf32, #tpu.memory_space<vmem>> -> memref<1x16x2000xf32, #tpu.memory_space<vmem>>
        %gather3A_1342 = tpu.memref_squeeze %gather3A_1341 : memref<1x16x2000xf32, #tpu.memory_space<vmem>> -> memref<16x2000xf32, #tpu.memory_space<vmem>>
        %gather3A_1343 = tpu.vector_load_idx %gather3A_1342[%iota3A, %add3A_1337] : memref<16x2000xf32, #tpu.memory_space<vmem>>[vector<16xi32>, vector<16xi32>], vector<16xf32>,
        %add3A_1344 = arith.constant 2 : i32
        %add3A_1345 = arith.addi %mul3A_1300, %add3A_1344 : i32
        %swap3A_1346 = arith.index_cast %add3A_1345 : i32 to index
        %swap3A_1347 = arith.constant 0 : index
        %swap3A_1348 = tpu.vector_load %arg7[%swap3A_1346, %swap3A_1347] {strides = array<i32>} : memref<2000x16xf32, #tpu.memory_space<vmem>>, vector<16xf32>,
        tpu.vector_store %arg7[%swap3A_1346, %swap3A_1347], %gather3A_1343 {strides = array<i32>} : memref<2000x16xf32, #tpu.memory_space<vmem>>, vector<16xf32>,
        %broadcast_in_dim3A_1349 = arith.constant 0 : i32
        %broadcast_in_dim3A_1350 = vector.broadcast %broadcast_in_dim3A_1349 : i32 to vector<16xi32>
        %add3A_1351 = arith.constant 3 : i32
        %add3A_1352 = arith.addi %mul3A_1300, %add3A_1351 : i32
        %add3A_1353 = vector.broadcast %add3A_1352 : i32 to vector<16xi32>
        %add3A_1354 = arith.addi %broadcast_in_dim3A_1350, %add3A_1353 : vector<16xi32>
        %gather3A_1355 = arith.constant 1 : i32
        %gather3A_1356 = arith.constant 0 : i32
        %gather3A_1357 = arith.constant 0 : i32
        %gather3A_1358 = tpu.memref_slice %arg6[%gather3A_1355, %gather3A_1356, %gather3A_1357] : memref<2x16x2000xf32, #tpu.memory_space<vmem>> -> memref<1x16x2000xf32, #tpu.memory_space<vmem>>
        %gather3A_1359 = tpu.memref_squeeze %gather3A_1358 : memref<1x16x2000xf32, #tpu.memory_space<vmem>> -> memref<16x2000xf32, #tpu.memory_space<vmem>>
        %gather3A_1360 = tpu.vector_load_idx %gather3A_1359[%iota3A, %add3A_1354] : memref<16x2000xf32, #tpu.memory_space<vmem>>[vector<16xi32>, vector<16xi32>], vector<16xf32>,
        %add3A_1361 = arith.constant 3 : i32
        %add3A_1362 = arith.addi %mul3A_1300, %add3A_1361 : i32
        %swap3A_1363 = arith.index_cast %add3A_1362 : i32 to index
        %swap3A_1364 = arith.constant 0 : index
        %swap3A_1365 = tpu.vector_load %arg7[%swap3A_1363, %swap3A_1364] {strides = array<i32>} : memref<2000x16xf32, #tpu.memory_space<vmem>>, vector<16xf32>,
        tpu.vector_store %arg7[%swap3A_1363, %swap3A_1364], %gather3A_1360 {strides = array<i32>} : memref<2000x16xf32, #tpu.memory_space<vmem>>, vector<16xf32>,
        %scan3A_1366 = arith.constant 0 : i32
        scf.yield %scan3A_1366 : i32
      }
      %scan3A_872 = arith.constant 500 : i32
      %add3A_873 = arith.constant 2 : i32
      %add3A_874 = arith.addi %add3A_852, %add3A_873 : i32
      %lt3A_875 = arith.constant 5 : i32
      %lt3A_876 = arith.cmpi slt, %add3A_874, %lt3A_875 : i32
      %convert_element_type3A_877 = arith.extui %lt3A_876 : i1 to i32
      %cond3A_878 = arith.constant 0 : i32
      %cond3A_879 = arith.cmpi ne, %convert_element_type3A_877, %cond3A_878 : i32
      scf.if %cond3A_879 {
        %add3A_1297 = arith.constant 2 : i32
        %add3A_1298 = arith.addi %add3A_852, %add3A_1297 : i32
        %mul3A_1299 = arith.constant 2000 : i32
        %mul3A_1300 = arith.muli %add3A_1298, %mul3A_1299 : i32
        %add3A_1301 = arith.addi %mul3A_9, %mul3A_1300 : i32
        %dma_start3A_1302 = arith.constant 1 : i32
        %dma_start3A_1303 = arith.constant 0 : i32
        %dma_start3A_1304 = arith.constant 0 : i32
        %dma_start3A_1305 = tpu.memref_slice %arg6[%dma_start3A_1302, %dma_start3A_1303, %dma_start3A_1304] : memref<2x16x2000xf32, #tpu.memory_space<vmem>> -> memref<1x16x2000xf32, #tpu.memory_space<vmem>>
        %dma_start3A_1306 = tpu.memref_squeeze %dma_start3A_1305 : memref<1x16x2000xf32, #tpu.memory_space<vmem>> -> memref<16x2000xf32, #tpu.memory_space<vmem>>
        %dma_start3A_1307 = arith.constant 0 : i32
        %dma_start3A_1308 = tpu.memref_slice %arg3[%dma_start3A_1307, %add3A_1301] : memref<16x320000xf32, #tpu.memory_space<hbm>> -> memref<16x2000xf32, #tpu.memory_space<hbm>>
        %dma_start3A_1309 = arith.constant 0 : i32
        %dma_start3A_1310 = arith.constant 0 : i32
        %dma_start3A_1311 = tpu.memref_slice %arg6[%dma_start3A_1302, %dma_start3A_1309, %dma_start3A_1310] : memref<2x16x2000xf32, #tpu.memory_space<vmem>> -> memref<1x16x2000xf32, #tpu.memory_space<vmem>>
        %dma_start3A_1312 = tpu.memref_squeeze %dma_start3A_1311 : memref<1x16x2000xf32, #tpu.memory_space<vmem>> -> memref<16x2000xf32, #tpu.memory_space<vmem>>
        %dma_start3A_1313 = arith.constant 0 : i32
        %dma_start3A_1314 = tpu.memref_slice %arg3[%dma_start3A_1313, %add3A_1301] : memref<16x320000xf32, #tpu.memory_space<hbm>> -> memref<16x2000xf32, #tpu.memory_space<hbm>>
        tpu.enqueue_dma source(%dma_start3A_1314 : memref<16x2000xf32, #tpu.memory_space<hbm>>) target(%dma_start3A_1312 : memref<16x2000xf32, #tpu.memory_space<vmem>>) target_semaphore(%arg12 : memref<!tpu.dma_semaphore, #tpu.memory_space<semaphore_mem>>)
      } else {
      }
      %mul3A_880 = arith.constant 16 : i32
      %mul3A_881 = arith.muli %add3A_852, %mul3A_880 : i32
      %add3A_882 = arith.constant 0 : i32
      %add3A_883 = arith.addi %mul3A_881, %add3A_882 : i32
      %dma_start3A_884 = arith.constant 0 : i32
      %dma_start3A_885 = arith.constant 0 : i32
      %dma_start3A_886 = tpu.memref_slice %arg7[%dma_start3A_884, %dma_start3A_885] : memref<2000x16xf32, #tpu.memory_space<vmem>> -> memref<125x16xf32, #tpu.memory_space<vmem>>
      %dma_start3A_887 = arith.constant 0 : i32
      %dma_start3A_888 = tpu.memref_slice %arg5[%add3A_883, %dma_start3A_887] : memref<80x125xi32, #tpu.memory_space<vmem>> -> memref<1x125xi32, #tpu.memory_space<vmem>>
      %dma_start3A_889 = tpu.memref_squeeze %dma_start3A_888 : memref<1x125xi32, #tpu.memory_space<vmem>> -> memref<125xi32, #tpu.memory_space<vmem>>
      %dma_start3A_890 = arith.constant 0 : i32
      %dma_start3A_891 = arith.constant 0 : i32
      %dma_start3A_892 = tpu.memref_slice %arg9[%dma_start3A_890, %dma_start3A_891] : memref<10000x16xf32, #tpu.memory_space<vmem_shared>> -> memref<10000x16xf32, #tpu.memory_space<vmem_shared>>
      tpu.enqueue_indirect_dma source(%dma_start3A_886 : memref<125x16xf32, #tpu.memory_space<vmem>>) target(%dma_start3A_892 : memref<10000x16xf32, #tpu.memory_space<vmem_shared>>) offsets(%dma_start3A_889 : memref<125xi32, #tpu.memory_space<vmem>>) semaphore(%arg13 : memref<!tpu.dma_semaphore, #tpu.memory_space<semaphore_mem>>) {add = true}
      %mul3A_893 = arith.constant 16 : i32
      %mul3A_894 = arith.muli %add3A_852, %mul3A_893 : i32
      %add3A_895 = arith.constant 1 : i32
      %add3A_896 = arith.addi %mul3A_894, %add3A_895 : i32
      %dma_start3A_897 = arith.constant 125 : i32
      %dma_start3A_898 = arith.constant 0 : i32
      %dma_start3A_899 = tpu.memref_slice %arg7[%dma_start3A_897, %dma_start3A_898] : memref<2000x16xf32, #tpu.memory_space<vmem>> -> memref<125x16xf32, #tpu.memory_space<vmem>>
      %dma_start3A_900 = arith.constant 0 : i32
      %dma_start3A_901 = tpu.memref_slice %arg5[%add3A_896, %dma_start3A_900] : memref<80x125xi32, #tpu.memory_space<vmem>> -> memref<1x125xi32, #tpu.memory_space<vmem>>
      %dma_start3A_902 = tpu.memref_squeeze %dma_start3A_901 : memref<1x125xi32, #tpu.memory_space<vmem>> -> memref<125xi32, #tpu.memory_space<vmem>>
      %dma_start3A_903 = arith.constant 0 : i32
      %dma_start3A_904 = arith.constant 0 : i32
      %dma_start3A_905 = tpu.memref_slice %arg9[%dma_start3A_903, %dma_start3A_904] : memref<10000x16xf32, #tpu.memory_space<vmem_shared>> -> memref<10000x16xf32, #tpu.memory_space<vmem_shared>>
      tpu.enqueue_indirect_dma source(%dma_start3A_899 : memref<125x16xf32, #tpu.memory_space<vmem>>) target(%dma_start3A_905 : memref<10000x16xf32, #tpu.memory_space<vmem_shared>>) offsets(%dma_start3A_902 : memref<125xi32, #tpu.memory_space<vmem>>) semaphore(%arg13 : memref<!tpu.dma_semaphore, #tpu.memory_space<semaphore_mem>>) {add = true}
      %mul3A_906 = arith.constant 16 : i32
      %mul3A_907 = arith.muli %add3A_852, %mul3A_906 : i32
      %add3A_908 = arith.constant 2 : i32
      %add3A_909 = arith.addi %mul3A_907, %add3A_908 : i32
      %dma_start3A_910 = arith.constant 250 : i32
      %dma_start3A_911 = arith.constant 0 : i32
      %dma_start3A_912 = tpu.memref_slice %arg7[%dma_start3A_910, %dma_start3A_911] : memref<2000x16xf32, #tpu.memory_space<vmem>> -> memref<125x16xf32, #tpu.memory_space<vmem>>
      %dma_start3A_913 = arith.constant 0 : i32
      %dma_start3A_914 = tpu.memref_slice %arg5[%add3A_909, %dma_start3A_913] : memref<80x125xi32, #tpu.memory_space<vmem>> -> memref<1x125xi32, #tpu.memory_space<vmem>>
      %dma_start3A_915 = tpu.memref_squeeze %dma_start3A_914 : memref<1x125xi32, #tpu.memory_space<vmem>> -> memref<125xi32, #tpu.memory_space<vmem>>
      %dma_start3A_916 = arith.constant 0 : i32
      %dma_start3A_917 = arith.constant 0 : i32
      %dma_start3A_918 = tpu.memref_slice %arg9[%dma_start3A_916, %dma_start3A_917] : memref<10000x16xf32, #tpu.memory_space<vmem_shared>> -> memref<10000x16xf32, #tpu.memory_space<vmem_shared>>
      tpu.enqueue_indirect_dma source(%dma_start3A_912 : memref<125x16xf32, #tpu.memory_space<vmem>>) target(%dma_start3A_918 : memref<10000x16xf32, #tpu.memory_space<vmem_shared>>) offsets(%dma_start3A_915 : memref<125xi32, #tpu.memory_space<vmem>>) semaphore(%arg13 : memref<!tpu.dma_semaphore, #tpu.memory_space<semaphore_mem>>) {add = true}
      %mul3A_919 = arith.constant 16 : i32
      %mul3A_920 = arith.muli %add3A_852, %mul3A_919 : i32
      %add3A_921 = arith.constant 3 : i32
      %add3A_922 = arith.addi %mul3A_920, %add3A_921 : i32
      %dma_start3A_923 = arith.constant 375 : i32
      %dma_start3A_924 = arith.constant 0 : i32
      %dma_start3A_925 = tpu.memref_slice %arg7[%dma_start3A_923, %dma_start3A_924] : memref<2000x16xf32, #tpu.memory_space<vmem>> -> memref<125x16xf32, #tpu.memory_space<vmem>>
      %dma_start3A_926 = arith.constant 0 : i32
      %dma_start3A_927 = tpu.memref_slice %arg5[%add3A_922, %dma_start3A_926] : memref<80x125xi32, #tpu.memory_space<vmem>> -> memref<1x125xi32, #tpu.memory_space<vmem>>
      %dma_start3A_928 = tpu.memref_squeeze %dma_start3A_927 : memref<1x125xi32, #tpu.memory_space<vmem>> -> memref<125xi32, #tpu.memory_space<vmem>>
      %dma_start3A_929 = arith.constant 0 : i32
      %dma_start3A_930 = arith.constant 0 : i32
      %dma_start3A_931 = tpu.memref_slice %arg9[%dma_start3A_929, %dma_start3A_930] : memref<10000x16xf32, #tpu.memory_space<vmem_shared>> -> memref<10000x16xf32, #tpu.memory_space<vmem_shared>>
      tpu.enqueue_indirect_dma source(%dma_start3A_925 : memref<125x16xf32, #tpu.memory_space<vmem>>) target(%dma_start3A_931 : memref<10000x16xf32, #tpu.memory_space<vmem_shared>>) offsets(%dma_start3A_928 : memref<125xi32, #tpu.memory_space<vmem>>) semaphore(%arg13 : memref<!tpu.dma_semaphore, #tpu.memory_space<semaphore_mem>>) {add = true}
      %mul3A_932 = arith.constant 16 : i32
      %mul3A_933 = arith.muli %add3A_852, %mul3A_932 : i32
      %add3A_934 = arith.constant 4 : i32
      %add3A_935 = arith.addi %mul3A_933, %add3A_934 : i32
      %dma_start3A_936 = arith.constant 500 : i32
      %dma_start3A_937 = arith.constant 0 : i32
      %dma_start3A_938 = tpu.memref_slice %arg7[%dma_start3A_936, %dma_start3A_937] : memref<2000x16xf32, #tpu.memory_space<vmem>> -> memref<125x16xf32, #tpu.memory_space<vmem>>
      %dma_start3A_939 = arith.constant 0 : i32
      %dma_start3A_940 = tpu.memref_slice %arg5[%add3A_935, %dma_start3A_939] : memref<80x125xi32, #tpu.memory_space<vmem>> -> memref<1x125xi32, #tpu.memory_space<vmem>>
      %dma_start3A_941 = tpu.memref_squeeze %dma_start3A_940 : memref<1x125xi32, #tpu.memory_space<vmem>> -> memref<125xi32, #tpu.memory_space<vmem>>
      %dma_start3A_942 = arith.constant 0 : i32
      %dma_start3A_943 = arith.constant 0 : i32
      %dma_start3A_944 = tpu.memref_slice %arg9[%dma_start3A_942, %dma_start3A_943] : memref<10000x16xf32, #tpu.memory_space<vmem_shared>> -> memref<10000x16xf32, #tpu.memory_space<vmem_shared>>
      tpu.enqueue_indirect_dma source(%dma_start3A_938 : memref<125x16xf32, #tpu.memory_space<vmem>>) target(%dma_start3A_944 : memref<10000x16xf32, #tpu.memory_space<vmem_shared>>) offsets(%dma_start3A_941 : memref<125xi32, #tpu.memory_space<vmem>>) semaphore(%arg13 : memref<!tpu.dma_semaphore, #tpu.memory_space<semaphore_mem>>) {add = true}
      %mul3A_945 = arith.constant 16 : i32
      %mul3A_946 = arith.muli %add3A_852, %mul3A_945 : i32
      %add3A_947 = arith.constant 5 : i32
      %add3A_948 = arith.addi %mul3A_946, %add3A_947 : i32
      %dma_start3A_949 = arith.constant 625 : i32
      %dma_start3A_950 = arith.constant 0 : i32
      %dma_start3A_951 = tpu.memref_slice %arg7[%dma_start3A_949, %dma_start3A_950] : memref<2000x16xf32, #tpu.memory_space<vmem>> -> memref<125x16xf32, #tpu.memory_space<vmem>>
      %dma_start3A_952 = arith.constant 0 : i32
      %dma_start3A_953 = tpu.memref_slice %arg5[%add3A_948, %dma_start3A_952] : memref<80x125xi32, #tpu.memory_space<vmem>> -> memref<1x125xi32, #tpu.memory_space<vmem>>
      %dma_start3A_954 = tpu.memref_squeeze %dma_start3A_953 : memref<1x125xi32, #tpu.memory_space<vmem>> -> memref<125xi32, #tpu.memory_space<vmem>>
      %dma_start3A_955 = arith.constant 0 : i32
      %dma_start3A_956 = arith.constant 0 : i32
      %dma_start3A_957 = tpu.memref_slice %arg9[%dma_start3A_955, %dma_start3A_956] : memref<10000x16xf32, #tpu.memory_space<vmem_shared>> -> memref<10000x16xf32, #tpu.memory_space<vmem_shared>>
      tpu.enqueue_indirect_dma source(%dma_start3A_951 : memref<125x16xf32, #tpu.memory_space<vmem>>) target(%dma_start3A_957 : memref<10000x16xf32, #tpu.memory_space<vmem_shared>>) offsets(%dma_start3A_954 : memref<125xi32, #tpu.memory_space<vmem>>) semaphore(%arg13 : memref<!tpu.dma_semaphore, #tpu.memory_space<semaphore_mem>>) {add = true}
      %mul3A_958 = arith.constant 16 : i32
      %mul3A_959 = arith.muli %add3A_852, %mul3A_958 : i32
      %add3A_960 = arith.constant 6 : i32
      %add3A_961 = arith.addi %mul3A_959, %add3A_960 : i32
      %dma_start3A_962 = arith.constant 750 : i32
      %dma_start3A_963 = arith.constant 0 : i32
      %dma_start3A_964 = tpu.memref_slice %arg7[%dma_start3A_962, %dma_start3A_963] : memref<2000x16xf32, #tpu.memory_space<vmem>> -> memref<125x16xf32, #tpu.memory_space<vmem>>
      %dma_start3A_965 = arith.constant 0 : i32
      %dma_start3A_966 = tpu.memref_slice %arg5[%add3A_961, %dma_start3A_965] : memref<80x125xi32, #tpu.memory_space<vmem>> -> memref<1x125xi32, #tpu.memory_space<vmem>>
      %dma_start3A_967 = tpu.memref_squeeze %dma_start3A_966 : memref<1x125xi32, #tpu.memory_space<vmem>> -> memref<125xi32, #tpu.memory_space<vmem>>
      %dma_start3A_968 = arith.constant 0 : i32
      %dma_start3A_969 = arith.constant 0 : i32
      %dma_start3A_970 = tpu.memref_slice %arg9[%dma_start3A_968, %dma_start3A_969] : memref<10000x16xf32, #tpu.memory_space<vmem_shared>> -> memref<10000x16xf32, #tpu.memory_space<vmem_shared>>
      tpu.enqueue_indirect_dma source(%dma_start3A_964 : memref<125x16xf32, #tpu.memory_space<vmem>>) target(%dma_start3A_970 : memref<10000x16xf32, #tpu.memory_space<vmem_shared>>) offsets(%dma_start3A_967 : memref<125xi32, #tpu.memory_space<vmem>>) semaphore(%arg13 : memref<!tpu.dma_semaphore, #tpu.memory_space<semaphore_mem>>) {add = true}
      %mul3A_971 = arith.constant 16 : i32
      %mul3A_972 = arith.muli %add3A_852, %mul3A_971 : i32
      %add3A_973 = arith.constant 7 : i32
      %add3A_974 = arith.addi %mul3A_972, %add3A_973 : i32
      %dma_start3A_975 = arith.constant 875 : i32
      %dma_start3A_976 = arith.constant 0 : i32
      %dma_start3A_977 = tpu.memref_slice %arg7[%dma_start3A_975, %dma_start3A_976] : memref<2000x16xf32, #tpu.memory_space<vmem>> -> memref<125x16xf32, #tpu.memory_space<vmem>>
      %dma_start3A_978 = arith.constant 0 : i32
      %dma_start3A_979 = tpu.memref_slice %arg5[%add3A_974, %dma_start3A_978] : memref<80x125xi32, #tpu.memory_space<vmem>> -> memref<1x125xi32, #tpu.memory_space<vmem>>
      %dma_start3A_980 = tpu.memref_squeeze %dma_start3A_979 : memref<1x125xi32, #tpu.memory_space<vmem>> -> memref<125xi32, #tpu.memory_space<vmem>>
      %dma_start3A_981 = arith.constant 0 : i32
      %dma_start3A_982 = arith.constant 0 : i32
      %dma_start3A_983 = tpu.memref_slice %arg9[%dma_start3A_981, %dma_start3A_982] : memref<10000x16xf32, #tpu.memory_space<vmem_shared>> -> memref<10000x16xf32, #tpu.memory_space<vmem_shared>>
      tpu.enqueue_indirect_dma source(%dma_start3A_977 : memref<125x16xf32, #tpu.memory_space<vmem>>) target(%dma_start3A_983 : memref<10000x16xf32, #tpu.memory_space<vmem_shared>>) offsets(%dma_start3A_980 : memref<125xi32, #tpu.memory_space<vmem>>) semaphore(%arg13 : memref<!tpu.dma_semaphore, #tpu.memory_space<semaphore_mem>>) {add = true}
      %mul3A_984 = arith.constant 16 : i32
      %mul3A_985 = arith.muli %add3A_852, %mul3A_984 : i32
      %add3A_986 = arith.constant 8 : i32
      %add3A_987 = arith.addi %mul3A_985, %add3A_986 : i32
      %dma_start3A_988 = arith.constant 1000 : i32
      %dma_start3A_989 = arith.constant 0 : i32
      %dma_start3A_990 = tpu.memref_slice %arg7[%dma_start3A_988, %dma_start3A_989] : memref<2000x16xf32, #tpu.memory_space<vmem>> -> memref<125x16xf32, #tpu.memory_space<vmem>>
      %dma_start3A_991 = arith.constant 0 : i32
      %dma_start3A_992 = tpu.memref_slice %arg5[%add3A_987, %dma_start3A_991] : memref<80x125xi32, #tpu.memory_space<vmem>> -> memref<1x125xi32, #tpu.memory_space<vmem>>
      %dma_start3A_993 = tpu.memref_squeeze %dma_start3A_992 : memref<1x125xi32, #tpu.memory_space<vmem>> -> memref<125xi32, #tpu.memory_space<vmem>>
      %dma_start3A_994 = arith.constant 0 : i32
      %dma_start3A_995 = arith.constant 0 : i32
      %dma_start3A_996 = tpu.memref_slice %arg9[%dma_start3A_994, %dma_start3A_995] : memref<10000x16xf32, #tpu.memory_space<vmem_shared>> -> memref<10000x16xf32, #tpu.memory_space<vmem_shared>>
      tpu.enqueue_indirect_dma source(%dma_start3A_990 : memref<125x16xf32, #tpu.memory_space<vmem>>) target(%dma_start3A_996 : memref<10000x16xf32, #tpu.memory_space<vmem_shared>>) offsets(%dma_start3A_993 : memref<125xi32, #tpu.memory_space<vmem>>) semaphore(%arg13 : memref<!tpu.dma_semaphore, #tpu.memory_space<semaphore_mem>>) {add = true}
      %mul3A_997 = arith.constant 16 : i32
      %mul3A_998 = arith.muli %add3A_852, %mul3A_997 : i32
      %add3A_999 = arith.constant 9 : i32
      %add3A_1000 = arith.addi %mul3A_998, %add3A_999 : i32
      %dma_start3A_1001 = arith.constant 1125 : i32
      %dma_start3A_1002 = arith.constant 0 : i32
      %dma_start3A_1003 = tpu.memref_slice %arg7[%dma_start3A_1001, %dma_start3A_1002] : memref<2000x16xf32, #tpu.memory_space<vmem>> -> memref<125x16xf32, #tpu.memory_space<vmem>>
      %dma_start3A_1004 = arith.constant 0 : i32
      %dma_start3A_1005 = tpu.memref_slice %arg5[%add3A_1000, %dma_start3A_1004] : memref<80x125xi32, #tpu.memory_space<vmem>> -> memref<1x125xi32, #tpu.memory_space<vmem>>
      %dma_start3A_1006 = tpu.memref_squeeze %dma_start3A_1005 : memref<1x125xi32, #tpu.memory_space<vmem>> -> memref<125xi32, #tpu.memory_space<vmem>>
      %dma_start3A_1007 = arith.constant 0 : i32
      %dma_start3A_1008 = arith.constant 0 : i32
      %dma_start3A_1009 = tpu.memref_slice %arg9[%dma_start3A_1007, %dma_start3A_1008] : memref<10000x16xf32, #tpu.memory_space<vmem_shared>> -> memref<10000x16xf32, #tpu.memory_space<vmem_shared>>
      tpu.enqueue_indirect_dma source(%dma_start3A_1003 : memref<125x16xf32, #tpu.memory_space<vmem>>) target(%dma_start3A_1009 : memref<10000x16xf32, #tpu.memory_space<vmem_shared>>) offsets(%dma_start3A_1006 : memref<125xi32, #tpu.memory_space<vmem>>) semaphore(%arg13 : memref<!tpu.dma_semaphore, #tpu.memory_space<semaphore_mem>>) {add = true}
      %mul3A_1010 = arith.constant 16 : i32
      %mul3A_1011 = arith.muli %add3A_852, %mul3A_1010 : i32
      %add3A_1012 = arith.constant 10 : i32
      %add3A_1013 = arith.addi %mul3A_1011, %add3A_1012 : i32
      %dma_start3A_1014 = arith.constant 1250 : i32
      %dma_start3A_1015 = arith.constant 0 : i32
      %dma_start3A_1016 = tpu.memref_slice %arg7[%dma_start3A_1014, %dma_start3A_1015] : memref<2000x16xf32, #tpu.memory_space<vmem>> -> memref<125x16xf32, #tpu.memory_space<vmem>>
      %dma_start3A_1017 = arith.constant 0 : i32
      %dma_start3A_1018 = tpu.memref_slice %arg5[%add3A_1013, %dma_start3A_1017] : memref<80x125xi32, #tpu.memory_space<vmem>> -> memref<1x125xi32, #tpu.memory_space<vmem>>
      %dma_start3A_1019 = tpu.memref_squeeze %dma_start3A_1018 : memref<1x125xi32, #tpu.memory_space<vmem>> -> memref<125xi32, #tpu.memory_space<vmem>>
      %dma_start3A_1020 = arith.constant 0 : i32
      %dma_start3A_1021 = arith.constant 0 : i32
      %dma_start3A_1022 = tpu.memref_slice %arg9[%dma_start3A_1020, %dma_start3A_1021] : memref<10000x16xf32, #tpu.memory_space<vmem_shared>> -> memref<10000x16xf32, #tpu.memory_space<vmem_shared>>
      tpu.enqueue_indirect_dma source(%dma_start3A_1016 : memref<125x16xf32, #tpu.memory_space<vmem>>) target(%dma_start3A_1022 : memref<10000x16xf32, #tpu.memory_space<vmem_shared>>) offsets(%dma_start3A_1019 : memref<125xi32, #tpu.memory_space<vmem>>) semaphore(%arg13 : memref<!tpu.dma_semaphore, #tpu.memory_space<semaphore_mem>>) {add = true}
      %mul3A_1023 = arith.constant 16 : i32
      %mul3A_1024 = arith.muli %add3A_852, %mul3A_1023 : i32
      %add3A_1025 = arith.constant 11 : i32
      %add3A_1026 = arith.addi %mul3A_1024, %add3A_1025 : i32
      %dma_start3A_1027 = arith.constant 1375 : i32
      %dma_start3A_1028 = arith.constant 0 : i32
      %dma_start3A_1029 = tpu.memref_slice %arg7[%dma_start3A_1027, %dma_start3A_1028] : memref<2000x16xf32, #tpu.memory_space<vmem>> -> memref<125x16xf32, #tpu.memory_space<vmem>>
      %dma_start3A_1030 = arith.constant 0 : i32
      %dma_start3A_1031 = tpu.memref_slice %arg5[%add3A_1026, %dma_start3A_1030] : memref<80x125xi32, #tpu.memory_space<vmem>> -> memref<1x125xi32, #tpu.memory_space<vmem>>
      %dma_start3A_1032 = tpu.memref_squeeze %dma_start3A_1031 : memref<1x125xi32, #tpu.memory_space<vmem>> -> memref<125xi32, #tpu.memory_space<vmem>>
      %dma_start3A_1033 = arith.constant 0 : i32
      %dma_start3A_1034 = arith.constant 0 : i32
      %dma_start3A_1035 = tpu.memref_slice %arg9[%dma_start3A_1033, %dma_start3A_1034] : memref<10000x16xf32, #tpu.memory_space<vmem_shared>> -> memref<10000x16xf32, #tpu.memory_space<vmem_shared>>
      tpu.enqueue_indirect_dma source(%dma_start3A_1029 : memref<125x16xf32, #tpu.memory_space<vmem>>) target(%dma_start3A_1035 : memref<10000x16xf32, #tpu.memory_space<vmem_shared>>) offsets(%dma_start3A_1032 : memref<125xi32, #tpu.memory_space<vmem>>) semaphore(%arg13 : memref<!tpu.dma_semaphore, #tpu.memory_space<semaphore_mem>>) {add = true}
      %mul3A_1036 = arith.constant 16 : i32
      %mul3A_1037 = arith.muli %add3A_852, %mul3A_1036 : i32
      %add3A_1038 = arith.constant 12 : i32
      %add3A_1039 = arith.addi %mul3A_1037, %add3A_1038 : i32
      %dma_start3A_1040 = arith.constant 1500 : i32
      %dma_start3A_1041 = arith.constant 0 : i32
      %dma_start3A_1042 = tpu.memref_slice %arg7[%dma_start3A_1040, %dma_start3A_1041] : memref<2000x16xf32, #tpu.memory_space<vmem>> -> memref<125x16xf32, #tpu.memory_space<vmem>>
      %dma_start3A_1043 = arith.constant 0 : i32
      %dma_start3A_1044 = tpu.memref_slice %arg5[%add3A_1039, %dma_start3A_1043] : memref<80x125xi32, #tpu.memory_space<vmem>> -> memref<1x125xi32, #tpu.memory_space<vmem>>
      %dma_start3A_1045 = tpu.memref_squeeze %dma_start3A_1044 : memref<1x125xi32, #tpu.memory_space<vmem>> -> memref<125xi32, #tpu.memory_space<vmem>>
      %dma_start3A_1046 = arith.constant 0 : i32
      %dma_start3A_1047 = arith.constant 0 : i32
      %dma_start3A_1048 = tpu.memref_slice %arg9[%dma_start3A_1046, %dma_start3A_1047] : memref<10000x16xf32, #tpu.memory_space<vmem_shared>> -> memref<10000x16xf32, #tpu.memory_space<vmem_shared>>
      tpu.enqueue_indirect_dma source(%dma_start3A_1042 : memref<125x16xf32, #tpu.memory_space<vmem>>) target(%dma_start3A_1048 : memref<10000x16xf32, #tpu.memory_space<vmem_shared>>) offsets(%dma_start3A_1045 : memref<125xi32, #tpu.memory_space<vmem>>) semaphore(%arg13 : memref<!tpu.dma_semaphore, #tpu.memory_space<semaphore_mem>>) {add = true}
      %mul3A_1049 = arith.constant 16 : i32
      %mul3A_1050 = arith.muli %add3A_852, %mul3A_1049 : i32
      %add3A_1051 = arith.constant 13 : i32
      %add3A_1052 = arith.addi %mul3A_1050, %add3A_1051 : i32
      %dma_start3A_1053 = arith.constant 1625 : i32
      %dma_start3A_1054 = arith.constant 0 : i32
      %dma_start3A_1055 = tpu.memref_slice %arg7[%dma_start3A_1053, %dma_start3A_1054] : memref<2000x16xf32, #tpu.memory_space<vmem>> -> memref<125x16xf32, #tpu.memory_space<vmem>>
      %dma_start3A_1056 = arith.constant 0 : i32
      %dma_start3A_1057 = tpu.memref_slice %arg5[%add3A_1052, %dma_start3A_1056] : memref<80x125xi32, #tpu.memory_space<vmem>> -> memref<1x125xi32, #tpu.memory_space<vmem>>
      %dma_start3A_1058 = tpu.memref_squeeze %dma_start3A_1057 : memref<1x125xi32, #tpu.memory_space<vmem>> -> memref<125xi32, #tpu.memory_space<vmem>>
      %dma_start3A_1059 = arith.constant 0 : i32
      %dma_start3A_1060 = arith.constant 0 : i32
      %dma_start3A_1061 = tpu.memref_slice %arg9[%dma_start3A_1059, %dma_start3A_1060] : memref<10000x16xf32, #tpu.memory_space<vmem_shared>> -> memref<10000x16xf32, #tpu.memory_space<vmem_shared>>
      tpu.enqueue_indirect_dma source(%dma_start3A_1055 : memref<125x16xf32, #tpu.memory_space<vmem>>) target(%dma_start3A_1061 : memref<10000x16xf32, #tpu.memory_space<vmem_shared>>) offsets(%dma_start3A_1058 : memref<125xi32, #tpu.memory_space<vmem>>) semaphore(%arg13 : memref<!tpu.dma_semaphore, #tpu.memory_space<semaphore_mem>>) {add = true}
      %mul3A_1062 = arith.constant 16 : i32
      %mul3A_1063 = arith.muli %add3A_852, %mul3A_1062 : i32
      %add3A_1064 = arith.constant 14 : i32
      %add3A_1065 = arith.addi %mul3A_1063, %add3A_1064 : i32
      %dma_start3A_1066 = arith.constant 1750 : i32
      %dma_start3A_1067 = arith.constant 0 : i32
      %dma_start3A_1068 = tpu.memref_slice %arg7[%dma_start3A_1066, %dma_start3A_1067] : memref<2000x16xf32, #tpu.memory_space<vmem>> -> memref<125x16xf32, #tpu.memory_space<vmem>>
      %dma_start3A_1069 = arith.constant 0 : i32
      %dma_start3A_1070 = tpu.memref_slice %arg5[%add3A_1065, %dma_start3A_1069] : memref<80x125xi32, #tpu.memory_space<vmem>> -> memref<1x125xi32, #tpu.memory_space<vmem>>
      %dma_start3A_1071 = tpu.memref_squeeze %dma_start3A_1070 : memref<1x125xi32, #tpu.memory_space<vmem>> -> memref<125xi32, #tpu.memory_space<vmem>>
      %dma_start3A_1072 = arith.constant 0 : i32
      %dma_start3A_1073 = arith.constant 0 : i32
      %dma_start3A_1074 = tpu.memref_slice %arg9[%dma_start3A_1072, %dma_start3A_1073] : memref<10000x16xf32, #tpu.memory_space<vmem_shared>> -> memref<10000x16xf32, #tpu.memory_space<vmem_shared>>
      tpu.enqueue_indirect_dma source(%dma_start3A_1068 : memref<125x16xf32, #tpu.memory_space<vmem>>) target(%dma_start3A_1074 : memref<10000x16xf32, #tpu.memory_space<vmem_shared>>) offsets(%dma_start3A_1071 : memref<125xi32, #tpu.memory_space<vmem>>) semaphore(%arg13 : memref<!tpu.dma_semaphore, #tpu.memory_space<semaphore_mem>>) {add = true}
      %mul3A_1075 = arith.constant 16 : i32
      %mul3A_1076 = arith.muli %add3A_852, %mul3A_1075 : i32
      %add3A_1077 = arith.constant 15 : i32
      %add3A_1078 = arith.addi %mul3A_1076, %add3A_1077 : i32
      %dma_start3A_1079 = arith.constant 1875 : i32
      %dma_start3A_1080 = arith.constant 0 : i32
      %dma_start3A_1081 = tpu.memref_slice %arg7[%dma_start3A_1079, %dma_start3A_1080] : memref<2000x16xf32, #tpu.memory_space<vmem>> -> memref<125x16xf32, #tpu.memory_space<vmem>>
      %dma_start3A_1082 = arith.constant 0 : i32
      %dma_start3A_1083 = tpu.memref_slice %arg5[%add3A_1078, %dma_start3A_1082] : memref<80x125xi32, #tpu.memory_space<vmem>> -> memref<1x125xi32, #tpu.memory_space<vmem>>
      %dma_start3A_1084 = tpu.memref_squeeze %dma_start3A_1083 : memref<1x125xi32, #tpu.memory_space<vmem>> -> memref<125xi32, #tpu.memory_space<vmem>>
      %dma_start3A_1085 = arith.constant 0 : i32
      %dma_start3A_1086 = arith.constant 0 : i32
      %dma_start3A_1087 = tpu.memref_slice %arg9[%dma_start3A_1085, %dma_start3A_1086] : memref<10000x16xf32, #tpu.memory_space<vmem_shared>> -> memref<10000x16xf32, #tpu.memory_space<vmem_shared>>
      tpu.enqueue_indirect_dma source(%dma_start3A_1081 : memref<125x16xf32, #tpu.memory_space<vmem>>) target(%dma_start3A_1087 : memref<10000x16xf32, #tpu.memory_space<vmem_shared>>) offsets(%dma_start3A_1084 : memref<125xi32, #tpu.memory_space<vmem>>) semaphore(%arg13 : memref<!tpu.dma_semaphore, #tpu.memory_space<semaphore_mem>>) {add = true}
      %mul3A_1088 = arith.constant 16 : i32
      %mul3A_1089 = arith.muli %add3A_852, %mul3A_1088 : i32
      %add3A_1090 = arith.constant 0 : i32
      %add3A_1091 = arith.addi %mul3A_1089, %add3A_1090 : i32
      %dma_wait3A_1092 = arith.constant 0 : i32
      %dma_wait3A_1093 = arith.constant 0 : i32
      %dma_wait3A_1094 = tpu.memref_slice %arg7[%dma_wait3A_1092, %dma_wait3A_1093] : memref<2000x16xf32, #tpu.memory_space<vmem>> -> memref<125x16xf32, #tpu.memory_space<vmem>>
      %dma_wait3A_1095 = arith.constant 0 : i32
      %dma_wait3A_1096 = tpu.memref_slice %arg5[%add3A_1091, %dma_wait3A_1095] : memref<80x125xi32, #tpu.memory_space<vmem>> -> memref<1x125xi32, #tpu.memory_space<vmem>>
      %dma_wait3A_1097 = tpu.memref_squeeze %dma_wait3A_1096 : memref<1x125xi32, #tpu.memory_space<vmem>> -> memref<125xi32, #tpu.memory_space<vmem>>
      %dma_wait3A_1098 = arith.constant 0 : i32
      %dma_wait3A_1099 = arith.constant 0 : i32
      %dma_wait3A_1100 = tpu.memref_slice %arg9[%dma_wait3A_1098, %dma_wait3A_1099] : memref<10000x16xf32, #tpu.memory_space<vmem_shared>> -> memref<10000x16xf32, #tpu.memory_space<vmem_shared>>
      tpu.wait_indirect_dma semaphore(%arg13 : memref<!tpu.dma_semaphore, #tpu.memory_space<semaphore_mem>>) src(%dma_wait3A_1094 : memref<125x16xf32, #tpu.memory_space<vmem>>) dst(%dma_wait3A_1100 : memref<10000x16xf32, #tpu.memory_space<vmem_shared>>)
      %mul3A_1101 = arith.constant 16 : i32
      %mul3A_1102 = arith.muli %add3A_852, %mul3A_1101 : i32
      %add3A_1103 = arith.constant 1 : i32
      %add3A_1104 = arith.addi %mul3A_1102, %add3A_1103 : i32
      %dma_wait3A_1105 = arith.constant 125 : i32
      %dma_wait3A_1106 = arith.constant 0 : i32
      %dma_wait3A_1107 = tpu.memref_slice %arg7[%dma_wait3A_1105, %dma_wait3A_1106] : memref<2000x16xf32, #tpu.memory_space<vmem>> -> memref<125x16xf32, #tpu.memory_space<vmem>>
      %dma_wait3A_1108 = arith.constant 0 : i32
      %dma_wait3A_1109 = tpu.memref_slice %arg5[%add3A_1104, %dma_wait3A_1108] : memref<80x125xi32, #tpu.memory_space<vmem>> -> memref<1x125xi32, #tpu.memory_space<vmem>>
      %dma_wait3A_1110 = tpu.memref_squeeze %dma_wait3A_1109 : memref<1x125xi32, #tpu.memory_space<vmem>> -> memref<125xi32, #tpu.memory_space<vmem>>
      %dma_wait3A_1111 = arith.constant 0 : i32
      %dma_wait3A_1112 = arith.constant 0 : i32
      %dma_wait3A_1113 = tpu.memref_slice %arg9[%dma_wait3A_1111, %dma_wait3A_1112] : memref<10000x16xf32, #tpu.memory_space<vmem_shared>> -> memref<10000x16xf32, #tpu.memory_space<vmem_shared>>
      tpu.wait_indirect_dma semaphore(%arg13 : memref<!tpu.dma_semaphore, #tpu.memory_space<semaphore_mem>>) src(%dma_wait3A_1107 : memref<125x16xf32, #tpu.memory_space<vmem>>) dst(%dma_wait3A_1113 : memref<10000x16xf32, #tpu.memory_space<vmem_shared>>)
      %mul3A_1114 = arith.constant 16 : i32
      %mul3A_1115 = arith.muli %add3A_852, %mul3A_1114 : i32
      %add3A_1116 = arith.constant 2 : i32
      %add3A_1117 = arith.addi %mul3A_1115, %add3A_1116 : i32
      %dma_wait3A_1118 = arith.constant 250 : i32
      %dma_wait3A_1119 = arith.constant 0 : i32
      %dma_wait3A_1120 = tpu.memref_slice %arg7[%dma_wait3A_1118, %dma_wait3A_1119] : memref<2000x16xf32, #tpu.memory_space<vmem>> -> memref<125x16xf32, #tpu.memory_space<vmem>>
      %dma_wait3A_1121 = arith.constant 0 : i32
      %dma_wait3A_1122 = tpu.memref_slice %arg5[%add3A_1117, %dma_wait3A_1121] : memref<80x125xi32, #tpu.memory_space<vmem>> -> memref<1x125xi32, #tpu.memory_space<vmem>>
      %dma_wait3A_1123 = tpu.memref_squeeze %dma_wait3A_1122 : memref<1x125xi32, #tpu.memory_space<vmem>> -> memref<125xi32, #tpu.memory_space<vmem>>
      %dma_wait3A_1124 = arith.constant 0 : i32
      %dma_wait3A_1125 = arith.constant 0 : i32
      %dma_wait3A_1126 = tpu.memref_slice %arg9[%dma_wait3A_1124, %dma_wait3A_1125] : memref<10000x16xf32, #tpu.memory_space<vmem_shared>> -> memref<10000x16xf32, #tpu.memory_space<vmem_shared>>
      tpu.wait_indirect_dma semaphore(%arg13 : memref<!tpu.dma_semaphore, #tpu.memory_space<semaphore_mem>>) src(%dma_wait3A_1120 : memref<125x16xf32, #tpu.memory_space<vmem>>) dst(%dma_wait3A_1126 : memref<10000x16xf32, #tpu.memory_space<vmem_shared>>)
      %mul3A_1127 = arith.constant 16 : i32
      %mul3A_1128 = arith.muli %add3A_852, %mul3A_1127 : i32
      %add3A_1129 = arith.constant 3 : i32
      %add3A_1130 = arith.addi %mul3A_1128, %add3A_1129 : i32
      %dma_wait3A_1131 = arith.constant 375 : i32
      %dma_wait3A_1132 = arith.constant 0 : i32
      %dma_wait3A_1133 = tpu.memref_slice %arg7[%dma_wait3A_1131, %dma_wait3A_1132] : memref<2000x16xf32, #tpu.memory_space<vmem>> -> memref<125x16xf32, #tpu.memory_space<vmem>>
      %dma_wait3A_1134 = arith.constant 0 : i32
      %dma_wait3A_1135 = tpu.memref_slice %arg5[%add3A_1130, %dma_wait3A_1134] : memref<80x125xi32, #tpu.memory_space<vmem>> -> memref<1x125xi32, #tpu.memory_space<vmem>>
      %dma_wait3A_1136 = tpu.memref_squeeze %dma_wait3A_1135 : memref<1x125xi32, #tpu.memory_space<vmem>> -> memref<125xi32, #tpu.memory_space<vmem>>
      %dma_wait3A_1137 = arith.constant 0 : i32
      %dma_wait3A_1138 = arith.constant 0 : i32
      %dma_wait3A_1139 = tpu.memref_slice %arg9[%dma_wait3A_1137, %dma_wait3A_1138] : memref<10000x16xf32, #tpu.memory_space<vmem_shared>> -> memref<10000x16xf32, #tpu.memory_space<vmem_shared>>
      tpu.wait_indirect_dma semaphore(%arg13 : memref<!tpu.dma_semaphore, #tpu.memory_space<semaphore_mem>>) src(%dma_wait3A_1133 : memref<125x16xf32, #tpu.memory_space<vmem>>) dst(%dma_wait3A_1139 : memref<10000x16xf32, #tpu.memory_space<vmem_shared>>)
      %mul3A_1140 = arith.constant 16 : i32
      %mul3A_1141 = arith.muli %add3A_852, %mul3A_1140 : i32
      %add3A_1142 = arith.constant 4 : i32
      %add3A_1143 = arith.addi %mul3A_1141, %add3A_1142 : i32
      %dma_wait3A_1144 = arith.constant 500 : i32
      %dma_wait3A_1145 = arith.constant 0 : i32
      %dma_wait3A_1146 = tpu.memref_slice %arg7[%dma_wait3A_1144, %dma_wait3A_1145] : memref<2000x16xf32, #tpu.memory_space<vmem>> -> memref<125x16xf32, #tpu.memory_space<vmem>>
      %dma_wait3A_1147 = arith.constant 0 : i32
      %dma_wait3A_1148 = tpu.memref_slice %arg5[%add3A_1143, %dma_wait3A_1147] : memref<80x125xi32, #tpu.memory_space<vmem>> -> memref<1x125xi32, #tpu.memory_space<vmem>>
      %dma_wait3A_1149 = tpu.memref_squeeze %dma_wait3A_1148 : memref<1x125xi32, #tpu.memory_space<vmem>> -> memref<125xi32, #tpu.memory_space<vmem>>
      %dma_wait3A_1150 = arith.constant 0 : i32
      %dma_wait3A_1151 = arith.constant 0 : i32
      %dma_wait3A_1152 = tpu.memref_slice %arg9[%dma_wait3A_1150, %dma_wait3A_1151] : memref<10000x16xf32, #tpu.memory_space<vmem_shared>> -> memref<10000x16xf32, #tpu.memory_space<vmem_shared>>
      tpu.wait_indirect_dma semaphore(%arg13 : memref<!tpu.dma_semaphore, #tpu.memory_space<semaphore_mem>>) src(%dma_wait3A_1146 : memref<125x16xf32, #tpu.memory_space<vmem>>) dst(%dma_wait3A_1152 : memref<10000x16xf32, #tpu.memory_space<vmem_shared>>)
      %mul3A_1153 = arith.constant 16 : i32
      %mul3A_1154 = arith.muli %add3A_852, %mul3A_1153 : i32
      %add3A_1155 = arith.constant 5 : i32
      %add3A_1156 = arith.addi %mul3A_1154, %add3A_1155 : i32
      %dma_wait3A_1157 = arith.constant 625 : i32
      %dma_wait3A_1158 = arith.constant 0 : i32
      %dma_wait3A_1159 = tpu.memref_slice %arg7[%dma_wait3A_1157, %dma_wait3A_1158] : memref<2000x16xf32, #tpu.memory_space<vmem>> -> memref<125x16xf32, #tpu.memory_space<vmem>>
      %dma_wait3A_1160 = arith.constant 0 : i32
      %dma_wait3A_1161 = tpu.memref_slice %arg5[%add3A_1156, %dma_wait3A_1160] : memref<80x125xi32, #tpu.memory_space<vmem>> -> memref<1x125xi32, #tpu.memory_space<vmem>>
      %dma_wait3A_1162 = tpu.memref_squeeze %dma_wait3A_1161 : memref<1x125xi32, #tpu.memory_space<vmem>> -> memref<125xi32, #tpu.memory_space<vmem>>
      %dma_wait3A_1163 = arith.constant 0 : i32
      %dma_wait3A_1164 = arith.constant 0 : i32
      %dma_wait3A_1165 = tpu.memref_slice %arg9[%dma_wait3A_1163, %dma_wait3A_1164] : memref<10000x16xf32, #tpu.memory_space<vmem_shared>> -> memref<10000x16xf32, #tpu.memory_space<vmem_shared>>
      tpu.wait_indirect_dma semaphore(%arg13 : memref<!tpu.dma_semaphore, #tpu.memory_space<semaphore_mem>>) src(%dma_wait3A_1159 : memref<125x16xf32, #tpu.memory_space<vmem>>) dst(%dma_wait3A_1165 : memref<10000x16xf32, #tpu.memory_space<vmem_shared>>)
      %mul3A_1166 = arith.constant 16 : i32
      %mul3A_1167 = arith.muli %add3A_852, %mul3A_1166 : i32
      %add3A_1168 = arith.constant 6 : i32
      %add3A_1169 = arith.addi %mul3A_1167, %add3A_1168 : i32
      %dma_wait3A_1170 = arith.constant 750 : i32
      %dma_wait3A_1171 = arith.constant 0 : i32
      %dma_wait3A_1172 = tpu.memref_slice %arg7[%dma_wait3A_1170, %dma_wait3A_1171] : memref<2000x16xf32, #tpu.memory_space<vmem>> -> memref<125x16xf32, #tpu.memory_space<vmem>>
      %dma_wait3A_1173 = arith.constant 0 : i32
      %dma_wait3A_1174 = tpu.memref_slice %arg5[%add3A_1169, %dma_wait3A_1173] : memref<80x125xi32, #tpu.memory_space<vmem>> -> memref<1x125xi32, #tpu.memory_space<vmem>>
      %dma_wait3A_1175 = tpu.memref_squeeze %dma_wait3A_1174 : memref<1x125xi32, #tpu.memory_space<vmem>> -> memref<125xi32, #tpu.memory_space<vmem>>
      %dma_wait3A_1176 = arith.constant 0 : i32
      %dma_wait3A_1177 = arith.constant 0 : i32
      %dma_wait3A_1178 = tpu.memref_slice %arg9[%dma_wait3A_1176, %dma_wait3A_1177] : memref<10000x16xf32, #tpu.memory_space<vmem_shared>> -> memref<10000x16xf32, #tpu.memory_space<vmem_shared>>
      tpu.wait_indirect_dma semaphore(%arg13 : memref<!tpu.dma_semaphore, #tpu.memory_space<semaphore_mem>>) src(%dma_wait3A_1172 : memref<125x16xf32, #tpu.memory_space<vmem>>) dst(%dma_wait3A_1178 : memref<10000x16xf32, #tpu.memory_space<vmem_shared>>)
      %mul3A_1179 = arith.constant 16 : i32
      %mul3A_1180 = arith.muli %add3A_852, %mul3A_1179 : i32
      %add3A_1181 = arith.constant 7 : i32
      %add3A_1182 = arith.addi %mul3A_1180, %add3A_1181 : i32
      %dma_wait3A_1183 = arith.constant 875 : i32
      %dma_wait3A_1184 = arith.constant 0 : i32
      %dma_wait3A_1185 = tpu.memref_slice %arg7[%dma_wait3A_1183, %dma_wait3A_1184] : memref<2000x16xf32, #tpu.memory_space<vmem>> -> memref<125x16xf32, #tpu.memory_space<vmem>>
      %dma_wait3A_1186 = arith.constant 0 : i32
      %dma_wait3A_1187 = tpu.memref_slice %arg5[%add3A_1182, %dma_wait3A_1186] : memref<80x125xi32, #tpu.memory_space<vmem>> -> memref<1x125xi32, #tpu.memory_space<vmem>>
      %dma_wait3A_1188 = tpu.memref_squeeze %dma_wait3A_1187 : memref<1x125xi32, #tpu.memory_space<vmem>> -> memref<125xi32, #tpu.memory_space<vmem>>
      %dma_wait3A_1189 = arith.constant 0 : i32
      %dma_wait3A_1190 = arith.constant 0 : i32
      %dma_wait3A_1191 = tpu.memref_slice %arg9[%dma_wait3A_1189, %dma_wait3A_1190] : memref<10000x16xf32, #tpu.memory_space<vmem_shared>> -> memref<10000x16xf32, #tpu.memory_space<vmem_shared>>
      tpu.wait_indirect_dma semaphore(%arg13 : memref<!tpu.dma_semaphore, #tpu.memory_space<semaphore_mem>>) src(%dma_wait3A_1185 : memref<125x16xf32, #tpu.memory_space<vmem>>) dst(%dma_wait3A_1191 : memref<10000x16xf32, #tpu.memory_space<vmem_shared>>)
      %mul3A_1192 = arith.constant 16 : i32
      %mul3A_1193 = arith.muli %add3A_852, %mul3A_1192 : i32
      %add3A_1194 = arith.constant 8 : i32
      %add3A_1195 = arith.addi %mul3A_1193, %add3A_1194 : i32
      %dma_wait3A_1196 = arith.constant 1000 : i32
      %dma_wait3A_1197 = arith.constant 0 : i32
      %dma_wait3A_1198 = tpu.memref_slice %arg7[%dma_wait3A_1196, %dma_wait3A_1197] : memref<2000x16xf32, #tpu.memory_space<vmem>> -> memref<125x16xf32, #tpu.memory_space<vmem>>
      %dma_wait3A_1199 = arith.constant 0 : i32
      %dma_wait3A_1200 = tpu.memref_slice %arg5[%add3A_1195, %dma_wait3A_1199] : memref<80x125xi32, #tpu.memory_space<vmem>> -> memref<1x125xi32, #tpu.memory_space<vmem>>
      %dma_wait3A_1201 = tpu.memref_squeeze %dma_wait3A_1200 : memref<1x125xi32, #tpu.memory_space<vmem>> -> memref<125xi32, #tpu.memory_space<vmem>>
      %dma_wait3A_1202 = arith.constant 0 : i32
      %dma_wait3A_1203 = arith.constant 0 : i32
      %dma_wait3A_1204 = tpu.memref_slice %arg9[%dma_wait3A_1202, %dma_wait3A_1203] : memref<10000x16xf32, #tpu.memory_space<vmem_shared>> -> memref<10000x16xf32, #tpu.memory_space<vmem_shared>>
      tpu.wait_indirect_dma semaphore(%arg13 : memref<!tpu.dma_semaphore, #tpu.memory_space<semaphore_mem>>) src(%dma_wait3A_1198 : memref<125x16xf32, #tpu.memory_space<vmem>>) dst(%dma_wait3A_1204 : memref<10000x16xf32, #tpu.memory_space<vmem_shared>>)
      %mul3A_1205 = arith.constant 16 : i32
      %mul3A_1206 = arith.muli %add3A_852, %mul3A_1205 : i32
      %add3A_1207 = arith.constant 9 : i32
      %add3A_1208 = arith.addi %mul3A_1206, %add3A_1207 : i32
      %dma_wait3A_1209 = arith.constant 1125 : i32
      %dma_wait3A_1210 = arith.constant 0 : i32
      %dma_wait3A_1211 = tpu.memref_slice %arg7[%dma_wait3A_1209, %dma_wait3A_1210] : memref<2000x16xf32, #tpu.memory_space<vmem>> -> memref<125x16xf32, #tpu.memory_space<vmem>>
      %dma_wait3A_1212 = arith.constant 0 : i32
      %dma_wait3A_1213 = tpu.memref_slice %arg5[%add3A_1208, %dma_wait3A_1212] : memref<80x125xi32, #tpu.memory_space<vmem>> -> memref<1x125xi32, #tpu.memory_space<vmem>>
      %dma_wait3A_1214 = tpu.memref_squeeze %dma_wait3A_1213 : memref<1x125xi32, #tpu.memory_space<vmem>> -> memref<125xi32, #tpu.memory_space<vmem>>
      %dma_wait3A_1215 = arith.constant 0 : i32
      %dma_wait3A_1216 = arith.constant 0 : i32
      %dma_wait3A_1217 = tpu.memref_slice %arg9[%dma_wait3A_1215, %dma_wait3A_1216] : memref<10000x16xf32, #tpu.memory_space<vmem_shared>> -> memref<10000x16xf32, #tpu.memory_space<vmem_shared>>
      tpu.wait_indirect_dma semaphore(%arg13 : memref<!tpu.dma_semaphore, #tpu.memory_space<semaphore_mem>>) src(%dma_wait3A_1211 : memref<125x16xf32, #tpu.memory_space<vmem>>) dst(%dma_wait3A_1217 : memref<10000x16xf32, #tpu.memory_space<vmem_shared>>)
      %mul3A_1218 = arith.constant 16 : i32
      %mul3A_1219 = arith.muli %add3A_852, %mul3A_1218 : i32
      %add3A_1220 = arith.constant 10 : i32
      %add3A_1221 = arith.addi %mul3A_1219, %add3A_1220 : i32
      %dma_wait3A_1222 = arith.constant 1250 : i32
      %dma_wait3A_1223 = arith.constant 0 : i32
      %dma_wait3A_1224 = tpu.memref_slice %arg7[%dma_wait3A_1222, %dma_wait3A_1223] : memref<2000x16xf32, #tpu.memory_space<vmem>> -> memref<125x16xf32, #tpu.memory_space<vmem>>
      %dma_wait3A_1225 = arith.constant 0 : i32
      %dma_wait3A_1226 = tpu.memref_slice %arg5[%add3A_1221, %dma_wait3A_1225] : memref<80x125xi32, #tpu.memory_space<vmem>> -> memref<1x125xi32, #tpu.memory_space<vmem>>
      %dma_wait3A_1227 = tpu.memref_squeeze %dma_wait3A_1226 : memref<1x125xi32, #tpu.memory_space<vmem>> -> memref<125xi32, #tpu.memory_space<vmem>>
      %dma_wait3A_1228 = arith.constant 0 : i32
      %dma_wait3A_1229 = arith.constant 0 : i32
      %dma_wait3A_1230 = tpu.memref_slice %arg9[%dma_wait3A_1228, %dma_wait3A_1229] : memref<10000x16xf32, #tpu.memory_space<vmem_shared>> -> memref<10000x16xf32, #tpu.memory_space<vmem_shared>>
      tpu.wait_indirect_dma semaphore(%arg13 : memref<!tpu.dma_semaphore, #tpu.memory_space<semaphore_mem>>) src(%dma_wait3A_1224 : memref<125x16xf32, #tpu.memory_space<vmem>>) dst(%dma_wait3A_1230 : memref<10000x16xf32, #tpu.memory_space<vmem_shared>>)
      %mul3A_1231 = arith.constant 16 : i32
      %mul3A_1232 = arith.muli %add3A_852, %mul3A_1231 : i32
      %add3A_1233 = arith.constant 11 : i32
      %add3A_1234 = arith.addi %mul3A_1232, %add3A_1233 : i32
      %dma_wait3A_1235 = arith.constant 1375 : i32
      %dma_wait3A_1236 = arith.constant 0 : i32
      %dma_wait3A_1237 = tpu.memref_slice %arg7[%dma_wait3A_1235, %dma_wait3A_1236] : memref<2000x16xf32, #tpu.memory_space<vmem>> -> memref<125x16xf32, #tpu.memory_space<vmem>>
      %dma_wait3A_1238 = arith.constant 0 : i32
      %dma_wait3A_1239 = tpu.memref_slice %arg5[%add3A_1234, %dma_wait3A_1238] : memref<80x125xi32, #tpu.memory_space<vmem>> -> memref<1x125xi32, #tpu.memory_space<vmem>>
      %dma_wait3A_1240 = tpu.memref_squeeze %dma_wait3A_1239 : memref<1x125xi32, #tpu.memory_space<vmem>> -> memref<125xi32, #tpu.memory_space<vmem>>
      %dma_wait3A_1241 = arith.constant 0 : i32
      %dma_wait3A_1242 = arith.constant 0 : i32
      %dma_wait3A_1243 = tpu.memref_slice %arg9[%dma_wait3A_1241, %dma_wait3A_1242] : memref<10000x16xf32, #tpu.memory_space<vmem_shared>> -> memref<10000x16xf32, #tpu.memory_space<vmem_shared>>
      tpu.wait_indirect_dma semaphore(%arg13 : memref<!tpu.dma_semaphore, #tpu.memory_space<semaphore_mem>>) src(%dma_wait3A_1237 : memref<125x16xf32, #tpu.memory_space<vmem>>) dst(%dma_wait3A_1243 : memref<10000x16xf32, #tpu.memory_space<vmem_shared>>)
      %mul3A_1244 = arith.constant 16 : i32
      %mul3A_1245 = arith.muli %add3A_852, %mul3A_1244 : i32
      %add3A_1246 = arith.constant 12 : i32
      %add3A_1247 = arith.addi %mul3A_1245, %add3A_1246 : i32
      %dma_wait3A_1248 = arith.constant 1500 : i32
      %dma_wait3A_1249 = arith.constant 0 : i32
      %dma_wait3A_1250 = tpu.memref_slice %arg7[%dma_wait3A_1248, %dma_wait3A_1249] : memref<2000x16xf32, #tpu.memory_space<vmem>> -> memref<125x16xf32, #tpu.memory_space<vmem>>
      %dma_wait3A_1251 = arith.constant 0 : i32
      %dma_wait3A_1252 = tpu.memref_slice %arg5[%add3A_1247, %dma_wait3A_1251] : memref<80x125xi32, #tpu.memory_space<vmem>> -> memref<1x125xi32, #tpu.memory_space<vmem>>
      %dma_wait3A_1253 = tpu.memref_squeeze %dma_wait3A_1252 : memref<1x125xi32, #tpu.memory_space<vmem>> -> memref<125xi32, #tpu.memory_space<vmem>>
      %dma_wait3A_1254 = arith.constant 0 : i32
      %dma_wait3A_1255 = arith.constant 0 : i32
      %dma_wait3A_1256 = tpu.memref_slice %arg9[%dma_wait3A_1254, %dma_wait3A_1255] : memref<10000x16xf32, #tpu.memory_space<vmem_shared>> -> memref<10000x16xf32, #tpu.memory_space<vmem_shared>>
      tpu.wait_indirect_dma semaphore(%arg13 : memref<!tpu.dma_semaphore, #tpu.memory_space<semaphore_mem>>) src(%dma_wait3A_1250 : memref<125x16xf32, #tpu.memory_space<vmem>>) dst(%dma_wait3A_1256 : memref<10000x16xf32, #tpu.memory_space<vmem_shared>>)
      %mul3A_1257 = arith.constant 16 : i32
      %mul3A_1258 = arith.muli %add3A_852, %mul3A_1257 : i32
      %add3A_1259 = arith.constant 13 : i32
      %add3A_1260 = arith.addi %mul3A_1258, %add3A_1259 : i32
      %dma_wait3A_1261 = arith.constant 1625 : i32
      %dma_wait3A_1262 = arith.constant 0 : i32
      %dma_wait3A_1263 = tpu.memref_slice %arg7[%dma_wait3A_1261, %dma_wait3A_1262] : memref<2000x16xf32, #tpu.memory_space<vmem>> -> memref<125x16xf32, #tpu.memory_space<vmem>>
      %dma_wait3A_1264 = arith.constant 0 : i32
      %dma_wait3A_1265 = tpu.memref_slice %arg5[%add3A_1260, %dma_wait3A_1264] : memref<80x125xi32, #tpu.memory_space<vmem>> -> memref<1x125xi32, #tpu.memory_space<vmem>>
      %dma_wait3A_1266 = tpu.memref_squeeze %dma_wait3A_1265 : memref<1x125xi32, #tpu.memory_space<vmem>> -> memref<125xi32, #tpu.memory_space<vmem>>
      %dma_wait3A_1267 = arith.constant 0 : i32
      %dma_wait3A_1268 = arith.constant 0 : i32
      %dma_wait3A_1269 = tpu.memref_slice %arg9[%dma_wait3A_1267, %dma_wait3A_1268] : memref<10000x16xf32, #tpu.memory_space<vmem_shared>> -> memref<10000x16xf32, #tpu.memory_space<vmem_shared>>
      tpu.wait_indirect_dma semaphore(%arg13 : memref<!tpu.dma_semaphore, #tpu.memory_space<semaphore_mem>>) src(%dma_wait3A_1263 : memref<125x16xf32, #tpu.memory_space<vmem>>) dst(%dma_wait3A_1269 : memref<10000x16xf32, #tpu.memory_space<vmem_shared>>)
      %mul3A_1270 = arith.constant 16 : i32
      %mul3A_1271 = arith.muli %add3A_852, %mul3A_1270 : i32
      %add3A_1272 = arith.constant 14 : i32
      %add3A_1273 = arith.addi %mul3A_1271, %add3A_1272 : i32
      %dma_wait3A_1274 = arith.constant 1750 : i32
      %dma_wait3A_1275 = arith.constant 0 : i32
      %dma_wait3A_1276 = tpu.memref_slice %arg7[%dma_wait3A_1274, %dma_wait3A_1275] : memref<2000x16xf32, #tpu.memory_space<vmem>> -> memref<125x16xf32, #tpu.memory_space<vmem>>
      %dma_wait3A_1277 = arith.constant 0 : i32
      %dma_wait3A_1278 = tpu.memref_slice %arg5[%add3A_1273, %dma_wait3A_1277] : memref<80x125xi32, #tpu.memory_space<vmem>> -> memref<1x125xi32, #tpu.memory_space<vmem>>
      %dma_wait3A_1279 = tpu.memref_squeeze %dma_wait3A_1278 : memref<1x125xi32, #tpu.memory_space<vmem>> -> memref<125xi32, #tpu.memory_space<vmem>>
      %dma_wait3A_1280 = arith.constant 0 : i32
      %dma_wait3A_1281 = arith.constant 0 : i32
      %dma_wait3A_1282 = tpu.memref_slice %arg9[%dma_wait3A_1280, %dma_wait3A_1281] : memref<10000x16xf32, #tpu.memory_space<vmem_shared>> -> memref<10000x16xf32, #tpu.memory_space<vmem_shared>>
      tpu.wait_indirect_dma semaphore(%arg13 : memref<!tpu.dma_semaphore, #tpu.memory_space<semaphore_mem>>) src(%dma_wait3A_1276 : memref<125x16xf32, #tpu.memory_space<vmem>>) dst(%dma_wait3A_1282 : memref<10000x16xf32, #tpu.memory_space<vmem_shared>>)
      %mul3A_1283 = arith.constant 16 : i32
      %mul3A_1284 = arith.muli %add3A_852, %mul3A_1283 : i32
      %add3A_1285 = arith.constant 15 : i32
      %add3A_1286 = arith.addi %mul3A_1284, %add3A_1285 : i32
      %dma_wait3A_1287 = arith.constant 1875 : i32
      %dma_wait3A_1288 = arith.constant 0 : i32
      %dma_wait3A_1289 = tpu.memref_slice %arg7[%dma_wait3A_1287, %dma_wait3A_1288] : memref<2000x16xf32, #tpu.memory_space<vmem>> -> memref<125x16xf32, #tpu.memory_space<vmem>>
      %dma_wait3A_1290 = arith.constant 0 : i32
      %dma_wait3A_1291 = tpu.memref_slice %arg5[%add3A_1286, %dma_wait3A_1290] : memref<80x125xi32, #tpu.memory_space<vmem>> -> memref<1x125xi32, #tpu.memory_space<vmem>>
      %dma_wait3A_1292 = tpu.memref_squeeze %dma_wait3A_1291 : memref<1x125xi32, #tpu.memory_space<vmem>> -> memref<125xi32, #tpu.memory_space<vmem>>
      %dma_wait3A_1293 = arith.constant 0 : i32
      %dma_wait3A_1294 = arith.constant 0 : i32
      %dma_wait3A_1295 = tpu.memref_slice %arg9[%dma_wait3A_1293, %dma_wait3A_1294] : memref<10000x16xf32, #tpu.memory_space<vmem_shared>> -> memref<10000x16xf32, #tpu.memory_space<vmem_shared>>
      tpu.wait_indirect_dma semaphore(%arg13 : memref<!tpu.dma_semaphore, #tpu.memory_space<semaphore_mem>>) src(%dma_wait3A_1289 : memref<125x16xf32, #tpu.memory_space<vmem>>) dst(%dma_wait3A_1295 : memref<10000x16xf32, #tpu.memory_space<vmem_shared>>)
      %scan3A_1296 = arith.constant 0 : i32
      scf.yield %scan3A_1296 : i32
    }
    %scan3A_59 = arith.constant 2 : i32
    %dma_wait3A_60 = arith.constant 0 : i32
    %dma_wait3A_61 = arith.constant 0 : i32
    %dma_wait3A_62 = arith.constant 0 : i32
    %dma_wait3A_63 = tpu.memref_slice %arg6[%dma_wait3A_60, %dma_wait3A_61, %dma_wait3A_62] : memref<2x16x2000xf32, #tpu.memory_space<vmem>> -> memref<1x16x2000xf32, #tpu.memory_space<vmem>>
    %dma_wait3A_64 = tpu.memref_squeeze %dma_wait3A_63 : memref<1x16x2000xf32, #tpu.memory_space<vmem>> -> memref<16x2000xf32, #tpu.memory_space<vmem>>
    %dma_wait3A_65 = arith.constant 0 : i32
    %dma_wait3A_66 = tpu.memref_slice %arg3[%dma_wait3A_65, %mul3A_9] : memref<16x320000xf32, #tpu.memory_space<hbm>> -> memref<16x2000xf32, #tpu.memory_space<hbm>>
    %dma_wait3A_67 = arith.constant 0 : i32
    %dma_wait3A_68 = arith.constant 0 : i32
    %dma_wait3A_69 = tpu.memref_slice %arg6[%dma_wait3A_60, %dma_wait3A_67, %dma_wait3A_68] : memref<2x16x2000xf32, #tpu.memory_space<vmem>> -> memref<1x16x2000xf32, #tpu.memory_space<vmem>>
    %dma_wait3A_70 = tpu.memref_squeeze %dma_wait3A_69 : memref<1x16x2000xf32, #tpu.memory_space<vmem>> -> memref<16x2000xf32, #tpu.memory_space<vmem>>
    %dma_wait3A_71 = arith.constant 0 : i32
    %dma_wait3A_72 = tpu.memref_slice %arg3[%dma_wait3A_71, %mul3A_9] : memref<16x320000xf32, #tpu.memory_space<hbm>> -> memref<16x2000xf32, #tpu.memory_space<hbm>>
    tpu.wait_dma2 semaphore(%arg11 : memref<!tpu.dma_semaphore, #tpu.memory_space<semaphore_mem>>) src(%dma_wait3A_72 : memref<16x2000xf32, #tpu.memory_space<hbm>>) dst(%dma_wait3A_70 : memref<16x2000xf32, #tpu.memory_space<vmem>>)
    %scan3A_73 = arith.constant 0 : i32
    %scan3A_74 = arith.constant 0 : i32
    %scan3A_75 = arith.constant 500 : i32
    %scan3A_76 = arith.addi %scan3A_74, %scan3A_75 : i32
    %scan3A_77 = arith.constant 1 : i32
    %scan3A_78 = scf.for %scan3A_405 = %scan3A_74 to %scan3A_76 step %scan3A_77 iter_args(%scan3A_406 = %scan3A_73) -> (i32)  : i32 {
      %mul3A_407 = arith.constant 4 : i32
      %mul3A_408 = arith.muli %scan3A_405, %mul3A_407 : i32
      %broadcast_in_dim3A = arith.constant 0 : i32
      %broadcast_in_dim3A_409 = vector.broadcast %broadcast_in_dim3A : i32 to vector<16xi32>
      %add3A_410 = arith.constant 0 : i32
      %add3A_411 = arith.addi %mul3A_408, %add3A_410 : i32
      %add3A_412 = vector.broadcast %add3A_411 : i32 to vector<16xi32>
      %add3A_413 = arith.addi %broadcast_in_dim3A_409, %add3A_412 : vector<16xi32>
      %gather3A = arith.constant 0 : i32
      %gather3A_414 = arith.constant 0 : i32
      %gather3A_415 = arith.constant 0 : i32
      %gather3A_416 = tpu.memref_slice %arg6[%gather3A, %gather3A_414, %gather3A_415] : memref<2x16x2000xf32, #tpu.memory_space<vmem>> -> memref<1x16x2000xf32, #tpu.memory_space<vmem>>
      %gather3A_417 = tpu.memref_squeeze %gather3A_416 : memref<1x16x2000xf32, #tpu.memory_space<vmem>> -> memref<16x2000xf32, #tpu.memory_space<vmem>>
      %gather3A_418 = tpu.vector_load_idx %gather3A_417[%iota3A, %add3A_413] : memref<16x2000xf32, #tpu.memory_space<vmem>>[vector<16xi32>, vector<16xi32>], vector<16xf32>,
      %add3A_419 = arith.constant 0 : i32
      %add3A_420 = arith.addi %mul3A_408, %add3A_419 : i32
      %swap3A = arith.index_cast %add3A_420 : i32 to index
      %swap3A_421 = arith.constant 0 : index
      %swap3A_422 = tpu.vector_load %arg7[%swap3A, %swap3A_421] {strides = array<i32>} : memref<2000x16xf32, #tpu.memory_space<vmem>>, vector<16xf32>,
      tpu.vector_store %arg7[%swap3A, %swap3A_421], %gather3A_418 {strides = array<i32>} : memref<2000x16xf32, #tpu.memory_space<vmem>>, vector<16xf32>,
      %broadcast_in_dim3A_423 = arith.constant 0 : i32
      %broadcast_in_dim3A_424 = vector.broadcast %broadcast_in_dim3A_423 : i32 to vector<16xi32>
      %add3A_425 = arith.constant 1 : i32
      %add3A_426 = arith.addi %mul3A_408, %add3A_425 : i32
      %add3A_427 = vector.broadcast %add3A_426 : i32 to vector<16xi32>
      %add3A_428 = arith.addi %broadcast_in_dim3A_424, %add3A_427 : vector<16xi32>
      %gather3A_429 = arith.constant 0 : i32
      %gather3A_430 = arith.constant 0 : i32
      %gather3A_431 = arith.constant 0 : i32
      %gather3A_432 = tpu.memref_slice %arg6[%gather3A_429, %gather3A_430, %gather3A_431] : memref<2x16x2000xf32, #tpu.memory_space<vmem>> -> memref<1x16x2000xf32, #tpu.memory_space<vmem>>
      %gather3A_433 = tpu.memref_squeeze %gather3A_432 : memref<1x16x2000xf32, #tpu.memory_space<vmem>> -> memref<16x2000xf32, #tpu.memory_space<vmem>>
      %gather3A_434 = tpu.vector_load_idx %gather3A_433[%iota3A, %add3A_428] : memref<16x2000xf32, #tpu.memory_space<vmem>>[vector<16xi32>, vector<16xi32>], vector<16xf32>,
      %add3A_435 = arith.constant 1 : i32
      %add3A_436 = arith.addi %mul3A_408, %add3A_435 : i32
      %swap3A_437 = arith.index_cast %add3A_436 : i32 to index
      %swap3A_438 = arith.constant 0 : index
      %swap3A_439 = tpu.vector_load %arg7[%swap3A_437, %swap3A_438] {strides = array<i32>} : memref<2000x16xf32, #tpu.memory_space<vmem>>, vector<16xf32>,
      tpu.vector_store %arg7[%swap3A_437, %swap3A_438], %gather3A_434 {strides = array<i32>} : memref<2000x16xf32, #tpu.memory_space<vmem>>, vector<16xf32>,
      %broadcast_in_dim3A_440 = arith.constant 0 : i32
      %broadcast_in_dim3A_441 = vector.broadcast %broadcast_in_dim3A_440 : i32 to vector<16xi32>
      %add3A_442 = arith.constant 2 : i32
      %add3A_443 = arith.addi %mul3A_408, %add3A_442 : i32
      %add3A_444 = vector.broadcast %add3A_443 : i32 to vector<16xi32>
      %add3A_445 = arith.addi %broadcast_in_dim3A_441, %add3A_444 : vector<16xi32>
      %gather3A_446 = arith.constant 0 : i32
      %gather3A_447 = arith.constant 0 : i32
      %gather3A_448 = arith.constant 0 : i32
      %gather3A_449 = tpu.memref_slice %arg6[%gather3A_446, %gather3A_447, %gather3A_448] : memref<2x16x2000xf32, #tpu.memory_space<vmem>> -> memref<1x16x2000xf32, #tpu.memory_space<vmem>>
      %gather3A_450 = tpu.memref_squeeze %gather3A_449 : memref<1x16x2000xf32, #tpu.memory_space<vmem>> -> memref<16x2000xf32, #tpu.memory_space<vmem>>
      %gather3A_451 = tpu.vector_load_idx %gather3A_450[%iota3A, %add3A_445] : memref<16x2000xf32, #tpu.memory_space<vmem>>[vector<16xi32>, vector<16xi32>], vector<16xf32>,
      %add3A_452 = arith.constant 2 : i32
      %add3A_453 = arith.addi %mul3A_408, %add3A_452 : i32
      %swap3A_454 = arith.index_cast %add3A_453 : i32 to index
      %swap3A_455 = arith.constant 0 : index
      %swap3A_456 = tpu.vector_load %arg7[%swap3A_454, %swap3A_455] {strides = array<i32>} : memref<2000x16xf32, #tpu.memory_space<vmem>>, vector<16xf32>,
      tpu.vector_store %arg7[%swap3A_454, %swap3A_455], %gather3A_451 {strides = array<i32>} : memref<2000x16xf32, #tpu.memory_space<vmem>>, vector<16xf32>,
      %broadcast_in_dim3A_457 = arith.constant 0 : i32
      %broadcast_in_dim3A_458 = vector.broadcast %broadcast_in_dim3A_457 : i32 to vector<16xi32>
      %add3A_459 = arith.constant 3 : i32
      %add3A_460 = arith.addi %mul3A_408, %add3A_459 : i32
      %add3A_461 = vector.broadcast %add3A_460 : i32 to vector<16xi32>
      %add3A_462 = arith.addi %broadcast_in_dim3A_458, %add3A_461 : vector<16xi32>
      %gather3A_463 = arith.constant 0 : i32
      %gather3A_464 = arith.constant 0 : i32
      %gather3A_465 = arith.constant 0 : i32
      %gather3A_466 = tpu.memref_slice %arg6[%gather3A_463, %gather3A_464, %gather3A_465] : memref<2x16x2000xf32, #tpu.memory_space<vmem>> -> memref<1x16x2000xf32, #tpu.memory_space<vmem>>
      %gather3A_467 = tpu.memref_squeeze %gather3A_466 : memref<1x16x2000xf32, #tpu.memory_space<vmem>> -> memref<16x2000xf32, #tpu.memory_space<vmem>>
      %gather3A_468 = tpu.vector_load_idx %gather3A_467[%iota3A, %add3A_462] : memref<16x2000xf32, #tpu.memory_space<vmem>>[vector<16xi32>, vector<16xi32>], vector<16xf32>,
      %add3A_469 = arith.constant 3 : i32
      %add3A_470 = arith.addi %mul3A_408, %add3A_469 : i32
      %swap3A_471 = arith.index_cast %add3A_470 : i32 to index
      %swap3A_472 = arith.constant 0 : index
      %swap3A_473 = tpu.vector_load %arg7[%swap3A_471, %swap3A_472] {strides = array<i32>} : memref<2000x16xf32, #tpu.memory_space<vmem>>, vector<16xf32>,
      tpu.vector_store %arg7[%swap3A_471, %swap3A_472], %gather3A_468 {strides = array<i32>} : memref<2000x16xf32, #tpu.memory_space<vmem>>, vector<16xf32>,
      %scan3A_474 = arith.constant 0 : i32
      scf.yield %scan3A_474 : i32
    }
    %scan3A_79 = arith.constant 500 : i32
    %dma_start3A_80 = arith.constant 64 : i32
    %dma_start3A_81 = arith.constant 0 : i32
    %dma_start3A_82 = arith.constant 0 : i32
    %dma_start3A_83 = tpu.memref_slice %arg7[%dma_start3A_81, %dma_start3A_82] : memref<2000x16xf32, #tpu.memory_space<vmem>> -> memref<125x16xf32, #tpu.memory_space<vmem>>
    %dma_start3A_84 = arith.constant 0 : i32
    %dma_start3A_85 = tpu.memref_slice %arg5[%dma_start3A_80, %dma_start3A_84] : memref<80x125xi32, #tpu.memory_space<vmem>> -> memref<1x125xi32, #tpu.memory_space<vmem>>
    %dma_start3A_86 = tpu.memref_squeeze %dma_start3A_85 : memref<1x125xi32, #tpu.memory_space<vmem>> -> memref<125xi32, #tpu.memory_space<vmem>>
    %dma_start3A_87 = arith.constant 0 : i32
    %dma_start3A_88 = arith.constant 0 : i32
    %dma_start3A_89 = tpu.memref_slice %arg9[%dma_start3A_87, %dma_start3A_88] : memref<10000x16xf32, #tpu.memory_space<vmem_shared>> -> memref<10000x16xf32, #tpu.memory_space<vmem_shared>>
    tpu.enqueue_indirect_dma source(%dma_start3A_83 : memref<125x16xf32, #tpu.memory_space<vmem>>) target(%dma_start3A_89 : memref<10000x16xf32, #tpu.memory_space<vmem_shared>>) offsets(%dma_start3A_86 : memref<125xi32, #tpu.memory_space<vmem>>) semaphore(%arg13 : memref<!tpu.dma_semaphore, #tpu.memory_space<semaphore_mem>>) {add = true}
    %dma_start3A_90 = arith.constant 65 : i32
    %dma_start3A_91 = arith.constant 125 : i32
    %dma_start3A_92 = arith.constant 0 : i32
    %dma_start3A_93 = tpu.memref_slice %arg7[%dma_start3A_91, %dma_start3A_92] : memref<2000x16xf32, #tpu.memory_space<vmem>> -> memref<125x16xf32, #tpu.memory_space<vmem>>
    %dma_start3A_94 = arith.constant 0 : i32
    %dma_start3A_95 = tpu.memref_slice %arg5[%dma_start3A_90, %dma_start3A_94] : memref<80x125xi32, #tpu.memory_space<vmem>> -> memref<1x125xi32, #tpu.memory_space<vmem>>
    %dma_start3A_96 = tpu.memref_squeeze %dma_start3A_95 : memref<1x125xi32, #tpu.memory_space<vmem>> -> memref<125xi32, #tpu.memory_space<vmem>>
    %dma_start3A_97 = arith.constant 0 : i32
    %dma_start3A_98 = arith.constant 0 : i32
    %dma_start3A_99 = tpu.memref_slice %arg9[%dma_start3A_97, %dma_start3A_98] : memref<10000x16xf32, #tpu.memory_space<vmem_shared>> -> memref<10000x16xf32, #tpu.memory_space<vmem_shared>>
    tpu.enqueue_indirect_dma source(%dma_start3A_93 : memref<125x16xf32, #tpu.memory_space<vmem>>) target(%dma_start3A_99 : memref<10000x16xf32, #tpu.memory_space<vmem_shared>>) offsets(%dma_start3A_96 : memref<125xi32, #tpu.memory_space<vmem>>) semaphore(%arg13 : memref<!tpu.dma_semaphore, #tpu.memory_space<semaphore_mem>>) {add = true}
    %dma_start3A_100 = arith.constant 66 : i32
    %dma_start3A_101 = arith.constant 250 : i32
    %dma_start3A_102 = arith.constant 0 : i32
    %dma_start3A_103 = tpu.memref_slice %arg7[%dma_start3A_101, %dma_start3A_102] : memref<2000x16xf32, #tpu.memory_space<vmem>> -> memref<125x16xf32, #tpu.memory_space<vmem>>
    %dma_start3A_104 = arith.constant 0 : i32
    %dma_start3A_105 = tpu.memref_slice %arg5[%dma_start3A_100, %dma_start3A_104] : memref<80x125xi32, #tpu.memory_space<vmem>> -> memref<1x125xi32, #tpu.memory_space<vmem>>
    %dma_start3A_106 = tpu.memref_squeeze %dma_start3A_105 : memref<1x125xi32, #tpu.memory_space<vmem>> -> memref<125xi32, #tpu.memory_space<vmem>>
    %dma_start3A_107 = arith.constant 0 : i32
    %dma_start3A_108 = arith.constant 0 : i32
    %dma_start3A_109 = tpu.memref_slice %arg9[%dma_start3A_107, %dma_start3A_108] : memref<10000x16xf32, #tpu.memory_space<vmem_shared>> -> memref<10000x16xf32, #tpu.memory_space<vmem_shared>>
    tpu.enqueue_indirect_dma source(%dma_start3A_103 : memref<125x16xf32, #tpu.memory_space<vmem>>) target(%dma_start3A_109 : memref<10000x16xf32, #tpu.memory_space<vmem_shared>>) offsets(%dma_start3A_106 : memref<125xi32, #tpu.memory_space<vmem>>) semaphore(%arg13 : memref<!tpu.dma_semaphore, #tpu.memory_space<semaphore_mem>>) {add = true}
    %dma_start3A_110 = arith.constant 67 : i32
    %dma_start3A_111 = arith.constant 375 : i32
    %dma_start3A_112 = arith.constant 0 : i32
    %dma_start3A_113 = tpu.memref_slice %arg7[%dma_start3A_111, %dma_start3A_112] : memref<2000x16xf32, #tpu.memory_space<vmem>> -> memref<125x16xf32, #tpu.memory_space<vmem>>
    %dma_start3A_114 = arith.constant 0 : i32
    %dma_start3A_115 = tpu.memref_slice %arg5[%dma_start3A_110, %dma_start3A_114] : memref<80x125xi32, #tpu.memory_space<vmem>> -> memref<1x125xi32, #tpu.memory_space<vmem>>
    %dma_start3A_116 = tpu.memref_squeeze %dma_start3A_115 : memref<1x125xi32, #tpu.memory_space<vmem>> -> memref<125xi32, #tpu.memory_space<vmem>>
    %dma_start3A_117 = arith.constant 0 : i32
    %dma_start3A_118 = arith.constant 0 : i32
    %dma_start3A_119 = tpu.memref_slice %arg9[%dma_start3A_117, %dma_start3A_118] : memref<10000x16xf32, #tpu.memory_space<vmem_shared>> -> memref<10000x16xf32, #tpu.memory_space<vmem_shared>>
    tpu.enqueue_indirect_dma source(%dma_start3A_113 : memref<125x16xf32, #tpu.memory_space<vmem>>) target(%dma_start3A_119 : memref<10000x16xf32, #tpu.memory_space<vmem_shared>>) offsets(%dma_start3A_116 : memref<125xi32, #tpu.memory_space<vmem>>) semaphore(%arg13 : memref<!tpu.dma_semaphore, #tpu.memory_space<semaphore_mem>>) {add = true}
    %dma_start3A_120 = arith.constant 68 : i32
    %dma_start3A_121 = arith.constant 500 : i32
    %dma_start3A_122 = arith.constant 0 : i32
    %dma_start3A_123 = tpu.memref_slice %arg7[%dma_start3A_121, %dma_start3A_122] : memref<2000x16xf32, #tpu.memory_space<vmem>> -> memref<125x16xf32, #tpu.memory_space<vmem>>
    %dma_start3A_124 = arith.constant 0 : i32
    %dma_start3A_125 = tpu.memref_slice %arg5[%dma_start3A_120, %dma_start3A_124] : memref<80x125xi32, #tpu.memory_space<vmem>> -> memref<1x125xi32, #tpu.memory_space<vmem>>
    %dma_start3A_126 = tpu.memref_squeeze %dma_start3A_125 : memref<1x125xi32, #tpu.memory_space<vmem>> -> memref<125xi32, #tpu.memory_space<vmem>>
    %dma_start3A_127 = arith.constant 0 : i32
    %dma_start3A_128 = arith.constant 0 : i32
    %dma_start3A_129 = tpu.memref_slice %arg9[%dma_start3A_127, %dma_start3A_128] : memref<10000x16xf32, #tpu.memory_space<vmem_shared>> -> memref<10000x16xf32, #tpu.memory_space<vmem_shared>>
    tpu.enqueue_indirect_dma source(%dma_start3A_123 : memref<125x16xf32, #tpu.memory_space<vmem>>) target(%dma_start3A_129 : memref<10000x16xf32, #tpu.memory_space<vmem_shared>>) offsets(%dma_start3A_126 : memref<125xi32, #tpu.memory_space<vmem>>) semaphore(%arg13 : memref<!tpu.dma_semaphore, #tpu.memory_space<semaphore_mem>>) {add = true}
    %dma_start3A_130 = arith.constant 69 : i32
    %dma_start3A_131 = arith.constant 625 : i32
    %dma_start3A_132 = arith.constant 0 : i32
    %dma_start3A_133 = tpu.memref_slice %arg7[%dma_start3A_131, %dma_start3A_132] : memref<2000x16xf32, #tpu.memory_space<vmem>> -> memref<125x16xf32, #tpu.memory_space<vmem>>
    %dma_start3A_134 = arith.constant 0 : i32
    %dma_start3A_135 = tpu.memref_slice %arg5[%dma_start3A_130, %dma_start3A_134] : memref<80x125xi32, #tpu.memory_space<vmem>> -> memref<1x125xi32, #tpu.memory_space<vmem>>
    %dma_start3A_136 = tpu.memref_squeeze %dma_start3A_135 : memref<1x125xi32, #tpu.memory_space<vmem>> -> memref<125xi32, #tpu.memory_space<vmem>>
    %dma_start3A_137 = arith.constant 0 : i32
    %dma_start3A_138 = arith.constant 0 : i32
    %dma_start3A_139 = tpu.memref_slice %arg9[%dma_start3A_137, %dma_start3A_138] : memref<10000x16xf32, #tpu.memory_space<vmem_shared>> -> memref<10000x16xf32, #tpu.memory_space<vmem_shared>>
    tpu.enqueue_indirect_dma source(%dma_start3A_133 : memref<125x16xf32, #tpu.memory_space<vmem>>) target(%dma_start3A_139 : memref<10000x16xf32, #tpu.memory_space<vmem_shared>>) offsets(%dma_start3A_136 : memref<125xi32, #tpu.memory_space<vmem>>) semaphore(%arg13 : memref<!tpu.dma_semaphore, #tpu.memory_space<semaphore_mem>>) {add = true}
    %dma_start3A_140 = arith.constant 70 : i32
    %dma_start3A_141 = arith.constant 750 : i32
    %dma_start3A_142 = arith.constant 0 : i32
    %dma_start3A_143 = tpu.memref_slice %arg7[%dma_start3A_141, %dma_start3A_142] : memref<2000x16xf32, #tpu.memory_space<vmem>> -> memref<125x16xf32, #tpu.memory_space<vmem>>
    %dma_start3A_144 = arith.constant 0 : i32
    %dma_start3A_145 = tpu.memref_slice %arg5[%dma_start3A_140, %dma_start3A_144] : memref<80x125xi32, #tpu.memory_space<vmem>> -> memref<1x125xi32, #tpu.memory_space<vmem>>
    %dma_start3A_146 = tpu.memref_squeeze %dma_start3A_145 : memref<1x125xi32, #tpu.memory_space<vmem>> -> memref<125xi32, #tpu.memory_space<vmem>>
    %dma_start3A_147 = arith.constant 0 : i32
    %dma_start3A_148 = arith.constant 0 : i32
    %dma_start3A_149 = tpu.memref_slice %arg9[%dma_start3A_147, %dma_start3A_148] : memref<10000x16xf32, #tpu.memory_space<vmem_shared>> -> memref<10000x16xf32, #tpu.memory_space<vmem_shared>>
    tpu.enqueue_indirect_dma source(%dma_start3A_143 : memref<125x16xf32, #tpu.memory_space<vmem>>) target(%dma_start3A_149 : memref<10000x16xf32, #tpu.memory_space<vmem_shared>>) offsets(%dma_start3A_146 : memref<125xi32, #tpu.memory_space<vmem>>) semaphore(%arg13 : memref<!tpu.dma_semaphore, #tpu.memory_space<semaphore_mem>>) {add = true}
    %dma_start3A_150 = arith.constant 71 : i32
    %dma_start3A_151 = arith.constant 875 : i32
    %dma_start3A_152 = arith.constant 0 : i32
    %dma_start3A_153 = tpu.memref_slice %arg7[%dma_start3A_151, %dma_start3A_152] : memref<2000x16xf32, #tpu.memory_space<vmem>> -> memref<125x16xf32, #tpu.memory_space<vmem>>
    %dma_start3A_154 = arith.constant 0 : i32
    %dma_start3A_155 = tpu.memref_slice %arg5[%dma_start3A_150, %dma_start3A_154] : memref<80x125xi32, #tpu.memory_space<vmem>> -> memref<1x125xi32, #tpu.memory_space<vmem>>
    %dma_start3A_156 = tpu.memref_squeeze %dma_start3A_155 : memref<1x125xi32, #tpu.memory_space<vmem>> -> memref<125xi32, #tpu.memory_space<vmem>>
    %dma_start3A_157 = arith.constant 0 : i32
    %dma_start3A_158 = arith.constant 0 : i32
    %dma_start3A_159 = tpu.memref_slice %arg9[%dma_start3A_157, %dma_start3A_158] : memref<10000x16xf32, #tpu.memory_space<vmem_shared>> -> memref<10000x16xf32, #tpu.memory_space<vmem_shared>>
    tpu.enqueue_indirect_dma source(%dma_start3A_153 : memref<125x16xf32, #tpu.memory_space<vmem>>) target(%dma_start3A_159 : memref<10000x16xf32, #tpu.memory_space<vmem_shared>>) offsets(%dma_start3A_156 : memref<125xi32, #tpu.memory_space<vmem>>) semaphore(%arg13 : memref<!tpu.dma_semaphore, #tpu.memory_space<semaphore_mem>>) {add = true}
    %dma_start3A_160 = arith.constant 72 : i32
    %dma_start3A_161 = arith.constant 1000 : i32
    %dma_start3A_162 = arith.constant 0 : i32
    %dma_start3A_163 = tpu.memref_slice %arg7[%dma_start3A_161, %dma_start3A_162] : memref<2000x16xf32, #tpu.memory_space<vmem>> -> memref<125x16xf32, #tpu.memory_space<vmem>>
    %dma_start3A_164 = arith.constant 0 : i32
    %dma_start3A_165 = tpu.memref_slice %arg5[%dma_start3A_160, %dma_start3A_164] : memref<80x125xi32, #tpu.memory_space<vmem>> -> memref<1x125xi32, #tpu.memory_space<vmem>>
    %dma_start3A_166 = tpu.memref_squeeze %dma_start3A_165 : memref<1x125xi32, #tpu.memory_space<vmem>> -> memref<125xi32, #tpu.memory_space<vmem>>
    %dma_start3A_167 = arith.constant 0 : i32
    %dma_start3A_168 = arith.constant 0 : i32
    %dma_start3A_169 = tpu.memref_slice %arg9[%dma_start3A_167, %dma_start3A_168] : memref<10000x16xf32, #tpu.memory_space<vmem_shared>> -> memref<10000x16xf32, #tpu.memory_space<vmem_shared>>
    tpu.enqueue_indirect_dma source(%dma_start3A_163 : memref<125x16xf32, #tpu.memory_space<vmem>>) target(%dma_start3A_169 : memref<10000x16xf32, #tpu.memory_space<vmem_shared>>) offsets(%dma_start3A_166 : memref<125xi32, #tpu.memory_space<vmem>>) semaphore(%arg13 : memref<!tpu.dma_semaphore, #tpu.memory_space<semaphore_mem>>) {add = true}
    %dma_start3A_170 = arith.constant 73 : i32
    %dma_start3A_171 = arith.constant 1125 : i32
    %dma_start3A_172 = arith.constant 0 : i32
    %dma_start3A_173 = tpu.memref_slice %arg7[%dma_start3A_171, %dma_start3A_172] : memref<2000x16xf32, #tpu.memory_space<vmem>> -> memref<125x16xf32, #tpu.memory_space<vmem>>
    %dma_start3A_174 = arith.constant 0 : i32
    %dma_start3A_175 = tpu.memref_slice %arg5[%dma_start3A_170, %dma_start3A_174] : memref<80x125xi32, #tpu.memory_space<vmem>> -> memref<1x125xi32, #tpu.memory_space<vmem>>
    %dma_start3A_176 = tpu.memref_squeeze %dma_start3A_175 : memref<1x125xi32, #tpu.memory_space<vmem>> -> memref<125xi32, #tpu.memory_space<vmem>>
    %dma_start3A_177 = arith.constant 0 : i32
    %dma_start3A_178 = arith.constant 0 : i32
    %dma_start3A_179 = tpu.memref_slice %arg9[%dma_start3A_177, %dma_start3A_178] : memref<10000x16xf32, #tpu.memory_space<vmem_shared>> -> memref<10000x16xf32, #tpu.memory_space<vmem_shared>>
    tpu.enqueue_indirect_dma source(%dma_start3A_173 : memref<125x16xf32, #tpu.memory_space<vmem>>) target(%dma_start3A_179 : memref<10000x16xf32, #tpu.memory_space<vmem_shared>>) offsets(%dma_start3A_176 : memref<125xi32, #tpu.memory_space<vmem>>) semaphore(%arg13 : memref<!tpu.dma_semaphore, #tpu.memory_space<semaphore_mem>>) {add = true}
    %dma_start3A_180 = arith.constant 74 : i32
    %dma_start3A_181 = arith.constant 1250 : i32
    %dma_start3A_182 = arith.constant 0 : i32
    %dma_start3A_183 = tpu.memref_slice %arg7[%dma_start3A_181, %dma_start3A_182] : memref<2000x16xf32, #tpu.memory_space<vmem>> -> memref<125x16xf32, #tpu.memory_space<vmem>>
    %dma_start3A_184 = arith.constant 0 : i32
    %dma_start3A_185 = tpu.memref_slice %arg5[%dma_start3A_180, %dma_start3A_184] : memref<80x125xi32, #tpu.memory_space<vmem>> -> memref<1x125xi32, #tpu.memory_space<vmem>>
    %dma_start3A_186 = tpu.memref_squeeze %dma_start3A_185 : memref<1x125xi32, #tpu.memory_space<vmem>> -> memref<125xi32, #tpu.memory_space<vmem>>
    %dma_start3A_187 = arith.constant 0 : i32
    %dma_start3A_188 = arith.constant 0 : i32
    %dma_start3A_189 = tpu.memref_slice %arg9[%dma_start3A_187, %dma_start3A_188] : memref<10000x16xf32, #tpu.memory_space<vmem_shared>> -> memref<10000x16xf32, #tpu.memory_space<vmem_shared>>
    tpu.enqueue_indirect_dma source(%dma_start3A_183 : memref<125x16xf32, #tpu.memory_space<vmem>>) target(%dma_start3A_189 : memref<10000x16xf32, #tpu.memory_space<vmem_shared>>) offsets(%dma_start3A_186 : memref<125xi32, #tpu.memory_space<vmem>>) semaphore(%arg13 : memref<!tpu.dma_semaphore, #tpu.memory_space<semaphore_mem>>) {add = true}
    %dma_start3A_190 = arith.constant 75 : i32
    %dma_start3A_191 = arith.constant 1375 : i32
    %dma_start3A_192 = arith.constant 0 : i32
    %dma_start3A_193 = tpu.memref_slice %arg7[%dma_start3A_191, %dma_start3A_192] : memref<2000x16xf32, #tpu.memory_space<vmem>> -> memref<125x16xf32, #tpu.memory_space<vmem>>
    %dma_start3A_194 = arith.constant 0 : i32
    %dma_start3A_195 = tpu.memref_slice %arg5[%dma_start3A_190, %dma_start3A_194] : memref<80x125xi32, #tpu.memory_space<vmem>> -> memref<1x125xi32, #tpu.memory_space<vmem>>
    %dma_start3A_196 = tpu.memref_squeeze %dma_start3A_195 : memref<1x125xi32, #tpu.memory_space<vmem>> -> memref<125xi32, #tpu.memory_space<vmem>>
    %dma_start3A_197 = arith.constant 0 : i32
    %dma_start3A_198 = arith.constant 0 : i32
    %dma_start3A_199 = tpu.memref_slice %arg9[%dma_start3A_197, %dma_start3A_198] : memref<10000x16xf32, #tpu.memory_space<vmem_shared>> -> memref<10000x16xf32, #tpu.memory_space<vmem_shared>>
    tpu.enqueue_indirect_dma source(%dma_start3A_193 : memref<125x16xf32, #tpu.memory_space<vmem>>) target(%dma_start3A_199 : memref<10000x16xf32, #tpu.memory_space<vmem_shared>>) offsets(%dma_start3A_196 : memref<125xi32, #tpu.memory_space<vmem>>) semaphore(%arg13 : memref<!tpu.dma_semaphore, #tpu.memory_space<semaphore_mem>>) {add = true}
    %dma_start3A_200 = arith.constant 76 : i32
    %dma_start3A_201 = arith.constant 1500 : i32
    %dma_start3A_202 = arith.constant 0 : i32
    %dma_start3A_203 = tpu.memref_slice %arg7[%dma_start3A_201, %dma_start3A_202] : memref<2000x16xf32, #tpu.memory_space<vmem>> -> memref<125x16xf32, #tpu.memory_space<vmem>>
    %dma_start3A_204 = arith.constant 0 : i32
    %dma_start3A_205 = tpu.memref_slice %arg5[%dma_start3A_200, %dma_start3A_204] : memref<80x125xi32, #tpu.memory_space<vmem>> -> memref<1x125xi32, #tpu.memory_space<vmem>>
    %dma_start3A_206 = tpu.memref_squeeze %dma_start3A_205 : memref<1x125xi32, #tpu.memory_space<vmem>> -> memref<125xi32, #tpu.memory_space<vmem>>
    %dma_start3A_207 = arith.constant 0 : i32
    %dma_start3A_208 = arith.constant 0 : i32
    %dma_start3A_209 = tpu.memref_slice %arg9[%dma_start3A_207, %dma_start3A_208] : memref<10000x16xf32, #tpu.memory_space<vmem_shared>> -> memref<10000x16xf32, #tpu.memory_space<vmem_shared>>
    tpu.enqueue_indirect_dma source(%dma_start3A_203 : memref<125x16xf32, #tpu.memory_space<vmem>>) target(%dma_start3A_209 : memref<10000x16xf32, #tpu.memory_space<vmem_shared>>) offsets(%dma_start3A_206 : memref<125xi32, #tpu.memory_space<vmem>>) semaphore(%arg13 : memref<!tpu.dma_semaphore, #tpu.memory_space<semaphore_mem>>) {add = true}
    %dma_start3A_210 = arith.constant 77 : i32
    %dma_start3A_211 = arith.constant 1625 : i32
    %dma_start3A_212 = arith.constant 0 : i32
    %dma_start3A_213 = tpu.memref_slice %arg7[%dma_start3A_211, %dma_start3A_212] : memref<2000x16xf32, #tpu.memory_space<vmem>> -> memref<125x16xf32, #tpu.memory_space<vmem>>
    %dma_start3A_214 = arith.constant 0 : i32
    %dma_start3A_215 = tpu.memref_slice %arg5[%dma_start3A_210, %dma_start3A_214] : memref<80x125xi32, #tpu.memory_space<vmem>> -> memref<1x125xi32, #tpu.memory_space<vmem>>
    %dma_start3A_216 = tpu.memref_squeeze %dma_start3A_215 : memref<1x125xi32, #tpu.memory_space<vmem>> -> memref<125xi32, #tpu.memory_space<vmem>>
    %dma_start3A_217 = arith.constant 0 : i32
    %dma_start3A_218 = arith.constant 0 : i32
    %dma_start3A_219 = tpu.memref_slice %arg9[%dma_start3A_217, %dma_start3A_218] : memref<10000x16xf32, #tpu.memory_space<vmem_shared>> -> memref<10000x16xf32, #tpu.memory_space<vmem_shared>>
    tpu.enqueue_indirect_dma source(%dma_start3A_213 : memref<125x16xf32, #tpu.memory_space<vmem>>) target(%dma_start3A_219 : memref<10000x16xf32, #tpu.memory_space<vmem_shared>>) offsets(%dma_start3A_216 : memref<125xi32, #tpu.memory_space<vmem>>) semaphore(%arg13 : memref<!tpu.dma_semaphore, #tpu.memory_space<semaphore_mem>>) {add = true}
    %dma_start3A_220 = arith.constant 78 : i32
    %dma_start3A_221 = arith.constant 1750 : i32
    %dma_start3A_222 = arith.constant 0 : i32
    %dma_start3A_223 = tpu.memref_slice %arg7[%dma_start3A_221, %dma_start3A_222] : memref<2000x16xf32, #tpu.memory_space<vmem>> -> memref<125x16xf32, #tpu.memory_space<vmem>>
    %dma_start3A_224 = arith.constant 0 : i32
    %dma_start3A_225 = tpu.memref_slice %arg5[%dma_start3A_220, %dma_start3A_224] : memref<80x125xi32, #tpu.memory_space<vmem>> -> memref<1x125xi32, #tpu.memory_space<vmem>>
    %dma_start3A_226 = tpu.memref_squeeze %dma_start3A_225 : memref<1x125xi32, #tpu.memory_space<vmem>> -> memref<125xi32, #tpu.memory_space<vmem>>
    %dma_start3A_227 = arith.constant 0 : i32
    %dma_start3A_228 = arith.constant 0 : i32
    %dma_start3A_229 = tpu.memref_slice %arg9[%dma_start3A_227, %dma_start3A_228] : memref<10000x16xf32, #tpu.memory_space<vmem_shared>> -> memref<10000x16xf32, #tpu.memory_space<vmem_shared>>
    tpu.enqueue_indirect_dma source(%dma_start3A_223 : memref<125x16xf32, #tpu.memory_space<vmem>>) target(%dma_start3A_229 : memref<10000x16xf32, #tpu.memory_space<vmem_shared>>) offsets(%dma_start3A_226 : memref<125xi32, #tpu.memory_space<vmem>>) semaphore(%arg13 : memref<!tpu.dma_semaphore, #tpu.memory_space<semaphore_mem>>) {add = true}
    %dma_start3A_230 = arith.constant 79 : i32
    %dma_start3A_231 = arith.constant 1875 : i32
    %dma_start3A_232 = arith.constant 0 : i32
    %dma_start3A_233 = tpu.memref_slice %arg7[%dma_start3A_231, %dma_start3A_232] : memref<2000x16xf32, #tpu.memory_space<vmem>> -> memref<125x16xf32, #tpu.memory_space<vmem>>
    %dma_start3A_234 = arith.constant 0 : i32
    %dma_start3A_235 = tpu.memref_slice %arg5[%dma_start3A_230, %dma_start3A_234] : memref<80x125xi32, #tpu.memory_space<vmem>> -> memref<1x125xi32, #tpu.memory_space<vmem>>
    %dma_start3A_236 = tpu.memref_squeeze %dma_start3A_235 : memref<1x125xi32, #tpu.memory_space<vmem>> -> memref<125xi32, #tpu.memory_space<vmem>>
    %dma_start3A_237 = arith.constant 0 : i32
    %dma_start3A_238 = arith.constant 0 : i32
    %dma_start3A_239 = tpu.memref_slice %arg9[%dma_start3A_237, %dma_start3A_238] : memref<10000x16xf32, #tpu.memory_space<vmem_shared>> -> memref<10000x16xf32, #tpu.memory_space<vmem_shared>>
    tpu.enqueue_indirect_dma source(%dma_start3A_233 : memref<125x16xf32, #tpu.memory_space<vmem>>) target(%dma_start3A_239 : memref<10000x16xf32, #tpu.memory_space<vmem_shared>>) offsets(%dma_start3A_236 : memref<125xi32, #tpu.memory_space<vmem>>) semaphore(%arg13 : memref<!tpu.dma_semaphore, #tpu.memory_space<semaphore_mem>>) {add = true}
    %dma_wait3A_240 = arith.constant 64 : i32
    %dma_wait3A_241 = arith.constant 0 : i32
    %dma_wait3A_242 = arith.constant 0 : i32
    %dma_wait3A_243 = tpu.memref_slice %arg7[%dma_wait3A_241, %dma_wait3A_242] : memref<2000x16xf32, #tpu.memory_space<vmem>> -> memref<125x16xf32, #tpu.memory_space<vmem>>
    %dma_wait3A_244 = arith.constant 0 : i32
    %dma_wait3A_245 = tpu.memref_slice %arg5[%dma_wait3A_240, %dma_wait3A_244] : memref<80x125xi32, #tpu.memory_space<vmem>> -> memref<1x125xi32, #tpu.memory_space<vmem>>
    %dma_wait3A_246 = tpu.memref_squeeze %dma_wait3A_245 : memref<1x125xi32, #tpu.memory_space<vmem>> -> memref<125xi32, #tpu.memory_space<vmem>>
    %dma_wait3A_247 = arith.constant 0 : i32
    %dma_wait3A_248 = arith.constant 0 : i32
    %dma_wait3A_249 = tpu.memref_slice %arg9[%dma_wait3A_247, %dma_wait3A_248] : memref<10000x16xf32, #tpu.memory_space<vmem_shared>> -> memref<10000x16xf32, #tpu.memory_space<vmem_shared>>
    tpu.wait_indirect_dma semaphore(%arg13 : memref<!tpu.dma_semaphore, #tpu.memory_space<semaphore_mem>>) src(%dma_wait3A_243 : memref<125x16xf32, #tpu.memory_space<vmem>>) dst(%dma_wait3A_249 : memref<10000x16xf32, #tpu.memory_space<vmem_shared>>)
    %dma_wait3A_250 = arith.constant 65 : i32
    %dma_wait3A_251 = arith.constant 125 : i32
    %dma_wait3A_252 = arith.constant 0 : i32
    %dma_wait3A_253 = tpu.memref_slice %arg7[%dma_wait3A_251, %dma_wait3A_252] : memref<2000x16xf32, #tpu.memory_space<vmem>> -> memref<125x16xf32, #tpu.memory_space<vmem>>
    %dma_wait3A_254 = arith.constant 0 : i32
    %dma_wait3A_255 = tpu.memref_slice %arg5[%dma_wait3A_250, %dma_wait3A_254] : memref<80x125xi32, #tpu.memory_space<vmem>> -> memref<1x125xi32, #tpu.memory_space<vmem>>
    %dma_wait3A_256 = tpu.memref_squeeze %dma_wait3A_255 : memref<1x125xi32, #tpu.memory_space<vmem>> -> memref<125xi32, #tpu.memory_space<vmem>>
    %dma_wait3A_257 = arith.constant 0 : i32
    %dma_wait3A_258 = arith.constant 0 : i32
    %dma_wait3A_259 = tpu.memref_slice %arg9[%dma_wait3A_257, %dma_wait3A_258] : memref<10000x16xf32, #tpu.memory_space<vmem_shared>> -> memref<10000x16xf32, #tpu.memory_space<vmem_shared>>
    tpu.wait_indirect_dma semaphore(%arg13 : memref<!tpu.dma_semaphore, #tpu.memory_space<semaphore_mem>>) src(%dma_wait3A_253 : memref<125x16xf32, #tpu.memory_space<vmem>>) dst(%dma_wait3A_259 : memref<10000x16xf32, #tpu.memory_space<vmem_shared>>)
    %dma_wait3A_260 = arith.constant 66 : i32
    %dma_wait3A_261 = arith.constant 250 : i32
    %dma_wait3A_262 = arith.constant 0 : i32
    %dma_wait3A_263 = tpu.memref_slice %arg7[%dma_wait3A_261, %dma_wait3A_262] : memref<2000x16xf32, #tpu.memory_space<vmem>> -> memref<125x16xf32, #tpu.memory_space<vmem>>
    %dma_wait3A_264 = arith.constant 0 : i32
    %dma_wait3A_265 = tpu.memref_slice %arg5[%dma_wait3A_260, %dma_wait3A_264] : memref<80x125xi32, #tpu.memory_space<vmem>> -> memref<1x125xi32, #tpu.memory_space<vmem>>
    %dma_wait3A_266 = tpu.memref_squeeze %dma_wait3A_265 : memref<1x125xi32, #tpu.memory_space<vmem>> -> memref<125xi32, #tpu.memory_space<vmem>>
    %dma_wait3A_267 = arith.constant 0 : i32
    %dma_wait3A_268 = arith.constant 0 : i32
    %dma_wait3A_269 = tpu.memref_slice %arg9[%dma_wait3A_267, %dma_wait3A_268] : memref<10000x16xf32, #tpu.memory_space<vmem_shared>> -> memref<10000x16xf32, #tpu.memory_space<vmem_shared>>
    tpu.wait_indirect_dma semaphore(%arg13 : memref<!tpu.dma_semaphore, #tpu.memory_space<semaphore_mem>>) src(%dma_wait3A_263 : memref<125x16xf32, #tpu.memory_space<vmem>>) dst(%dma_wait3A_269 : memref<10000x16xf32, #tpu.memory_space<vmem_shared>>)
    %dma_wait3A_270 = arith.constant 67 : i32
    %dma_wait3A_271 = arith.constant 375 : i32
    %dma_wait3A_272 = arith.constant 0 : i32
    %dma_wait3A_273 = tpu.memref_slice %arg7[%dma_wait3A_271, %dma_wait3A_272] : memref<2000x16xf32, #tpu.memory_space<vmem>> -> memref<125x16xf32, #tpu.memory_space<vmem>>
    %dma_wait3A_274 = arith.constant 0 : i32
    %dma_wait3A_275 = tpu.memref_slice %arg5[%dma_wait3A_270, %dma_wait3A_274] : memref<80x125xi32, #tpu.memory_space<vmem>> -> memref<1x125xi32, #tpu.memory_space<vmem>>
    %dma_wait3A_276 = tpu.memref_squeeze %dma_wait3A_275 : memref<1x125xi32, #tpu.memory_space<vmem>> -> memref<125xi32, #tpu.memory_space<vmem>>
    %dma_wait3A_277 = arith.constant 0 : i32
    %dma_wait3A_278 = arith.constant 0 : i32
    %dma_wait3A_279 = tpu.memref_slice %arg9[%dma_wait3A_277, %dma_wait3A_278] : memref<10000x16xf32, #tpu.memory_space<vmem_shared>> -> memref<10000x16xf32, #tpu.memory_space<vmem_shared>>
    tpu.wait_indirect_dma semaphore(%arg13 : memref<!tpu.dma_semaphore, #tpu.memory_space<semaphore_mem>>) src(%dma_wait3A_273 : memref<125x16xf32, #tpu.memory_space<vmem>>) dst(%dma_wait3A_279 : memref<10000x16xf32, #tpu.memory_space<vmem_shared>>)
    %dma_wait3A_280 = arith.constant 68 : i32
    %dma_wait3A_281 = arith.constant 500 : i32
    %dma_wait3A_282 = arith.constant 0 : i32
    %dma_wait3A_283 = tpu.memref_slice %arg7[%dma_wait3A_281, %dma_wait3A_282] : memref<2000x16xf32, #tpu.memory_space<vmem>> -> memref<125x16xf32, #tpu.memory_space<vmem>>
    %dma_wait3A_284 = arith.constant 0 : i32
    %dma_wait3A_285 = tpu.memref_slice %arg5[%dma_wait3A_280, %dma_wait3A_284] : memref<80x125xi32, #tpu.memory_space<vmem>> -> memref<1x125xi32, #tpu.memory_space<vmem>>
    %dma_wait3A_286 = tpu.memref_squeeze %dma_wait3A_285 : memref<1x125xi32, #tpu.memory_space<vmem>> -> memref<125xi32, #tpu.memory_space<vmem>>
    %dma_wait3A_287 = arith.constant 0 : i32
    %dma_wait3A_288 = arith.constant 0 : i32
    %dma_wait3A_289 = tpu.memref_slice %arg9[%dma_wait3A_287, %dma_wait3A_288] : memref<10000x16xf32, #tpu.memory_space<vmem_shared>> -> memref<10000x16xf32, #tpu.memory_space<vmem_shared>>
    tpu.wait_indirect_dma semaphore(%arg13 : memref<!tpu.dma_semaphore, #tpu.memory_space<semaphore_mem>>) src(%dma_wait3A_283 : memref<125x16xf32, #tpu.memory_space<vmem>>) dst(%dma_wait3A_289 : memref<10000x16xf32, #tpu.memory_space<vmem_shared>>)
    %dma_wait3A_290 = arith.constant 69 : i32
    %dma_wait3A_291 = arith.constant 625 : i32
    %dma_wait3A_292 = arith.constant 0 : i32
    %dma_wait3A_293 = tpu.memref_slice %arg7[%dma_wait3A_291, %dma_wait3A_292] : memref<2000x16xf32, #tpu.memory_space<vmem>> -> memref<125x16xf32, #tpu.memory_space<vmem>>
    %dma_wait3A_294 = arith.constant 0 : i32
    %dma_wait3A_295 = tpu.memref_slice %arg5[%dma_wait3A_290, %dma_wait3A_294] : memref<80x125xi32, #tpu.memory_space<vmem>> -> memref<1x125xi32, #tpu.memory_space<vmem>>
    %dma_wait3A_296 = tpu.memref_squeeze %dma_wait3A_295 : memref<1x125xi32, #tpu.memory_space<vmem>> -> memref<125xi32, #tpu.memory_space<vmem>>
    %dma_wait3A_297 = arith.constant 0 : i32
    %dma_wait3A_298 = arith.constant 0 : i32
    %dma_wait3A_299 = tpu.memref_slice %arg9[%dma_wait3A_297, %dma_wait3A_298] : memref<10000x16xf32, #tpu.memory_space<vmem_shared>> -> memref<10000x16xf32, #tpu.memory_space<vmem_shared>>
    tpu.wait_indirect_dma semaphore(%arg13 : memref<!tpu.dma_semaphore, #tpu.memory_space<semaphore_mem>>) src(%dma_wait3A_293 : memref<125x16xf32, #tpu.memory_space<vmem>>) dst(%dma_wait3A_299 : memref<10000x16xf32, #tpu.memory_space<vmem_shared>>)
    %dma_wait3A_300 = arith.constant 70 : i32
    %dma_wait3A_301 = arith.constant 750 : i32
    %dma_wait3A_302 = arith.constant 0 : i32
    %dma_wait3A_303 = tpu.memref_slice %arg7[%dma_wait3A_301, %dma_wait3A_302] : memref<2000x16xf32, #tpu.memory_space<vmem>> -> memref<125x16xf32, #tpu.memory_space<vmem>>
    %dma_wait3A_304 = arith.constant 0 : i32
    %dma_wait3A_305 = tpu.memref_slice %arg5[%dma_wait3A_300, %dma_wait3A_304] : memref<80x125xi32, #tpu.memory_space<vmem>> -> memref<1x125xi32, #tpu.memory_space<vmem>>
    %dma_wait3A_306 = tpu.memref_squeeze %dma_wait3A_305 : memref<1x125xi32, #tpu.memory_space<vmem>> -> memref<125xi32, #tpu.memory_space<vmem>>
    %dma_wait3A_307 = arith.constant 0 : i32
    %dma_wait3A_308 = arith.constant 0 : i32
    %dma_wait3A_309 = tpu.memref_slice %arg9[%dma_wait3A_307, %dma_wait3A_308] : memref<10000x16xf32, #tpu.memory_space<vmem_shared>> -> memref<10000x16xf32, #tpu.memory_space<vmem_shared>>
    tpu.wait_indirect_dma semaphore(%arg13 : memref<!tpu.dma_semaphore, #tpu.memory_space<semaphore_mem>>) src(%dma_wait3A_303 : memref<125x16xf32, #tpu.memory_space<vmem>>) dst(%dma_wait3A_309 : memref<10000x16xf32, #tpu.memory_space<vmem_shared>>)
    %dma_wait3A_310 = arith.constant 71 : i32
    %dma_wait3A_311 = arith.constant 875 : i32
    %dma_wait3A_312 = arith.constant 0 : i32
    %dma_wait3A_313 = tpu.memref_slice %arg7[%dma_wait3A_311, %dma_wait3A_312] : memref<2000x16xf32, #tpu.memory_space<vmem>> -> memref<125x16xf32, #tpu.memory_space<vmem>>
    %dma_wait3A_314 = arith.constant 0 : i32
    %dma_wait3A_315 = tpu.memref_slice %arg5[%dma_wait3A_310, %dma_wait3A_314] : memref<80x125xi32, #tpu.memory_space<vmem>> -> memref<1x125xi32, #tpu.memory_space<vmem>>
    %dma_wait3A_316 = tpu.memref_squeeze %dma_wait3A_315 : memref<1x125xi32, #tpu.memory_space<vmem>> -> memref<125xi32, #tpu.memory_space<vmem>>
    %dma_wait3A_317 = arith.constant 0 : i32
    %dma_wait3A_318 = arith.constant 0 : i32
    %dma_wait3A_319 = tpu.memref_slice %arg9[%dma_wait3A_317, %dma_wait3A_318] : memref<10000x16xf32, #tpu.memory_space<vmem_shared>> -> memref<10000x16xf32, #tpu.memory_space<vmem_shared>>
    tpu.wait_indirect_dma semaphore(%arg13 : memref<!tpu.dma_semaphore, #tpu.memory_space<semaphore_mem>>) src(%dma_wait3A_313 : memref<125x16xf32, #tpu.memory_space<vmem>>) dst(%dma_wait3A_319 : memref<10000x16xf32, #tpu.memory_space<vmem_shared>>)
    %dma_wait3A_320 = arith.constant 72 : i32
    %dma_wait3A_321 = arith.constant 1000 : i32
    %dma_wait3A_322 = arith.constant 0 : i32
    %dma_wait3A_323 = tpu.memref_slice %arg7[%dma_wait3A_321, %dma_wait3A_322] : memref<2000x16xf32, #tpu.memory_space<vmem>> -> memref<125x16xf32, #tpu.memory_space<vmem>>
    %dma_wait3A_324 = arith.constant 0 : i32
    %dma_wait3A_325 = tpu.memref_slice %arg5[%dma_wait3A_320, %dma_wait3A_324] : memref<80x125xi32, #tpu.memory_space<vmem>> -> memref<1x125xi32, #tpu.memory_space<vmem>>
    %dma_wait3A_326 = tpu.memref_squeeze %dma_wait3A_325 : memref<1x125xi32, #tpu.memory_space<vmem>> -> memref<125xi32, #tpu.memory_space<vmem>>
    %dma_wait3A_327 = arith.constant 0 : i32
    %dma_wait3A_328 = arith.constant 0 : i32
    %dma_wait3A_329 = tpu.memref_slice %arg9[%dma_wait3A_327, %dma_wait3A_328] : memref<10000x16xf32, #tpu.memory_space<vmem_shared>> -> memref<10000x16xf32, #tpu.memory_space<vmem_shared>>
    tpu.wait_indirect_dma semaphore(%arg13 : memref<!tpu.dma_semaphore, #tpu.memory_space<semaphore_mem>>) src(%dma_wait3A_323 : memref<125x16xf32, #tpu.memory_space<vmem>>) dst(%dma_wait3A_329 : memref<10000x16xf32, #tpu.memory_space<vmem_shared>>)
    %dma_wait3A_330 = arith.constant 73 : i32
    %dma_wait3A_331 = arith.constant 1125 : i32
    %dma_wait3A_332 = arith.constant 0 : i32
    %dma_wait3A_333 = tpu.memref_slice %arg7[%dma_wait3A_331, %dma_wait3A_332] : memref<2000x16xf32, #tpu.memory_space<vmem>> -> memref<125x16xf32, #tpu.memory_space<vmem>>
    %dma_wait3A_334 = arith.constant 0 : i32
    %dma_wait3A_335 = tpu.memref_slice %arg5[%dma_wait3A_330, %dma_wait3A_334] : memref<80x125xi32, #tpu.memory_space<vmem>> -> memref<1x125xi32, #tpu.memory_space<vmem>>
    %dma_wait3A_336 = tpu.memref_squeeze %dma_wait3A_335 : memref<1x125xi32, #tpu.memory_space<vmem>> -> memref<125xi32, #tpu.memory_space<vmem>>
    %dma_wait3A_337 = arith.constant 0 : i32
    %dma_wait3A_338 = arith.constant 0 : i32
    %dma_wait3A_339 = tpu.memref_slice %arg9[%dma_wait3A_337, %dma_wait3A_338] : memref<10000x16xf32, #tpu.memory_space<vmem_shared>> -> memref<10000x16xf32, #tpu.memory_space<vmem_shared>>
    tpu.wait_indirect_dma semaphore(%arg13 : memref<!tpu.dma_semaphore, #tpu.memory_space<semaphore_mem>>) src(%dma_wait3A_333 : memref<125x16xf32, #tpu.memory_space<vmem>>) dst(%dma_wait3A_339 : memref<10000x16xf32, #tpu.memory_space<vmem_shared>>)
    %dma_wait3A_340 = arith.constant 74 : i32
    %dma_wait3A_341 = arith.constant 1250 : i32
    %dma_wait3A_342 = arith.constant 0 : i32
    %dma_wait3A_343 = tpu.memref_slice %arg7[%dma_wait3A_341, %dma_wait3A_342] : memref<2000x16xf32, #tpu.memory_space<vmem>> -> memref<125x16xf32, #tpu.memory_space<vmem>>
    %dma_wait3A_344 = arith.constant 0 : i32
    %dma_wait3A_345 = tpu.memref_slice %arg5[%dma_wait3A_340, %dma_wait3A_344] : memref<80x125xi32, #tpu.memory_space<vmem>> -> memref<1x125xi32, #tpu.memory_space<vmem>>
    %dma_wait3A_346 = tpu.memref_squeeze %dma_wait3A_345 : memref<1x125xi32, #tpu.memory_space<vmem>> -> memref<125xi32, #tpu.memory_space<vmem>>
    %dma_wait3A_347 = arith.constant 0 : i32
    %dma_wait3A_348 = arith.constant 0 : i32
    %dma_wait3A_349 = tpu.memref_slice %arg9[%dma_wait3A_347, %dma_wait3A_348] : memref<10000x16xf32, #tpu.memory_space<vmem_shared>> -> memref<10000x16xf32, #tpu.memory_space<vmem_shared>>
    tpu.wait_indirect_dma semaphore(%arg13 : memref<!tpu.dma_semaphore, #tpu.memory_space<semaphore_mem>>) src(%dma_wait3A_343 : memref<125x16xf32, #tpu.memory_space<vmem>>) dst(%dma_wait3A_349 : memref<10000x16xf32, #tpu.memory_space<vmem_shared>>)
    %dma_wait3A_350 = arith.constant 75 : i32
    %dma_wait3A_351 = arith.constant 1375 : i32
    %dma_wait3A_352 = arith.constant 0 : i32
    %dma_wait3A_353 = tpu.memref_slice %arg7[%dma_wait3A_351, %dma_wait3A_352] : memref<2000x16xf32, #tpu.memory_space<vmem>> -> memref<125x16xf32, #tpu.memory_space<vmem>>
    %dma_wait3A_354 = arith.constant 0 : i32
    %dma_wait3A_355 = tpu.memref_slice %arg5[%dma_wait3A_350, %dma_wait3A_354] : memref<80x125xi32, #tpu.memory_space<vmem>> -> memref<1x125xi32, #tpu.memory_space<vmem>>
    %dma_wait3A_356 = tpu.memref_squeeze %dma_wait3A_355 : memref<1x125xi32, #tpu.memory_space<vmem>> -> memref<125xi32, #tpu.memory_space<vmem>>
    %dma_wait3A_357 = arith.constant 0 : i32
    %dma_wait3A_358 = arith.constant 0 : i32
    %dma_wait3A_359 = tpu.memref_slice %arg9[%dma_wait3A_357, %dma_wait3A_358] : memref<10000x16xf32, #tpu.memory_space<vmem_shared>> -> memref<10000x16xf32, #tpu.memory_space<vmem_shared>>
    tpu.wait_indirect_dma semaphore(%arg13 : memref<!tpu.dma_semaphore, #tpu.memory_space<semaphore_mem>>) src(%dma_wait3A_353 : memref<125x16xf32, #tpu.memory_space<vmem>>) dst(%dma_wait3A_359 : memref<10000x16xf32, #tpu.memory_space<vmem_shared>>)
    %dma_wait3A_360 = arith.constant 76 : i32
    %dma_wait3A_361 = arith.constant 1500 : i32
    %dma_wait3A_362 = arith.constant 0 : i32
    %dma_wait3A_363 = tpu.memref_slice %arg7[%dma_wait3A_361, %dma_wait3A_362] : memref<2000x16xf32, #tpu.memory_space<vmem>> -> memref<125x16xf32, #tpu.memory_space<vmem>>
    %dma_wait3A_364 = arith.constant 0 : i32
    %dma_wait3A_365 = tpu.memref_slice %arg5[%dma_wait3A_360, %dma_wait3A_364] : memref<80x125xi32, #tpu.memory_space<vmem>> -> memref<1x125xi32, #tpu.memory_space<vmem>>
    %dma_wait3A_366 = tpu.memref_squeeze %dma_wait3A_365 : memref<1x125xi32, #tpu.memory_space<vmem>> -> memref<125xi32, #tpu.memory_space<vmem>>
    %dma_wait3A_367 = arith.constant 0 : i32
    %dma_wait3A_368 = arith.constant 0 : i32
    %dma_wait3A_369 = tpu.memref_slice %arg9[%dma_wait3A_367, %dma_wait3A_368] : memref<10000x16xf32, #tpu.memory_space<vmem_shared>> -> memref<10000x16xf32, #tpu.memory_space<vmem_shared>>
    tpu.wait_indirect_dma semaphore(%arg13 : memref<!tpu.dma_semaphore, #tpu.memory_space<semaphore_mem>>) src(%dma_wait3A_363 : memref<125x16xf32, #tpu.memory_space<vmem>>) dst(%dma_wait3A_369 : memref<10000x16xf32, #tpu.memory_space<vmem_shared>>)
    %dma_wait3A_370 = arith.constant 77 : i32
    %dma_wait3A_371 = arith.constant 1625 : i32
    %dma_wait3A_372 = arith.constant 0 : i32
    %dma_wait3A_373 = tpu.memref_slice %arg7[%dma_wait3A_371, %dma_wait3A_372] : memref<2000x16xf32, #tpu.memory_space<vmem>> -> memref<125x16xf32, #tpu.memory_space<vmem>>
    %dma_wait3A_374 = arith.constant 0 : i32
    %dma_wait3A_375 = tpu.memref_slice %arg5[%dma_wait3A_370, %dma_wait3A_374] : memref<80x125xi32, #tpu.memory_space<vmem>> -> memref<1x125xi32, #tpu.memory_space<vmem>>
    %dma_wait3A_376 = tpu.memref_squeeze %dma_wait3A_375 : memref<1x125xi32, #tpu.memory_space<vmem>> -> memref<125xi32, #tpu.memory_space<vmem>>
    %dma_wait3A_377 = arith.constant 0 : i32
    %dma_wait3A_378 = arith.constant 0 : i32
    %dma_wait3A_379 = tpu.memref_slice %arg9[%dma_wait3A_377, %dma_wait3A_378] : memref<10000x16xf32, #tpu.memory_space<vmem_shared>> -> memref<10000x16xf32, #tpu.memory_space<vmem_shared>>
    tpu.wait_indirect_dma semaphore(%arg13 : memref<!tpu.dma_semaphore, #tpu.memory_space<semaphore_mem>>) src(%dma_wait3A_373 : memref<125x16xf32, #tpu.memory_space<vmem>>) dst(%dma_wait3A_379 : memref<10000x16xf32, #tpu.memory_space<vmem_shared>>)
    %dma_wait3A_380 = arith.constant 78 : i32
    %dma_wait3A_381 = arith.constant 1750 : i32
    %dma_wait3A_382 = arith.constant 0 : i32
    %dma_wait3A_383 = tpu.memref_slice %arg7[%dma_wait3A_381, %dma_wait3A_382] : memref<2000x16xf32, #tpu.memory_space<vmem>> -> memref<125x16xf32, #tpu.memory_space<vmem>>
    %dma_wait3A_384 = arith.constant 0 : i32
    %dma_wait3A_385 = tpu.memref_slice %arg5[%dma_wait3A_380, %dma_wait3A_384] : memref<80x125xi32, #tpu.memory_space<vmem>> -> memref<1x125xi32, #tpu.memory_space<vmem>>
    %dma_wait3A_386 = tpu.memref_squeeze %dma_wait3A_385 : memref<1x125xi32, #tpu.memory_space<vmem>> -> memref<125xi32, #tpu.memory_space<vmem>>
    %dma_wait3A_387 = arith.constant 0 : i32
    %dma_wait3A_388 = arith.constant 0 : i32
    %dma_wait3A_389 = tpu.memref_slice %arg9[%dma_wait3A_387, %dma_wait3A_388] : memref<10000x16xf32, #tpu.memory_space<vmem_shared>> -> memref<10000x16xf32, #tpu.memory_space<vmem_shared>>
    tpu.wait_indirect_dma semaphore(%arg13 : memref<!tpu.dma_semaphore, #tpu.memory_space<semaphore_mem>>) src(%dma_wait3A_383 : memref<125x16xf32, #tpu.memory_space<vmem>>) dst(%dma_wait3A_389 : memref<10000x16xf32, #tpu.memory_space<vmem_shared>>)
    %dma_wait3A_390 = arith.constant 79 : i32
    %dma_wait3A_391 = arith.constant 1875 : i32
    %dma_wait3A_392 = arith.constant 0 : i32
    %dma_wait3A_393 = tpu.memref_slice %arg7[%dma_wait3A_391, %dma_wait3A_392] : memref<2000x16xf32, #tpu.memory_space<vmem>> -> memref<125x16xf32, #tpu.memory_space<vmem>>
    %dma_wait3A_394 = arith.constant 0 : i32
    %dma_wait3A_395 = tpu.memref_slice %arg5[%dma_wait3A_390, %dma_wait3A_394] : memref<80x125xi32, #tpu.memory_space<vmem>> -> memref<1x125xi32, #tpu.memory_space<vmem>>
    %dma_wait3A_396 = tpu.memref_squeeze %dma_wait3A_395 : memref<1x125xi32, #tpu.memory_space<vmem>> -> memref<125xi32, #tpu.memory_space<vmem>>
    %dma_wait3A_397 = arith.constant 0 : i32
    %dma_wait3A_398 = arith.constant 0 : i32
    %dma_wait3A_399 = tpu.memref_slice %arg9[%dma_wait3A_397, %dma_wait3A_398] : memref<10000x16xf32, #tpu.memory_space<vmem_shared>> -> memref<10000x16xf32, #tpu.memory_space<vmem_shared>>
    tpu.wait_indirect_dma semaphore(%arg13 : memref<!tpu.dma_semaphore, #tpu.memory_space<semaphore_mem>>) src(%dma_wait3A_393 : memref<125x16xf32, #tpu.memory_space<vmem>>) dst(%dma_wait3A_399 : memref<10000x16xf32, #tpu.memory_space<vmem_shared>>)
    %barrier3A_400 = arith.constant 0 : index
    tpu.barrier barrier_id(%barrier3A_400)
    %mul3A_401 = arith.constant 625 : i32
    %mul3A_402 = arith.muli %arg1, %mul3A_401 : i32
    "tpu.region"() ({
      %run_scoped3A = tpu.sem_alloc : memref<!tpu.dma_semaphore, #tpu.memory_space<semaphore_mem>>
      %dma_start3A_405 = arith.constant 0 : i32
      %dma_start3A_406 = tpu.memref_slice %arg9[%mul3A_402, %dma_start3A_405] : memref<10000x16xf32, #tpu.memory_space<vmem_shared>> -> memref<625x16xf32, #tpu.memory_space<vmem_shared>>
      %dma_start3A_407 = arith.constant 0 : i32
      %dma_start3A_408 = tpu.memref_slice %arg9[%mul3A_402, %dma_start3A_407] : memref<10000x16xf32, #tpu.memory_space<vmem_shared>> -> memref<625x16xf32, #tpu.memory_space<vmem_shared>>
      tpu.enqueue_dma source(%dma_start3A_408 : memref<625x16xf32, #tpu.memory_space<vmem_shared>>) target(%arg8 : memref<625x16xf32, #tpu.memory_space<vmem>>) target_semaphore(%run_scoped3A : memref<!tpu.dma_semaphore, #tpu.memory_space<semaphore_mem>>)
      %dma_wait3A_409 = arith.constant 0 : i32
      %dma_wait3A_410 = tpu.memref_slice %arg9[%mul3A_402, %dma_wait3A_409] : memref<10000x16xf32, #tpu.memory_space<vmem_shared>> -> memref<625x16xf32, #tpu.memory_space<vmem_shared>>
      %dma_wait3A_411 = arith.constant 0 : i32
      %dma_wait3A_412 = tpu.memref_slice %arg9[%mul3A_402, %dma_wait3A_411] : memref<10000x16xf32, #tpu.memory_space<vmem_shared>> -> memref<625x16xf32, #tpu.memory_space<vmem_shared>>
      tpu.wait_dma2 semaphore(%run_scoped3A : memref<!tpu.dma_semaphore, #tpu.memory_space<semaphore_mem>>) src(%dma_wait3A_412 : memref<625x16xf32, #tpu.memory_space<vmem_shared>>) dst(%arg8 : memref<625x16xf32, #tpu.memory_space<vmem>>)
      tpu.yield
    }) : () -> ()
    %mul3A_403 = arith.constant 625 : i32
    %mul3A_404 = arith.muli %arg1, %mul3A_403 : i32
    "tpu.region"() ({
      %run_scoped3A = tpu.sem_alloc : memref<!tpu.dma_semaphore, #tpu.memory_space<semaphore_mem>>
      %dma_start3A_405 = arith.constant 0 : i32
      %dma_start3A_406 = tpu.memref_slice %arg4[%arg0, %mul3A_404, %dma_start3A_405] : memref<2x10000x16xf32, #tpu.memory_space<hbm>> -> memref<1x625x16xf32, #tpu.memory_space<hbm>>
      %dma_start3A_407 = tpu.memref_squeeze %dma_start3A_406 : memref<1x625x16xf32, #tpu.memory_space<hbm>> -> memref<625x16xf32, #tpu.memory_space<hbm>>
      %dma_start3A_408 = arith.constant 0 : i32
      %dma_start3A_409 = tpu.memref_slice %arg4[%arg0, %mul3A_404, %dma_start3A_408] : memref<2x10000x16xf32, #tpu.memory_space<hbm>> -> memref<1x625x16xf32, #tpu.memory_space<hbm>>
      %dma_start3A_410 = tpu.memref_squeeze %dma_start3A_409 : memref<1x625x16xf32, #tpu.memory_space<hbm>> -> memref<625x16xf32, #tpu.memory_space<hbm>>
      tpu.enqueue_dma source(%arg8 : memref<625x16xf32, #tpu.memory_space<vmem>>) target(%dma_start3A_410 : memref<625x16xf32, #tpu.memory_space<hbm>>) target_semaphore(%run_scoped3A : memref<!tpu.dma_semaphore, #tpu.memory_space<semaphore_mem>>)
      %dma_wait3A_411 = arith.constant 0 : i32
      %dma_wait3A_412 = tpu.memref_slice %arg4[%arg0, %mul3A_404, %dma_wait3A_411] : memref<2x10000x16xf32, #tpu.memory_space<hbm>> -> memref<1x625x16xf32, #tpu.memory_space<hbm>>
      %dma_wait3A_413 = tpu.memref_squeeze %dma_wait3A_412 : memref<1x625x16xf32, #tpu.memory_space<hbm>> -> memref<625x16xf32, #tpu.memory_space<hbm>>
      %dma_wait3A_414 = arith.constant 0 : i32
      %dma_wait3A_415 = tpu.memref_slice %arg4[%arg0, %mul3A_404, %dma_wait3A_414] : memref<2x10000x16xf32, #tpu.memory_space<hbm>> -> memref<1x625x16xf32, #tpu.memory_space<hbm>>
      %dma_wait3A_416 = tpu.memref_squeeze %dma_wait3A_415 : memref<1x625x16xf32, #tpu.memory_space<hbm>> -> memref<625x16xf32, #tpu.memory_space<hbm>>
      tpu.wait_dma2 semaphore(%run_scoped3A : memref<!tpu.dma_semaphore, #tpu.memory_space<semaphore_mem>>) src(%arg8 : memref<625x16xf32, #tpu.memory_space<vmem>>) dst(%dma_wait3A_416 : memref<625x16xf32, #tpu.memory_space<hbm>>)
      tpu.yield
    }) : () -> ()
    return
  }
}

module attributes {stable_mosaic.version = 14 : i64} {
  func.func @_wgen_body(%arg0: i32, %arg1: memref<16x12800xf32, #tpu.memory_space<vmem>>, %arg2: memref<16x256xf32, #tpu.memory_space<vmem>>, %arg3: memref<1x256xf32, #tpu.memory_space<vmem>>, %arg4: memref<16x12800xf32, #tpu.memory_space<vmem>>) attributes {dimension_semantics = [#tpu.dimension_semantics<arbitrary>], iteration_bounds = array<i64: 25>, scalar_prefetch = 0 : i64, scratch_operands = 0 : i64, tpu.core_type = #tpu.core_type<tc>, window_params = [{transform_indices = @transform_0, window_bounds = array<i64: 16, 12800>}, {pipeline_mode = #tpu.pipeline_mode<synchronous>, transform_indices = @transform_1, window_bounds = array<i64: 16, 256>}, {pipeline_mode = #tpu.pipeline_mode<synchronous>, transform_indices = @transform_2, window_bounds = array<i64: 1, 256>}, {transform_indices = @transform_3, window_bounds = array<i64: 16, 12800>}]} {
    %get3A = arith.constant 0 : index
    %get3A_0 = arith.constant 0 : index
    %get3A_1 = vector.load %arg1[%get3A, %get3A_0] : memref<16x12800xf32, #tpu.memory_space<vmem>>, vector<16x12800xf32>
    %get3A_2 = arith.constant 0 : index
    %get3A_3 = arith.constant 0 : index
    %get3A_4 = vector.load %arg2[%get3A_2, %get3A_3] : memref<16x256xf32, #tpu.memory_space<vmem>>, vector<16x256xf32>
    %get3A_5 = arith.constant 0 : index
    %get3A_6 = arith.constant 0 : index
    %get3A_7 = vector.load %arg3[%get3A_5, %get3A_6] : memref<1x256xf32, #tpu.memory_space<vmem>>, vector<1x256xf32>
    %dot_general3A = arith.constant dense<0.000000e+00> : vector<12800x256xf32>
    %dot_general3A_8 = tpu.matmul %get3A_1, %get3A_4, %dot_general3A {dimension_numbers = #tpu.dot_dimension_numbers<[0], [0], [1], [1], [0, 1, 1, 1], [], []>, transpose_lhs_hint = false} : vector<16x12800xf32>, vector<16x256xf32>, vector<12800x256xf32> -> vector<12800x256xf32>
    %add3A = vector.broadcast %get3A_7 : vector<1x256xf32> to vector<12800x256xf32>
    %add3A_9 = arith.addf %dot_general3A_8, %add3A : vector<12800x256xf32>
    %convert_element_type3A = arith.truncf %add3A_9 : vector<12800x256xf32> to vector<12800x256xbf16>
    %iota3A = tpu.iota {dimensions = array<i32: 0>} : vector<16x256xi32>
    %iota3A_10 = tpu.iota {dimensions = array<i32: 1>} : vector<16x256xi32>
    %jit3A = arith.constant 16 : i32
    %div3A = vector.broadcast %jit3A : i32 to vector<16x256xi32>
    %div3A_11 = arith.divsi %iota3A_10, %div3A : vector<16x256xi32>
    %sign3A = arith.constant 0 : i32
    %sign3A_12 = vector.broadcast %sign3A : i32 to vector<16x256xi32>
    %sign3A_13 = arith.cmpi sgt, %iota3A_10, %sign3A_12 : vector<16x256xi32>
    %sign3A_14 = arith.extui %sign3A_13 : vector<16x256xi1> to vector<16x256xi32>
    %sign3A_15 = arith.constant 0 : i32
    %sign3A_16 = vector.broadcast %sign3A_15 : i32 to vector<16x256xi32>
    %sign3A_17 = arith.cmpi slt, %iota3A_10, %sign3A_16 : vector<16x256xi32>
    %sign3A_18 = arith.extui %sign3A_17 : vector<16x256xi1> to vector<16x256xi32>
    %sign3A_19 = arith.subi %sign3A_14, %sign3A_18 : vector<16x256xi32>
    %sign3A_20 = arith.constant 0 : i32
    %sign3A_21 = arith.cmpi sgt, %jit3A, %sign3A_20 : i32
    %sign3A_22 = arith.extui %sign3A_21 : i1 to i32
    %sign3A_23 = arith.constant 0 : i32
    %sign3A_24 = arith.cmpi slt, %jit3A, %sign3A_23 : i32
    %sign3A_25 = arith.extui %sign3A_24 : i1 to i32
    %sign3A_26 = arith.subi %sign3A_22, %sign3A_25 : i32
    %ne3A = vector.broadcast %sign3A_26 : i32 to vector<16x256xi32>
    %ne3A_27 = arith.cmpi ne, %sign3A_19, %ne3A : vector<16x256xi32>
    %rem3A = vector.broadcast %jit3A : i32 to vector<16x256xi32>
    %rem3A_28 = arith.remsi %iota3A_10, %rem3A : vector<16x256xi32>
    %ne3A_29 = arith.constant 0 : i32
    %ne3A_30 = vector.broadcast %ne3A_29 : i32 to vector<16x256xi32>
    %ne3A_31 = arith.cmpi ne, %rem3A_28, %ne3A_30 : vector<16x256xi32>
    %and3A = arith.andi %ne3A_27, %ne3A_31 : vector<16x256xi1>
    %sub3A = arith.constant 1 : i32
    %sub3A_32 = vector.broadcast %sub3A : i32 to vector<16x256xi32>
    %sub3A_33 = arith.subi %div3A_11, %sub3A_32 : vector<16x256xi32>
    %select_n3A = arith.select %and3A, %sub3A_33, %div3A_11 : vector<16x256xi1>, vector<16x256xi32>
    %eq3A = arith.cmpi eq, %select_n3A, %iota3A : vector<16x256xi32>
    %jit3A_34 = arith.constant 1.000000e+00 : f32
    %jit3A_35 = arith.constant 0.000000e+00 : f32
    %broadcast_in_dim3A = vector.broadcast %jit3A_34 : f32 to vector<16x256xf32>
    %broadcast_in_dim3A_36 = vector.broadcast %jit3A_35 : f32 to vector<16x256xf32>
    %select_n3A_37 = arith.select %eq3A, %broadcast_in_dim3A, %broadcast_in_dim3A_36 : vector<16x256xi1>, vector<16x256xf32>
    %convert_element_type3A_38 = arith.truncf %select_n3A_37 : vector<16x256xf32> to vector<16x256xbf16>
    %dot_general3A_39 = arith.constant dense<0.000000e+00> : vector<16x12800xf32>
    %dot_general3A_40 = tpu.matmul %convert_element_type3A_38, %convert_element_type3A, %dot_general3A_39 {dimension_numbers = #tpu.dot_dimension_numbers<[1], [1], [0], [0], [0, 0, 1, 0], [], []>, transpose_lhs_hint = false} : vector<16x256xbf16>, vector<12800x256xbf16>, vector<16x12800xf32> -> vector<16x12800xf32>
    %swap3A = arith.constant 0 : index
    %swap3A_41 = arith.constant 0 : index
    %swap3A_42 = vector.load %arg4[%swap3A, %swap3A_41] : memref<16x12800xf32, #tpu.memory_space<vmem>>, vector<16x12800xf32>
    tpu.vector_store %arg4[%swap3A, %swap3A_41], %dot_general3A_40 {strides = array<i32>} : memref<16x12800xf32, #tpu.memory_space<vmem>>, vector<16x12800xf32>,
    return
  }
  func.func @transform_0(%arg0: i32) -> (i32, i32) {
    %c0_i32 = arith.constant 0 : i32
    %c0_i32_0 = arith.constant 0 : i32
    return %c0_i32, %arg0 : i32, i32
  }
  func.func @transform_1(%arg0: i32) -> (i32, i32) {
    %c0_i32 = arith.constant 0 : i32
    %c0_i32_0 = arith.constant 0 : i32
    %c0_i32_1 = arith.constant 0 : i32
    return %c0_i32, %c0_i32_0 : i32, i32
  }
  func.func @transform_2(%arg0: i32) -> (i32, i32) {
    %c0_i32 = arith.constant 0 : i32
    %c0_i32_0 = arith.constant 0 : i32
    %c0_i32_1 = arith.constant 0 : i32
    return %c0_i32, %c0_i32_0 : i32, i32
  }
  func.func @transform_3(%arg0: i32) -> (i32, i32) {
    %c0_i32 = arith.constant 0 : i32
    %c0_i32_0 = arith.constant 0 : i32
    return %c0_i32, %arg0 : i32, i32
  }
}

module attributes {stable_mosaic.version = 14 : i64} {
  func.func @_finish_body(%arg0: memref<16x10000xf32, #tpu.memory_space<vmem>>, %arg1: memref<2x10000x16xf32, #tpu.memory_space<vmem>>, %arg2: memref<1x1xf32, #tpu.memory_space<smem>>) attributes {dimension_semantics = [], scalar_prefetch = 0 : i64, scratch_operands = 0 : i64, tpu.core_type = #tpu.core_type<tc>} {
    %get3A = arith.constant 0 : index
    %get3A_0 = arith.constant 0 : index
    %get3A_1 = vector.load %arg0[%get3A, %get3A_0] : memref<16x10000xf32, #tpu.memory_space<vmem>>, vector<16x10000xf32>
    %convert_element_type3A = arith.truncf %get3A_1 : vector<16x10000xf32> to vector<16x10000xbf16>
    %convert_element_type3A_2 = arith.extf %convert_element_type3A : vector<16x10000xbf16> to vector<16x10000xf32>
    %get3A_3 = arith.constant 0 : index
    %get3A_4 = arith.constant 0 : index
    %get3A_5 = arith.constant 0 : index
    %get3A_6 = vector.load %arg1[%get3A_3, %get3A_4, %get3A_5] : memref<2x10000x16xf32, #tpu.memory_space<vmem>>, vector<1x10000x16xf32>
    %get3A_7 = vector.shape_cast %get3A_6 : vector<1x10000x16xf32> to vector<10000x16xf32>
    %get3A_8 = arith.constant 1 : index
    %get3A_9 = arith.constant 0 : index
    %get3A_10 = arith.constant 0 : index
    %get3A_11 = vector.load %arg1[%get3A_8, %get3A_9, %get3A_10] : memref<2x10000x16xf32, #tpu.memory_space<vmem>>, vector<1x10000x16xf32>
    %get3A_12 = vector.shape_cast %get3A_11 : vector<1x10000x16xf32> to vector<10000x16xf32>
    %add3A = arith.addf %get3A_7, %get3A_12 : vector<10000x16xf32>
    %dot_general3A = arith.constant dense<0.000000e+00> : vector<16x16xf32>
    %dot_general3A_13 = tpu.matmul %convert_element_type3A_2, %add3A, %dot_general3A {dimension_numbers = #tpu.dot_dimension_numbers<[1], [0], [0], [1], [0, 0, 1, 1], [], []>, precision = #tpu.contract_precision<fp32>, transpose_lhs_hint = false} : vector<16x10000xf32>, vector<10000x16xf32>, vector<16x16xf32> -> vector<16x16xf32>
    %iota3A = tpu.iota {dimensions = array<i32: 0>} : vector<16x16xi32>
    %iota3A_14 = tpu.iota {dimensions = array<i32: 1>} : vector<16x16xi32>
    %eq3A = arith.cmpi eq, %iota3A, %iota3A_14 : vector<16x16xi32>
    %jit3A = arith.constant 0.000000e+00 : f32
    %broadcast_in_dim3A = vector.broadcast %jit3A : f32 to vector<16x16xf32>
    %select_n3A = arith.select %eq3A, %dot_general3A_13, %broadcast_in_dim3A : vector<16x16xi1>, vector<16x16xf32>
    %reduce_sum3A = vector.shape_cast %select_n3A : vector<16x16xf32> to vector<1x16x16xf32>
    %reduce_sum3A_15 = arith.constant dense<0.000000e+00> : vector<1xf32>
    %reduce_sum3A_16 = vector.multi_reduction <add>, %reduce_sum3A, %reduce_sum3A_15 [1, 2] : vector<1x16x16xf32> to vector<1xf32>
    %reduce_sum3A_17 = vector.shape_cast %reduce_sum3A_16 : vector<1xf32> to vector<1x1x1xf32>
    %reduce_sum3A_18 = vector.extract %reduce_sum3A_17[0, 0, 0] : f32 from vector<1x1x1xf32>
    %mul3A = arith.constant 1.95312495E-7 : f32
    %mul3A_19 = arith.mulf %reduce_sum3A_18, %mul3A : f32
    %swap3A = arith.constant 0 : index
    %swap3A_20 = arith.constant 0 : index
    %swap3A_21 = memref.load %arg2[%swap3A, %swap3A_20] : memref<1x1xf32, #tpu.memory_space<smem>>
    memref.store %mul3A_19, %arg2[%swap3A, %swap3A_20] : memref<1x1xf32, #tpu.memory_space<smem>>
    return
  }
}

</mosaic_0001>

<sc_bundles>
// kernel: kernel.5.cloned.1.call-start
scs
__scs_entry_jumppad:
0x0: {  	(pc) =	sbr.rel $0x88, $3  }
0x1: {  	(tag) =	ssettag $0x0;
	lr =	simm.s32 $0x1  }
0x2: {  	[smem:$0x3F9C] =	sst lr;
	_ =	strace $0xD0000000  }
0x3: {  	_ = 	snop  }
0x4: {  	_ = 	snop  }
0x5: {  	_ = 	snop  }
0x6: {  	_ = 	snop  }
0x7: {  	_ = 	snop  }
__scs_overlays_trampoline_lowered:
0x8: {  	[smem:$0x3FAB] =	sst s0  }
0x9: {  	[smem:$0x3FAC] =	sst s1  }
0xa: {  	[smem:$0x3FAD] =	sst s2  }
0xb: {  	[smem:$0x3FAE] =	sst s3  }
0xc: {  	[smem:$0x3FAF] =	sst s4  }
0xd: {  	[smem:$0x3FB0] =	sst s5  }
0xe: {  	[smem:$0x3FB1] =	sst s6  }
0xf: {  	[smem:$0x3FB2] =	sst s7  }
0x10: {  	[smem:$0x3FB3] =	sst s8  }
0x11: {  	[smem:$0x3FB4] =	sst s9;
	s0 =	simm.s32 @!p0 $0x0  }
0x12: {  	s1 =	sld [smem:$0x3F9A];
	s0 =	simm.s32 @p0 $0x1  }
0x13: {  	[smem:$0x3FB5] =	sst s0;
	s0 =	simm.s32 @!p1 $0x0  }
0x14: {  	s2 =	sld [smem:$0x3F99];
	s0 =	simm.s32 @p1 $0x1  }
0x15: {  	[smem:$0x3FB6] =	sst s0;
	s0 =	simm.s32 @!p2 $0x0  }
0x16: {  	s3 =	sld [smem:$0x3FDB];
	s0 =	simm.s32 @p2 $0x1  }
0x17: {  	s4 =	simm.s32 $0x1BF5;
	[smem:$0x3FB8] =	sst s0  }
0x18: {  	s0 =	sld [smem:$0x3F9B];
	_ =	swait.ge [sflag:s4], $0x0  }
0x19: {  	s7 =	sld [smem:$0x3F9C]  }
0x1a: {  	s8 =	sadd.s32 $0xFFFFE003, lr  }
0x1b: {  	s9 =	sadd.s32 $0xFFFFFEF7, lr;
	s5 =	simm.s32 $0xFFFFFFFF;
	p2 =	slt.u32 s8, $0xFFFFF086  }
0x1c: {  	p1 =	slt.u32 s9, $0xF7A;
	s5 =	simm.s32 @!p2 $0x0  }
0x1d: {  	s5 =	simm.s32 @p1 $0x1;
	p0 =	seq.s32 s7, s2  }
0x1e: {  	s7 =	smul.u32 @!p0 $0xF7A, s2;
	p2 =	seq.s32 @!p0 s5, $0x0  }
0x1f: {  	s9 =	smul.u32 $0xF7A, s1;
	s8 =	simm.s32 @!p0 $0x1BF5;
	p2 =	por !p2, p0  }
0x20: {  	[sflag:s8] =	ssyncset.s32 @!p0 $0xFFFFF086;
	s6 =	sadd.s32 @!p0 s3, s7;
	s7 =	simm.s32 @!p0 $0x108  }
0x21: {  	s3 =	sadd.s32 s3, s9;
	s6 =	sadd.s32 @!p0 $0x88, s6;
	s7 =	simm.s32 @p2 $0x1082  }
0x22: {  	[simem:s7], [sflag:s8] =	dma.local @!p0 [hbm:s6], $0xF7A  }
0x23: {  	s9 =	sor.u32 $0xD0000000, s2;
	s6 =	simm.s32 $0x108;
	_ =	swait.ge @!p0 [sflag:s8], $0x0  }
0x24: {  	s3 =	sadd.s32 $0x88, s3;
	s6 =	simm.s32 @!p1 $0x1082;
	[sflag:s4] =	ssyncset.s32 $0xFFFFF086  }
0x25: {  	[simem:s6], [sflag:s4] =	dma.local [hbm:s3], $0xF7A  }
0x26: {  	[smem:$0x3F9C] =	sst s1;
	(tag) =	ssettag s2;
	_ =	strace s9  }
0x27: {  	s1 =	sld [smem:$0x3FAC]  }
0x28: {  	s2 =	sld [smem:$0x3FAD]  }
0x29: {  	s4 =	sld [smem:$0x3FAF]  }
0x2a: {  	p0 =	seq.s32 s5, $0x0;
	s5 =	sld [smem:$0x3FB0]  }
0x2b: {  	s6 =	sld [smem:$0x3FB1]  }
0x2c: {  	s7 =	sld [smem:$0x3FB2]  }
0x2d: {  	s3 =	simm.s32 $0x108;
	s8 =	sld [smem:$0x3FB3]  }
0x2e: {  	s3 =	simm.s32 @!p0 $0x1082;
	s9 =	sld [smem:$0x3FB4]  }
0x2f: {  	lr =	sadd.s32 s0, s3;
	s0 =	sld [smem:$0x3FAB]  }
0x30: {  	s3 =	sld [smem:$0x3FAE]  }
0x31: {  	[smem:$0x3FB7] =	sst s10  }
0x32: {  	s10 =	sld [smem:$0x3FB5];
	_ =	sdelay $0x3  }
0x33: {  	p0 =	seq.s32 s10, $0x1;
	s10 =	sld [smem:$0x3FB7];
	_ =	sdelay $0x3  }
0x34: {  	[smem:$0x3FB7] =	sst s10  }
0x35: {  	s10 =	sld [smem:$0x3FB6];
	_ =	sdelay $0x3  }
0x36: {  	p1 =	seq.s32 s10, $0x1;
	s10 =	sld [smem:$0x3FB7];
	_ =	sdelay $0x3  }
0x37: {  	[smem:$0x3FB7] =	sst s10  }
0x38: {  	s10 =	sld [smem:$0x3FB8]  }
0x39: {  	_ = 	snop;
	(pc) =	sbr.ind lr, $3  }
0x3a: {  	_ = 	snop  }
0x3b: {  	_ = 	snop  }
0x3c: {  	p2 =	seq.s32 s10, $0x1;
	s10 =	sld [smem:$0x3FB7]  }
0x3d: {  	_ =	shalt  }
0x3e: {  	_ =	shalt  }
0x3f: {  	_ =	shalt  }
0x40: {  	_ =	shalt  }
0x41: {  	_ =	shalt  }
0x42: {  	_ =	shalt  }
0x43: {  	_ =	shalt  }
0x44: {  	_ =	shalt  }
0x45: {  	_ =	shalt  }
0x46: {  	_ =	shalt  }
0x47: {  	_ =	shalt  }
0x48: {  	_ =	shalt  }
0x49: {  	_ =	shalt  }
0x4a: {  	_ =	shalt  }
0x4b: {  	_ =	shalt  }
0x4c: {  	_ =	shalt  }
0x4d: {  	_ =	shalt  }
0x4e: {  	_ =	shalt  }
0x4f: {  	_ =	shalt  }
0x50: {  	_ =	shalt  }
0x51: {  	_ =	shalt  }
0x52: {  	_ =	shalt  }
0x53: {  	_ =	shalt  }
0x54: {  	_ =	shalt  }
0x55: {  	_ =	shalt  }
0x56: {  	_ =	shalt  }
0x57: {  	_ =	shalt  }
0x58: {  	_ =	shalt  }
0x59: {  	_ =	shalt  }
0x5a: {  	_ =	shalt  }
0x5b: {  	_ =	shalt  }
0x5c: {  	_ =	shalt  }
0x5d: {  	_ =	shalt  }
0x5e: {  	_ =	shalt  }
0x5f: {  	_ =	shalt  }
0x60: {  	_ =	shalt  }
0x61: {  	_ =	shalt  }
0x62: {  	_ =	shalt  }
0x63: {  	_ =	shalt  }
0x64: {  	_ =	shalt  }
0x65: {  	_ =	shalt  }
0x66: {  	_ =	shalt  }
0x67: {  	_ =	shalt  }
0x68: {  	_ =	shalt  }
0x69: {  	_ =	shalt  }
0x6a: {  	_ =	shalt  }
0x6b: {  	_ =	shalt  }
0x6c: {  	_ =	shalt  }
0x6d: {  	_ =	shalt  }
0x6e: {  	_ =	shalt  }
0x6f: {  	_ =	shalt  }
0x70: {  	_ =	shalt  }
0x71: {  	_ =	shalt  }
0x72: {  	_ =	shalt  }
0x73: {  	_ =	shalt  }
0x74: {  	_ =	shalt  }
0x75: {  	_ =	shalt  }
0x76: {  	_ =	shalt  }
0x77: {  	_ =	shalt  }
0x78: {  	_ =	shalt  }
0x79: {  	_ =	shalt  }
0x7a: {  	_ =	shalt  }
0x7b: {  	_ =	shalt  }
0x7c: {  	_ =	shalt  }
0x7d: {  	_ =	shalt  }
0x7e: {  	_ =	shalt  }
0x7f: {  	_ =	shalt  }
0x80: {  	_ =	shalt  }
0x81: {  	_ =	shalt  }
0x82: {  	_ =	shalt  }
0x83: {  	_ =	shalt  }
0x84: {  	_ =	shalt  }
0x85: {  	_ =	shalt  }
0x86: {  	_ =	shalt  }
0x87: {  	_ =	shalt  }
.Lfunc_end0:
.L_simem_size_0:
called_computation_lowered:
.L_overlay_start_0:
0x88: {  	s2 =	sld [smem:$0x3FD9]  }
0x89: {  	s3 =	sld [smem:$0x3FFE];
	_ =	sdelay $0x1  }
0x8a: {  	s1 =	srdreg.scid  }
0x8b: {  	s0 =	sand.u32 $0x1, s1  }
0x8c: {  	s16 =	sshll.u32 s0, $0xA;
	s2 =	sadd.s32 s3, s2  }
0x8d: {  	s2 =	sadd.s32 s2, s16  }
0x8e: {  	[smem:$0x3FC3] =	sst s2  }
0x8f: {  	_ = 	snop  }
0x90: {  	(tm) =	ssettm $0x1  }
0x91: {  	s17 =	sld [smem:$0x3FFB];
	_ =	sdelay $0x3  }
0x92: {  	_ =	strace s17  }
0x93: {  	s2 =	sld [smem:$0x3FFC];
	_ =	sdelay $0x3  }
0x94: {  	_ =	strace s2  }
0x95: {  	s2 =	sld [smem:$0x3FFD];
	_ =	sdelay $0x3  }
0x96: {  	_ =	strace s2  }
0x97: {  	_ =	strace $0x8FFFFFFF  }
0x98: {  	s18 =	sld [smem:$0x3FDB];
	_ =	sdelay $0x1  }
0x99: {  	s19 =	simm.s32 $_scs_section_size  }
0x9a: {  	s4 =	simm.s32 $_size__tile_overlayer_lowered;
	s5 =	simm.s32 $_tile_overlayer_lowered  }
0x9b: {  	s22 =	simm.s32 $0x1BFF;
	s21 =	sshll.u32 s5, $0x1;
	s2 =	sadd.s32 s19, s18  }
0x9c: {  	s6 =	simm.s32 $0x0;
	s20 =	sshll.u32 s4, $0x1;
	s4 =	sadd.s32 s21, s2  }
0x9d: {  	[timem:s6], [sflag:s22] =	dma.local [hbm:s4], s20  }
0x9e: {  	_ =	swait.ge [sflag:s22], s20  }
0x9f: {  	s3 =	ssub.s32 $0x0, s20;
	[sflag:s22] =	ssyncset.done $0x0  }
0xa0: {  	[sflag:s22] =	ssyncadd.s32 s3;
	_ =	sdelay $0x1  }
0xa1: {  	s23 =	simm.s32 $0x1B8B  }
0xa2: {  	_ =	swait.ge [sflag:s23], $0x1  }
0xa3: {  	[sflag:s23] =	ssyncset.done $0x0  }
0xa4: {  	s25 =	simm.s32 $0x1B8E;
	s24 =	sld [smem:$0x3FFE];
	[sflag:s23] =	ssyncadd.s32 $0xFFFFFFFF  }
0xa5: {  	s26 =	simm.s32 $execute0_lowered;
	[smem:$0x3FD2] =	sst s25  }
0xa6: {  	s4 =	sshll.u32 s26, $0x1;
	_ =	strace $0x80000046;
	[dreg:$0x1] =	wrdreg $0xFFFFFFFF  }
0xa7: {  	s28 =	simm.s32 $_size_execute0_lowered;
	s2 =	sadd.s32 s2, s4;
	[dreg:$0x0] =	wrdreg $0x0  }
0xa8: {  	s4 =	sshll.u32 s28, $0x1;
	[dreg:$0x2] =	wrdreg s2  }
0xa9: {  	[dreg:$0x3] =	wrdreg s4  }
0xaa: {  	[dreg:$0x4] =	wrdreg $0xC0  }
0xab: {  	_ =	task [dreg:s6], $0x5FFFF  }
0xac: {  	[dreg:$0x1] =	wrdreg $0xFFFFFFFF  }
0xad: {  	[dreg:$0x0] =	wrdreg $0x60  }
0xae: {  	[dreg:$0x2] =	wrdreg s24  }
0xaf: {  	[dreg:$0x3] =	wrdreg $0x1C6100  }
0xb0: {  	[dreg:$0x4] =	wrdreg $0x9  }
0xb1: {  	_ =	task.clear_ibuf [dreg:s6], $0x5FFFF;
	_ =	strace $0x90000046  }
0xb2: {  	s29 =	simm.s32 $0x9;
	_ =	strace $0x80000048  }
0xb3: {  	_ =	swait.ge [sflag:s29], $0x1  }
0xb4: {  	[sflag:s29] =	ssyncadd.s32 $0xFFFFFFFF  }
0xb5: {  	_ =	strace $0x90000048  }
0xb6: {  	_ =	sfence  }
0xb7: {  	s30 =	sld [smem:$0x0];
	_ =	sdelay $0x2  }
0xb8: {  	s31 =	sshll.u32 s1, $0xD;
	s1 =	sshrl.u32 s1, $0x2  }
0xb9: {  	s3 =	sand.u32 $0x4000, s31;
	s1 =	sadd.s32 s1, s30  }
0xba: {  	s0 =	sor.u32 s3, s0;
	s1 =	sshll.u32 s1, $0x11  }
0xbb: {  	s0 =	sor.u32 s1, s0  }
0xbc: {  	s0 =	sadd.s32 $0x8F2B, s0  }
0xbd: {  	[sflag:s0] =	ssyncadd.remote.s32 $0x1  }
0xbe: {  	_ =	sfence.sel $0xFFFF  }
0xbf: {  	[dreg:$0x0] =	wrdreg $0xFFFFFFFF;
	(pc) =	sbr.abs _section_cstart, $3  }
0xc0: {  	[dreg:$0x1] =	wrdreg $0xFFFFFFFF  }
0xc1: {  	_ =	task.clear_ibuf [dreg:s6], $0x2FFFF;
	_ =	strace $0x9FFFFFFF  }
0xc2: {  	(tm) =	ssettm $0x7FFFFFFF  }
0xc3: {  	_ =	shalt  }
tec
execute0_lowered:
.L_overlay_start_1:
0x0: {  	(tag) =	ssettag $0x1  }
0x1: {  	s0 =	srdreg.scid  }
0x2: {  	s5 =	stileid.u32;
	s3 =	rddreg [dreg:$0x0]  }
0x3: {  	s2 =	rddreg [dreg:$0x1];
	s13 =	simm.s32 $0x0;
	s15 =	simm.s32 $0x2800  }
0x4: {  	s16 =	simm.s32 $0xA500;
	s19 =	simm.s32 $0x19F00;
	s20 =	simm.s32 $0x2  }
0x5: {  	s21 =	simm.s32 $0x7D;
	s22 =	simm.s32 $0x12200;
	s28 =	simm.s32 $0x14910  }
0x6: {  	s29 =	simm.s32 $0x150E0;
	s30 =	simm.s32 $0x158B0;
	s31 =	simm.s32 $0x16080  }
0x7: {  	s11 =	simm.s32 $0x18F60;
	s12 =	simm.s32 $0x19730;
	s18 =	simm.s32 $0x0  }
0x8: {  	s0 =	sand.u32 $0x1, s0;
	s1 =	sshll.u32 s5, $0x1;
	s5 =	smul.u32 $0x2710, s5  }
0x9: {  	[smem:$0x7FF] =	sst s13;
	s1 =	sor.u32 s0, s1;
	s6 =	smul.u32 $0x27100, s0  }
0xa: {  	_ =	strace $0x80000047;
	s0 =	ssub.s32 $0x2, s0;
	s4 =	smul.u32 $0x500, s1  }
0xb: {  	s1 =	smul.u32 $0x2710, s1;
	s23 =	sshrl.u32 s0, $0x1;
	s17 =	sadd.s32 s5, s2  }
0xc: {  	s6 =	sadd.s32 s5, s6;
	s0 =	ssub.s32 s0, s23;
	s23 =	simm.s32 $0x129D0  }
0xd: {  	s5 =	simm.s32 $0x4;
	[dreg:$0x6] =	wrdreg s17;
	s7 =	sadd.s32 s4, s3  }
0xe: {  	s4 =	sadd.s32 $0x800, s3;
	s6 =	sshrl.u32 s6, $0x3;
	s8 =	sshrl.u32 s1, $0x3  }
0xf: {  	s9 =	sadd.s32 $0xFA0, s1;
	s0 =	smax.u32 s0, $0x1;
	s1 =	simm.s32 $0x16850  }
0x10: {  	s3 =	sadd.s32 s6, s3;
	s8 =	sadd.s32 s4, s8;
	s24 =	sadd.s32 $0x9CC00, s7  }
0x11: {  	[dreg:$0x8] =	wrdreg s0;
	s0 =	simm.s32 $0x17020;
	s6 =	simm.s32 $0x17FC0  }
0x12: {  	s7 =	simm.s32 $0x18790;
	[dreg:$0x4] =	wrdreg s24;
	s25 =	sadd.s32 $0xFA, s8  }
0x13: {  	[dreg:$0x3] =	wrdreg s8;
	s10 =	sadd.s32 $0x2EE, s8;
	s26 =	sadd.s32 $0xA6C00, s3  }
0x14: {  	v1 =	vlaneseq.u32;
	s24 =	simm.s32 $0x131A0;
	s3 =	simm.s32 $0x177F0;
	[dreg:$0x5] =	wrdreg s25  }
0x15: {  	v0 =	vimm.f32 $0.0e+00;
	v1 =	vmul.u32 $0x7D0, v1;
	[dreg:$0x7] =	wrdreg s26;
	s25 =	simm.s32 $0x13970;
	s26 =	simm.s32 $0x14140  }
.LBB2_1:
0x16: {  	[dreg:$0x9] =	wrdreg s18  }
0x17: {  	s8 =	rddreg [dreg:$0x4]  }
0x18: {  	[tilespmem:s13], [sflag:$0x1] =	stream.linear.gather [hbm4b:s8+s13], $0x2800, $0x38;
	[tilespmem:$0x1ED20] =	vst v63  }
0x19: {  	s14 =	rddreg [dreg:$0x3];
	s18 =	simm.s32 $0x4E200;
	s13 =	simm.s32 $0x7D0  }
0x1a: {  	[tilespmem:s15], [sflag:$0x2] =	stream.strided.gather [hbm4b:s14+s13], $0x7D00, s18, s13, $0x38;
	[tilespmem:$0x1ED20] =	vst v63  }
0x1b: {  	s8 =	rddreg [dreg:$0x5]  }
0x1c: {  	[tilespmem:s16], [sflag:$0x3] =	stream.strided.gather [hbm4b:s8+s13], $0x7D00, s18, s13, $0x38;
	[tilespmem:$0x1ED20] =	vst v63  }
0x1d: {  	s14 =	simm.s32 $0x4E200;
	s8 =	simm.s32 $0x40;
	s13 =	simm.s32 $0x0  }
.LBB2_2:
0x1e: {  	p0 =	sne.s32 s8, $0x9C00;
	[tilespmem:s13+$0x19F00] =	vst v0;
	s13 =	smov.u32 s8;
	s8 =	sadd.s32 $0x40, s8  }
.Ltmp0:
0x1f: {  	(pc) =	sbr.rel @p0 .LBB2_2-.Ltmp0, $2  }
0x20: {  	_ =	sdelay $0x2  }
0x21: {  	s13 =	sshra.s32 s13, $0x2  }
0x22: {  	[tilespmem:s13+$0x19F00] =	vst v0;
	s8 =	simm.s32 $0x5  }
0x23: {  	[spmem:s17] =	stream.linear.scatter [tilespmem:s19], [sflag:$0x5], $0x2710, $0x38;
	[tilespmem:$0x1ED20] =	vst v63  }
0x24: {  	_ =	swait.ge [sflag:s8], $0x2710  }
0x25: {  	[sflag:s8] =	ssyncset.done $0x0  }
0x26: {  	s19 =	simm.s32 $0x1;
	[sflag:s8] =	ssyncadd.s32 $0xFFFFD8F0  }
0x27: {  	_ =	swait.ge [sflag:s19], $0x2800  }
0x28: {  	[sflag:s19] =	ssyncset.done $0x0  }
0x29: {  	[sflag:s19] =	ssyncadd.s32 $0xFFFFD800  }
0x2a: {  	p1 =	por $0x1, $0x1;
	s19 =	simm.s32 $0x0;
	[bflag:$0x0] =	sbarrier.arrive $0xFFFF  }
.LBB2_4:
0x2b: {  	s8 =	simm.s32 $0x0  }
0x2c: {  	v2 =	vmov s8  }
0x2d: {  	v2 =	vand.u32 $0x7FC, v2  }
0x2e: {  	v2 =	vadd.s32 v1, v2;
	_ =	sdelay $0x1  }
0x2f: {  	_ =	swait.ge [sflag:s20], $0x7D00  }
0x30: {  	s17 =	simm.s32 $0x1;
	[sflag:s20] =	ssyncset.done $0x0  }
0x31: {  	v3 =	vmov s17;
	[sflag:s20] =	ssyncadd.s32 $0xFFFF8300  }
0x32: {  	v3 =	vand.u32 $0x7FD, v3;
	v2 =	vld.idx.msk [tilespmem:v2+s15+$0x0], $0xffff  }
0x33: {  	v3 =	vadd.s32 v1, v3;
	_ =	sdelay $0x2  }
0x34: {  	s13 =	simm.s32 $0x2;
	s8 =	simm.s32 $0x12220  }
0x35: {  	[tilespmem:s8+$0xFFFFFFE0] =	vst v2;
	v2 =	vmov s13  }
0x36: {  	v3 =	vld.idx.msk [tilespmem:v3+s15+$0x0], $0xffff;
	v2 =	vand.u32 $0x7FE, v2  }
0x37: {  	v2 =	vadd.s32 v1, v2;
	_ =	sdelay $0x3  }
0x38: {  	s18 =	simm.s32 $0x3;
	[tilespmem:s8+$0xFFFFFFF0] =	vst v3  }
0x39: {  	v3 =	vld.idx.msk [tilespmem:v2+s15+$0x0], $0xffff;
	v2 =	vmov s18  }
0x3a: {  	v2 =	vand.u32 $0x7FF, v2  }
0x3b: {  	v2 =	vadd.s32 v1, v2;
	_ =	sdelay $0x2  }
0x3c: {  	p0 =	por p1, p1  }
0x3d: {  	s17 =	simm.s32 $0xB;
	s13 =	simm.s32 $0x4;
	s18 =	simm.s32 $0x7;
	[tilespmem:s8+$0x0] =	vst v3  }
.LBB2_5:
0x3e: {  	p1 =	sne.s32 s17, $0x7CF;
	v3 =	vmov s13;
	v2 =	vld.idx.msk [tilespmem:v2+s15+$0x0], $0xffff  }
0x3f: {  	v3 =	vand.u32 $0x7FC, v3  }
0x40: {  	v3 =	vadd.s32 v1, v3;
	_ =	sdelay $0x3  }
0x41: {  	s13 =	sadd.s32 $0xFFFFFFFE, s18;
	[tilespmem:s8+$0x10] =	vst v2  }
0x42: {  	v2 =	vld.idx.msk [tilespmem:v3+s15+$0x0], $0xffff;
	v3 =	vmov s13  }
0x43: {  	v3 =	vand.u32 $0x7FD, v3  }
0x44: {  	v3 =	vadd.s32 v1, v3;
	_ =	sdelay $0x2  }
0x45: {  	s8 =	sadd.s32 $0x40, s8  }
0x46: {  	s13 =	sadd.s32 $0xFFFFFFFF, s18;
	[tilespmem:s8+$0xFFFFFFE0] =	vst v2  }
0x47: {  	v2 =	vld.idx.msk [tilespmem:v3+s15+$0x0], $0xffff;
	v3 =	vmov s13  }
0x48: {  	v3 =	vand.u32 $0x7FE, v3  }
0x49: {  	v3 =	vadd.s32 v1, v3;
	_ =	sdelay $0x3  }
0x4a: {  	[tilespmem:s8+$0xFFFFFFF0] =	vst v2  }
0x4b: {  	v2 =	vmov s18;
	s18 =	smov.u32 s17;
	v3 =	vld.idx.msk [tilespmem:v3+s15+$0x0], $0xffff  }
0x4c: {  	v2 =	vand.u32 $0x7FF, v2  }
.Ltmp1:
0x4d: {  	v2 =	vadd.s32 v1, v2;
	(pc) =	sbr.rel @p1 .LBB2_5-.Ltmp1, $2  }
0x4e: {  	_ =	sdelay $0x2  }
0x4f: {  	s17 =	sadd.s32 $0x4, s17;
	s13 =	sadd.s32 $0xFFFFFFFD, s18;
	[tilespmem:s8+$0x0] =	vst v3  }
0x50: {  	_ =	sdelay $0x2  }
0x51: {  	v3 =	vmov s13  }
0x52: {  	v2 =	vld.idx.msk [tilespmem:v2+s15+$0x0], $0xffff;
	v3 =	vand.u32 $0x7FC, v3  }
0x53: {  	v3 =	vadd.s32 v1, v3;
	_ =	sdelay $0x2  }
0x54: {  	s17 =	sadd.s32 $0xFFFFFFFE, s18  }
0x55: {  	[tilespmem:s8+$0x10] =	vst v2;
	v2 =	vmov s17  }
0x56: {  	v2 =	vand.u32 $0x7FD, v2;
	v3 =	vld.idx.msk [tilespmem:v3+s15+$0x0], $0xffff  }
0x57: {  	v2 =	vadd.s32 v1, v2;
	_ =	sdelay $0x2  }
0x58: {  	s8 =	sadd.s32 $0x40, s8;
	s17 =	sadd.s32 $0xFFFFFFFF, s18  }
0x59: {  	[tilespmem:s8+$0xFFFFFFE0] =	vst v3;
	v3 =	vmov s17  }
0x5a: {  	v2 =	vld.idx.msk [tilespmem:v2+s15+$0x0], $0xffff;
	v3 =	vand.u32 $0x7FE, v3  }
0x5b: {  	v3 =	vadd.s32 v1, v3;
	_ =	sdelay $0x3  }
0x5c: {  	[tilespmem:s8+$0xFFFFFFF0] =	vst v2;
	v2 =	vmov s18  }
0x5d: {  	v3 =	vld.idx.msk [tilespmem:v3+s15+$0x0], $0xffff;
	v2 =	vand.u32 $0x7FF, v2  }
0x5e: {  	v2 =	vadd.s32 v1, v2;
	_ =	sdelay $0x3  }
0x5f: {  	[tilespmem:s8+$0x0] =	vst v3  }
0x60: {  	v2 =	vld.idx.msk [tilespmem:v2+s15+$0x0], $0xffff  }
0x61: {  	s18 =	smul.u32 $0xFA0, s19;
	_ =	sdelay $0x1  }
0x62: {  	s13 =	sadd.s32 s18, s9  }
0x63: {  	s13 =	sshrl.u32 s13, $0x3  }
0x64: {  	s18 =	simm.s32 $0x7D0;
	s17 =	sadd.s32 s4, s13;
	[tilespmem:s8+$0x10] =	vst v2  }
0x65: {  	[tilespmem:s15], [sflag:$0x2] =	stream.strided.gather [hbm4b:s17+s18], $0x7D00, s14, s18, $0x38;
	[tilespmem:$0x1ED20] =	vst v63  }
0x66: {  	s17 =	sshll.u32 s19, $0xC  }
0x67: {  	s19 =	sand.u32 $0x3FFFF000, s17  }
0x68: {  	[spmem:s2] =	stream.indirect.scatter.add.f32 [tilespmem:s22], [sflag:$0x4], $0x10, s19, s21, $0xb8;
	[tilespmem:$0x1ED20] =	vst v63  }
0x69: {  	s8 =	sor.u32 $0x80, s19  }
0x6a: {  	[spmem:s2] =	stream.indirect.scatter.add.f32 [tilespmem:s23], [sflag:$0x4], $0x10, s8, s21, $0xb8;
	[tilespmem:$0x1ED20] =	vst v63  }
0x6b: {  	s18 =	sor.u32 $0x100, s19  }
0x6c: {  	[spmem:s2] =	stream.indirect.scatter.add.f32 [tilespmem:s24], [sflag:$0x4], $0x10, s18, s21, $0xb8;
	[tilespmem:$0x1ED20] =	vst v63  }
0x6d: {  	s13 =	sor.u32 $0x180, s19  }
0x6e: {  	[spmem:s2] =	stream.indirect.scatter.add.f32 [tilespmem:s25], [sflag:$0x4], $0x10, s13, s21, $0xb8;
	[tilespmem:$0x1ED20] =	vst v63  }
0x6f: {  	s17 =	sor.u32 $0x200, s19  }
0x70: {  	[spmem:s2] =	stream.indirect.scatter.add.f32 [tilespmem:s26], [sflag:$0x4], $0x10, s17, s21, $0xb8;
	[tilespmem:$0x1ED20] =	vst v63  }
0x71: {  	s18 =	sor.u32 $0x280, s19  }
0x72: {  	[spmem:s2] =	stream.indirect.scatter.add.f32 [tilespmem:s28], [sflag:$0x4], $0x10, s18, s21, $0xb8;
	[tilespmem:$0x1ED20] =	vst v63  }
0x73: {  	s13 =	sor.u32 $0x300, s19  }
0x74: {  	[spmem:s2] =	stream.indirect.scatter.add.f32 [tilespmem:s29], [sflag:$0x4], $0x10, s13, s21, $0xb8;
	[tilespmem:$0x1ED20] =	vst v63  }
0x75: {  	s17 =	sor.u32 $0x380, s19  }
0x76: {  	[spmem:s2] =	stream.indirect.scatter.add.f32 [tilespmem:s30], [sflag:$0x4], $0x10, s17, s21, $0xb8;
	[tilespmem:$0x1ED20] =	vst v63  }
0x77: {  	s18 =	sor.u32 $0x400, s19  }
0x78: {  	[spmem:s2] =	stream.indirect.scatter.add.f32 [tilespmem:s31], [sflag:$0x4], $0x10, s18, s21, $0xb8;
	[tilespmem:$0x1ED20] =	vst v63  }
0x79: {  	s13 =	sor.u32 $0x480, s19  }
0x7a: {  	[spmem:s2] =	stream.indirect.scatter.add.f32 [tilespmem:s1], [sflag:$0x4], $0x10, s13, s21, $0xb8;
	[tilespmem:$0x1ED20] =	vst v63  }
0x7b: {  	s17 =	sor.u32 $0x500, s19  }
0x7c: {  	[spmem:s2] =	stream.indirect.scatter.add.f32 [tilespmem:s0], [sflag:$0x4], $0x10, s17, s21, $0xb8;
	[tilespmem:$0x1ED20] =	vst v63  }
0x7d: {  	s18 =	sor.u32 $0x580, s19  }
0x7e: {  	[spmem:s2] =	stream.indirect.scatter.add.f32 [tilespmem:s3], [sflag:$0x4], $0x10, s18, s21, $0xb8;
	[tilespmem:$0x1ED20] =	vst v63  }
0x7f: {  	s13 =	sor.u32 $0x600, s19  }
0x80: {  	[spmem:s2] =	stream.indirect.scatter.add.f32 [tilespmem:s6], [sflag:$0x4], $0x10, s13, s21, $0xb8;
	[tilespmem:$0x1ED20] =	vst v63  }
0x81: {  	s17 =	sor.u32 $0x680, s19  }
0x82: {  	[spmem:s2] =	stream.indirect.scatter.add.f32 [tilespmem:s7], [sflag:$0x4], $0x10, s17, s21, $0xb8;
	[tilespmem:$0x1ED20] =	vst v63  }
0x83: {  	s18 =	sor.u32 $0x700, s19  }
0x84: {  	[spmem:s2] =	stream.indirect.scatter.add.f32 [tilespmem:s11], [sflag:$0x4], $0x10, s18, s21, $0xb8;
	[tilespmem:$0x1ED20] =	vst v63  }
0x85: {  	s13 =	sor.u32 $0x780, s19  }
0x86: {  	[spmem:s2] =	stream.indirect.scatter.add.f32 [tilespmem:s12], [sflag:$0x4], $0x10, s13, s21, $0xb8;
	[tilespmem:$0x1ED20] =	vst v63  }
0x87: {  	_ =	swait.ge [sflag:s5], $0x7D0  }
0x88: {  	[sflag:s5] =	ssyncset.done $0x0  }
0x89: {  	[sflag:s5] =	ssyncadd.s32 $0xFFFFF830  }
0x8a: {  	_ =	swait.ge [sflag:s5], $0x7D0  }
0x8b: {  	[sflag:s5] =	ssyncset.done $0x0  }
0x8c: {  	[sflag:s5] =	ssyncadd.s32 $0xFFFFF830  }
0x8d: {  	_ =	swait.ge [sflag:s5], $0x7D0  }
0x8e: {  	[sflag:s5] =	ssyncset.done $0x0  }
0x8f: {  	[sflag:s5] =	ssyncadd.s32 $0xFFFFF830  }
0x90: {  	_ =	swait.ge [sflag:s5], $0x7D0  }
0x91: {  	[sflag:s5] =	ssyncset.done $0x0  }
0x92: {  	[sflag:s5] =	ssyncadd.s32 $0xFFFFF830  }
0x93: {  	_ =	swait.ge [sflag:s5], $0x7D0  }
0x94: {  	[sflag:s5] =	ssyncset.done $0x0  }
0x95: {  	[sflag:s5] =	ssyncadd.s32 $0xFFFFF830  }
0x96: {  	_ =	swait.ge [sflag:s5], $0x7D0  }
0x97: {  	[sflag:s5] =	ssyncset.done $0x0  }
0x98: {  	[sflag:s5] =	ssyncadd.s32 $0xFFFFF830  }
0x99: {  	_ =	swait.ge [sflag:s5], $0x7D0  }
0x9a: {  	[sflag:s5] =	ssyncset.done $0x0  }
0x9b: {  	[sflag:s5] =	ssyncadd.s32 $0xFFFFF830  }
0x9c: {  	_ =	swait.ge [sflag:s5], $0x7D0  }
0x9d: {  	[sflag:s5] =	ssyncset.done $0x0  }
0x9e: {  	[sflag:s5] =	ssyncadd.s32 $0xFFFFF830  }
0x9f: {  	_ =	swait.ge [sflag:s5], $0x7D0  }
0xa0: {  	[sflag:s5] =	ssyncset.done $0x0  }
0xa1: {  	[sflag:s5] =	ssyncadd.s32 $0xFFFFF830  }
0xa2: {  	_ =	swait.ge [sflag:s5], $0x7D0  }
0xa3: {  	[sflag:s5] =	ssyncset.done $0x0  }
0xa4: {  	[sflag:s5] =	ssyncadd.s32 $0xFFFFF830  }
0xa5: {  	_ =	swait.ge [sflag:s5], $0x7D0  }
0xa6: {  	[sflag:s5] =	ssyncset.done $0x0  }
0xa7: {  	[sflag:s5] =	ssyncadd.s32 $0xFFFFF830  }
0xa8: {  	_ =	swait.ge [sflag:s5], $0x7D0  }
0xa9: {  	[sflag:s5] =	ssyncset.done $0x0  }
0xaa: {  	[sflag:s5] =	ssyncadd.s32 $0xFFFFF830  }
0xab: {  	_ =	swait.ge [sflag:s5], $0x7D0  }
0xac: {  	[sflag:s5] =	ssyncset.done $0x0  }
0xad: {  	[sflag:s5] =	ssyncadd.s32 $0xFFFFF830  }
0xae: {  	_ =	swait.ge [sflag:s5], $0x7D0  }
0xaf: {  	[sflag:s5] =	ssyncset.done $0x0  }
0xb0: {  	[sflag:s5] =	ssyncadd.s32 $0xFFFFF830  }
0xb1: {  	_ =	swait.ge [sflag:s5], $0x7D0  }
0xb2: {  	s17 =	simm.s32 $0x0;
	[sflag:s5] =	ssyncset.done $0x0  }
0xb3: {  	v2 =	vmov s17;
	[sflag:s5] =	ssyncadd.s32 $0xFFFFF830  }
0xb4: {  	v2 =	vand.u32 $0x7FC, v2;
	_ =	swait.ge [sflag:s5], $0x7D0  }
0xb5: {  	v2 =	vadd.s32 v1, v2;
	[sflag:s5] =	ssyncset.done $0x0  }
0xb6: {  	s13 =	simm.s32 $0x3;
	[sflag:s5] =	ssyncadd.s32 $0xFFFFF830  }
0xb7: {  	_ =	swait.ge [sflag:s13], $0x7D00  }
0xb8: {  	s18 =	simm.s32 $0x1;
	[sflag:s13] =	ssyncset.done $0x0  }
0xb9: {  	v3 =	vmov s18;
	[sflag:s13] =	ssyncadd.s32 $0xFFFF8300  }
0xba: {  	v3 =	vand.u32 $0x7FD, v3;
	v2 =	vld.idx.msk [tilespmem:v2+s16+$0x0], $0xffff  }
0xbb: {  	v3 =	vadd.s32 v1, v3;
	_ =	sdelay $0x2  }
0xbc: {  	s8 =	simm.s32 $0x12220;
	s17 =	simm.s32 $0x2  }
0xbd: {  	[tilespmem:s8+$0xFFFFFFE0] =	vst v2;
	v2 =	vmov s17  }
0xbe: {  	v3 =	vld.idx.msk [tilespmem:v3+s16+$0x0], $0xffff;
	v2 =	vand.u32 $0x7FE, v2  }
0xbf: {  	v2 =	vadd.s32 v1, v2;
	_ =	sdelay $0x3  }
0xc0: {  	[tilespmem:s8+$0xFFFFFFF0] =	vst v3  }
0xc1: {  	v3 =	vld.idx.msk [tilespmem:v2+s16+$0x0], $0xffff;
	v2 =	vmov s13  }
0xc2: {  	v2 =	vand.u32 $0x7FF, v2  }
0xc3: {  	v2 =	vadd.s32 v1, v2;
	_ =	sdelay $0x3  }
0xc4: {  	s18 =	simm.s32 $0x7;
	s17 =	simm.s32 $0xB;
	s13 =	simm.s32 $0x4;
	[tilespmem:s8+$0x0] =	vst v3  }
.LBB2_7:
0xc5: {  	p1 =	sne.s32 s17, $0x7CF;
	v3 =	vmov s13;
	v2 =	vld.idx.msk [tilespmem:v2+s16+$0x0], $0xffff  }
0xc6: {  	v3 =	vand.u32 $0x7FC, v3  }
0xc7: {  	v3 =	vadd.s32 v1, v3;
	_ =	sdelay $0x3  }
0xc8: {  	s13 =	sadd.s32 $0xFFFFFFFE, s18;
	[tilespmem:s8+$0x10] =	vst v2  }
0xc9: {  	v2 =	vld.idx.msk [tilespmem:v3+s16+$0x0], $0xffff;
	v3 =	vmov s13  }
0xca: {  	v3 =	vand.u32 $0x7FD, v3  }
0xcb: {  	v3 =	vadd.s32 v1, v3;
	_ =	sdelay $0x2  }
0xcc: {  	s8 =	sadd.s32 $0x40, s8  }
0xcd: {  	s13 =	sadd.s32 $0xFFFFFFFF, s18;
	[tilespmem:s8+$0xFFFFFFE0] =	vst v2  }
0xce: {  	v2 =	vld.idx.msk [tilespmem:v3+s16+$0x0], $0xffff;
	v3 =	vmov s13  }
0xcf: {  	v3 =	vand.u32 $0x7FE, v3  }
0xd0: {  	v3 =	vadd.s32 v1, v3;
	_ =	sdelay $0x3  }
0xd1: {  	[tilespmem:s8+$0xFFFFFFF0] =	vst v2  }
0xd2: {  	v2 =	vmov s18;
	s18 =	smov.u32 s17;
	v3 =	vld.idx.msk [tilespmem:v3+s16+$0x0], $0xffff  }
0xd3: {  	v2 =	vand.u32 $0x7FF, v2  }
.Ltmp2:
0xd4: {  	v2 =	vadd.s32 v1, v2;
	(pc) =	sbr.rel @p1 .LBB2_7-.Ltmp2, $2  }
0xd5: {  	_ =	sdelay $0x2  }
0xd6: {  	s17 =	sadd.s32 $0x4, s17;
	s13 =	sadd.s32 $0xFFFFFFFD, s18;
	[tilespmem:s8+$0x0] =	vst v3  }
0xd7: {  	_ =	sdelay $0x2  }
0xd8: {  	v3 =	vmov s13  }
0xd9: {  	v2 =	vld.idx.msk [tilespmem:v2+s16+$0x0], $0xffff;
	v3 =	vand.u32 $0x7FC, v3  }
0xda: {  	v3 =	vadd.s32 v1, v3;
	_ =	sdelay $0x2  }
0xdb: {  	s17 =	sadd.s32 $0xFFFFFFFE, s18  }
0xdc: {  	[tilespmem:s8+$0x10] =	vst v2;
	v2 =	vmov s17  }
0xdd: {  	v2 =	vand.u32 $0x7FD, v2;
	v3 =	vld.idx.msk [tilespmem:v3+s16+$0x0], $0xffff  }
0xde: {  	v2 =	vadd.s32 v1, v2;
	_ =	sdelay $0x2  }
0xdf: {  	s8 =	sadd.s32 $0x40, s8;
	s17 =	sadd.s32 $0xFFFFFFFF, s18  }
0xe0: {  	[tilespmem:s8+$0xFFFFFFE0] =	vst v3;
	v3 =	vmov s17  }
0xe1: {  	v2 =	vld.idx.msk [tilespmem:v2+s16+$0x0], $0xffff;
	v3 =	vand.u32 $0x7FE, v3  }
0xe2: {  	v3 =	vadd.s32 v1, v3;
	_ =	sdelay $0x3  }
0xe3: {  	[tilespmem:s8+$0xFFFFFFF0] =	vst v2;
	v2 =	vmov s18  }
0xe4: {  	v3 =	vld.idx.msk [tilespmem:v3+s16+$0x0], $0xffff;
	v2 =	vand.u32 $0x7FF, v2  }
0xe5: {  	v2 =	vadd.s32 v1, v2;
	_ =	sdelay $0x3  }
0xe6: {  	[tilespmem:s8+$0x0] =	vst v3  }
0xe7: {  	v2 =	vld.idx.msk [tilespmem:v2+s16+$0x0], $0xffff;
	_ =	sdelay $0x4  }
0xe8: {  	s13 =	simm.s32 @p0 $0x4E200;
	s17 =	simm.s32 @p0 $0xA500;
	[tilespmem:s8+$0x10] =	vst v2;
	s8 =	simm.s32 @p0 $0x7D0  }
0xe9: {  	[tilespmem:s17], [sflag:$0x3] =	stream.strided.gather @p0 [hbm4b:s10+s8], $0x7D00, s13, s8, $0x38;
	[tilespmem:$0x1ED20] =	vst v63  }
0xea: {  	s13 =	sadd.s32 $0x800, s19  }
0xeb: {  	[spmem:s2] =	stream.indirect.scatter.add.f32 [tilespmem:s22], [sflag:$0x4], $0x10, s13, s21, $0xb8;
	[tilespmem:$0x1ED20] =	vst v63  }
0xec: {  	s17 =	sadd.s32 $0x880, s19  }
0xed: {  	[spmem:s2] =	stream.indirect.scatter.add.f32 [tilespmem:s23], [sflag:$0x4], $0x10, s17, s21, $0xb8;
	[tilespmem:$0x1ED20] =	vst v63  }
0xee: {  	s18 =	sadd.s32 $0x900, s19  }
0xef: {  	[spmem:s2] =	stream.indirect.scatter.add.f32 [tilespmem:s24], [sflag:$0x4], $0x10, s18, s21, $0xb8;
	[tilespmem:$0x1ED20] =	vst v63  }
0xf0: {  	s13 =	sadd.s32 $0x980, s19  }
0xf1: {  	[spmem:s2] =	stream.indirect.scatter.add.f32 [tilespmem:s25], [sflag:$0x4], $0x10, s13, s21, $0xb8;
	[tilespmem:$0x1ED20] =	vst v63  }
0xf2: {  	s17 =	sadd.s32 $0xA00, s19  }
0xf3: {  	[spmem:s2] =	stream.indirect.scatter.add.f32 [tilespmem:s26], [sflag:$0x4], $0x10, s17, s21, $0xb8;
	[tilespmem:$0x1ED20] =	vst v63  }
0xf4: {  	s18 =	sadd.s32 $0xA80, s19  }
0xf5: {  	[spmem:s2] =	stream.indirect.scatter.add.f32 [tilespmem:s28], [sflag:$0x4], $0x10, s18, s21, $0xb8;
	[tilespmem:$0x1ED20] =	vst v63  }
0xf6: {  	s13 =	sadd.s32 $0xB00, s19  }
0xf7: {  	[spmem:s2] =	stream.indirect.scatter.add.f32 [tilespmem:s29], [sflag:$0x4], $0x10, s13, s21, $0xb8;
	[tilespmem:$0x1ED20] =	vst v63  }
0xf8: {  	s17 =	sadd.s32 $0xB80, s19  }
0xf9: {  	[spmem:s2] =	stream.indirect.scatter.add.f32 [tilespmem:s30], [sflag:$0x4], $0x10, s17, s21, $0xb8;
	[tilespmem:$0x1ED20] =	vst v63  }
0xfa: {  	s18 =	sadd.s32 $0xC00, s19  }
0xfb: {  	[spmem:s2] =	stream.indirect.scatter.add.f32 [tilespmem:s31], [sflag:$0x4], $0x10, s18, s21, $0xb8;
	[tilespmem:$0x1ED20] =	vst v63  }
0xfc: {  	s13 =	sadd.s32 $0xC80, s19  }
0xfd: {  	[spmem:s2] =	stream.indirect.scatter.add.f32 [tilespmem:s1], [sflag:$0x4], $0x10, s13, s21, $0xb8;
	[tilespmem:$0x1ED20] =	vst v63  }
0xfe: {  	s17 =	sadd.s32 $0xD00, s19  }
0xff: {  	[spmem:s2] =	stream.indirect.scatter.add.f32 [tilespmem:s0], [sflag:$0x4], $0x10, s17, s21, $0xb8;
	[tilespmem:$0x1ED20] =	vst v63  }
0x100: {  	s18 =	sadd.s32 $0xD80, s19  }
0x101: {  	[spmem:s2] =	stream.indirect.scatter.add.f32 [tilespmem:s3], [sflag:$0x4], $0x10, s18, s21, $0xb8;
	[tilespmem:$0x1ED20] =	vst v63  }
0x102: {  	s13 =	sadd.s32 $0xE00, s19  }
0x103: {  	[spmem:s2] =	stream.indirect.scatter.add.f32 [tilespmem:s6], [sflag:$0x4], $0x10, s13, s21, $0xb8;
	[tilespmem:$0x1ED20] =	vst v63  }
0x104: {  	s17 =	sadd.s32 $0xE80, s19  }
0x105: {  	[spmem:s2] =	stream.indirect.scatter.add.f32 [tilespmem:s7], [sflag:$0x4], $0x10, s17, s21, $0xb8;
	[tilespmem:$0x1ED20] =	vst v63  }
0x106: {  	s18 =	sadd.s32 $0xF00, s19  }
0x107: {  	[spmem:s2] =	stream.indirect.scatter.add.f32 [tilespmem:s11], [sflag:$0x4], $0x10, s18, s21, $0xb8;
	[tilespmem:$0x1ED20] =	vst v63  }
0x108: {  	s19 =	sadd.s32 $0xF80, s19  }
0x109: {  	[spmem:s2] =	stream.indirect.scatter.add.f32 [tilespmem:s12], [sflag:$0x4], $0x10, s19, s21, $0xb8;
	[tilespmem:$0x1ED20] =	vst v63  }
0x10a: {  	_ =	swait.ge [sflag:s5], $0x7D0  }
0x10b: {  	[sflag:s5] =	ssyncset.done $0x0  }
0x10c: {  	[sflag:s5] =	ssyncadd.s32 $0xFFFFF830  }
0x10d: {  	_ =	swait.ge [sflag:s5], $0x7D0  }
0x10e: {  	[sflag:s5] =	ssyncset.done $0x0  }
0x10f: {  	[sflag:s5] =	ssyncadd.s32 $0xFFFFF830  }
0x110: {  	_ =	swait.ge [sflag:s5], $0x7D0  }
0x111: {  	[sflag:s5] =	ssyncset.done $0x0  }
0x112: {  	[sflag:s5] =	ssyncadd.s32 $0xFFFFF830  }
0x113: {  	_ =	swait.ge [sflag:s5], $0x7D0  }
0x114: {  	[sflag:s5] =	ssyncset.done $0x0  }
0x115: {  	[sflag:s5] =	ssyncadd.s32 $0xFFFFF830  }
0x116: {  	_ =	swait.ge [sflag:s5], $0x7D0  }
0x117: {  	[sflag:s5] =	ssyncset.done $0x0  }
0x118: {  	[sflag:s5] =	ssyncadd.s32 $0xFFFFF830  }
0x119: {  	_ =	swait.ge [sflag:s5], $0x7D0  }
0x11a: {  	[sflag:s5] =	ssyncset.done $0x0  }
0x11b: {  	[sflag:s5] =	ssyncadd.s32 $0xFFFFF830  }
0x11c: {  	_ =	swait.ge [sflag:s5], $0x7D0  }
0x11d: {  	[sflag:s5] =	ssyncset.done $0x0  }
0x11e: {  	[sflag:s5] =	ssyncadd.s32 $0xFFFFF830  }
0x11f: {  	_ =	swait.ge [sflag:s5], $0x7D0  }
0x120: {  	[sflag:s5] =	ssyncset.done $0x0  }
0x121: {  	[sflag:s5] =	ssyncadd.s32 $0xFFFFF830  }
0x122: {  	_ =	swait.ge [sflag:s5], $0x7D0  }
0x123: {  	[sflag:s5] =	ssyncset.done $0x0  }
0x124: {  	[sflag:s5] =	ssyncadd.s32 $0xFFFFF830  }
0x125: {  	_ =	swait.ge [sflag:s5], $0x7D0  }
0x126: {  	[sflag:s5] =	ssyncset.done $0x0  }
0x127: {  	[sflag:s5] =	ssyncadd.s32 $0xFFFFF830  }
0x128: {  	_ =	swait.ge [sflag:s5], $0x7D0  }
0x129: {  	[sflag:s5] =	ssyncset.done $0x0  }
0x12a: {  	[sflag:s5] =	ssyncadd.s32 $0xFFFFF830  }
0x12b: {  	_ =	swait.ge [sflag:s5], $0x7D0  }
0x12c: {  	[sflag:s5] =	ssyncset.done $0x0  }
0x12d: {  	[sflag:s5] =	ssyncadd.s32 $0xFFFFF830  }
0x12e: {  	_ =	swait.ge [sflag:s5], $0x7D0  }
0x12f: {  	[sflag:s5] =	ssyncset.done $0x0  }
0x130: {  	[sflag:s5] =	ssyncadd.s32 $0xFFFFF830  }
0x131: {  	_ =	swait.ge [sflag:s5], $0x7D0  }
0x132: {  	[sflag:s5] =	ssyncset.done $0x0  }
0x133: {  	[sflag:s5] =	ssyncadd.s32 $0xFFFFF830  }
0x134: {  	_ =	swait.ge [sflag:s5], $0x7D0  }
.Ltmp3:
0x135: {  	[sflag:s5] =	ssyncset.done $0x0;
	(pc) =	sbr.rel @p0 .LBB2_4-.Ltmp3, $4  }
0x136: {  	[sflag:s5] =	ssyncadd.s32 $0xFFFFF830  }
0x137: {  	_ =	swait.ge [sflag:s5], $0x7D0  }
0x138: {  	[sflag:s5] =	ssyncset.done $0x0  }
0x139: {  	p1 =	por $0x0, $0x0;
	s19 =	simm.s32 $0x1;
	[sflag:s5] =	ssyncadd.s32 $0xFFFFF830  }
0x13a: {  	s8 =	simm.s32 $0x0  }
0x13b: {  	v2 =	vmov s8  }
0x13c: {  	v2 =	vand.u32 $0x7FC, v2  }
0x13d: {  	v2 =	vadd.s32 v1, v2;
	_ =	sdelay $0x1  }
0x13e: {  	_ =	swait.ge [sflag:s20], $0x7D00  }
0x13f: {  	s18 =	simm.s32 $0x1;
	[sflag:s20] =	ssyncset.done $0x0  }
0x140: {  	v3 =	vmov s18;
	[sflag:s20] =	ssyncadd.s32 $0xFFFF8300  }
0x141: {  	v3 =	vand.u32 $0x7FD, v3;
	v2 =	vld.idx.msk [tilespmem:v2+s15+$0x0], $0xffff  }
0x142: {  	v3 =	vadd.s32 v1, v3;
	_ =	sdelay $0x2  }
0x143: {  	s13 =	simm.s32 $0x2;
	s8 =	simm.s32 $0x12220  }
0x144: {  	[tilespmem:s8+$0xFFFFFFE0] =	vst v2;
	v2 =	vmov s13  }
0x145: {  	v3 =	vld.idx.msk [tilespmem:v3+s15+$0x0], $0xffff;
	v2 =	vand.u32 $0x7FE, v2  }
0x146: {  	v2 =	vadd.s32 v1, v2;
	_ =	sdelay $0x3  }
0x147: {  	s19 =	simm.s32 $0x3;
	[tilespmem:s8+$0xFFFFFFF0] =	vst v3  }
0x148: {  	v3 =	vld.idx.msk [tilespmem:v2+s15+$0x0], $0xffff;
	v2 =	vmov s19  }
0x149: {  	v2 =	vand.u32 $0x7FF, v2  }
0x14a: {  	v2 =	vadd.s32 v1, v2;
	_ =	sdelay $0x3  }
0x14b: {  	s17 =	simm.s32 $0xB;
	s18 =	simm.s32 $0x7;
	s13 =	simm.s32 $0x4;
	[tilespmem:s8+$0x0] =	vst v3  }
.LBB2_10:
0x14c: {  	p0 =	sne.s32 s17, $0x7CF;
	v3 =	vmov s13;
	v2 =	vld.idx.msk [tilespmem:v2+s15+$0x0], $0xffff  }
0x14d: {  	v3 =	vand.u32 $0x7FC, v3  }
0x14e: {  	v3 =	vadd.s32 v1, v3;
	_ =	sdelay $0x3  }
0x14f: {  	s13 =	sadd.s32 $0xFFFFFFFE, s18;
	[tilespmem:s8+$0x10] =	vst v2  }
0x150: {  	v2 =	vld.idx.msk [tilespmem:v3+s15+$0x0], $0xffff;
	v3 =	vmov s13  }
0x151: {  	v3 =	vand.u32 $0x7FD, v3  }
0x152: {  	v3 =	vadd.s32 v1, v3;
	_ =	sdelay $0x2  }
0x153: {  	s8 =	sadd.s32 $0x40, s8  }
0x154: {  	s13 =	sadd.s32 $0xFFFFFFFF, s18;
	[tilespmem:s8+$0xFFFFFFE0] =	vst v2  }
0x155: {  	v2 =	vld.idx.msk [tilespmem:v3+s15+$0x0], $0xffff;
	v3 =	vmov s13  }
0x156: {  	v3 =	vand.u32 $0x7FE, v3  }
0x157: {  	v3 =	vadd.s32 v1, v3;
	_ =	sdelay $0x3  }
0x158: {  	[tilespmem:s8+$0xFFFFFFF0] =	vst v2  }
0x159: {  	v2 =	vmov s18;
	s18 =	smov.u32 s17;
	v3 =	vld.idx.msk [tilespmem:v3+s15+$0x0], $0xffff  }
0x15a: {  	v2 =	vand.u32 $0x7FF, v2  }
.Ltmp4:
0x15b: {  	v2 =	vadd.s32 v1, v2;
	(pc) =	sbr.rel @p0 .LBB2_10-.Ltmp4, $2  }
0x15c: {  	_ =	sdelay $0x2  }
0x15d: {  	s17 =	sadd.s32 $0x4, s17;
	s13 =	sadd.s32 $0xFFFFFFFD, s18;
	[tilespmem:s8+$0x0] =	vst v3  }
0x15e: {  	_ =	sdelay $0x2  }
0x15f: {  	v3 =	vmov s13  }
0x160: {  	v2 =	vld.idx.msk [tilespmem:v2+s15+$0x0], $0xffff;
	v3 =	vand.u32 $0x7FC, v3  }
0x161: {  	v3 =	vadd.s32 v1, v3;
	_ =	sdelay $0x2  }
0x162: {  	s17 =	sadd.s32 $0xFFFFFFFE, s18  }
0x163: {  	[tilespmem:s8+$0x10] =	vst v2;
	v2 =	vmov s17  }
0x164: {  	v2 =	vand.u32 $0x7FD, v2;
	v3 =	vld.idx.msk [tilespmem:v3+s15+$0x0], $0xffff  }
0x165: {  	v2 =	vadd.s32 v1, v2;
	_ =	sdelay $0x2  }
0x166: {  	s19 =	sadd.s32 $0x40, s8;
	s14 =	sadd.s32 $0xFFFFFFFF, s18  }
0x167: {  	v4 =	vmov s14;
	[tilespmem:s19+$0xFFFFFFE0] =	vst v3  }
0x168: {  	v3 =	vand.u32 $0x7FE, v4;
	v2 =	vld.idx.msk [tilespmem:v2+s15+$0x0], $0xffff  }
0x169: {  	v3 =	vadd.s32 v1, v3;
	_ =	sdelay $0x3  }
0x16a: {  	v63 =	vmov s18;
	[tilespmem:s19+$0xFFFFFFF0] =	vst v2  }
0x16b: {  	v2 =	vld.idx.msk [tilespmem:v3+s15+$0x0], $0xffff;
	v3 =	vand.u32 $0x7FF, v63  }
0x16c: {  	v3 =	vadd.s32 v1, v3;
	_ =	sdelay $0x3  }
0x16d: {  	[tilespmem:s19+$0x0] =	vst v2  }
0x16e: {  	v2 =	vld.idx.msk [tilespmem:v3+s15+$0x0], $0xffff;
	_ =	sdelay $0x4  }
0x16f: {  	s17 =	simm.s32 $0x2000;
	[tilespmem:s19+$0x10] =	vst v2  }
0x170: {  	[spmem:s2] =	stream.indirect.scatter.add.f32 [tilespmem:s22], [sflag:$0x4], $0x10, s17, s21, $0xb8;
	[tilespmem:$0x1ED20] =	vst v63  }
0x171: {  	s18 =	simm.s32 $0x2080  }
0x172: {  	[spmem:s2] =	stream.indirect.scatter.add.f32 [tilespmem:s23], [sflag:$0x4], $0x10, s18, s21, $0xb8;
	[tilespmem:$0x1ED20] =	vst v63  }
0x173: {  	s19 =	simm.s32 $0x2100  }
0x174: {  	[spmem:s2] =	stream.indirect.scatter.add.f32 [tilespmem:s24], [sflag:$0x4], $0x10, s19, s21, $0xb8;
	[tilespmem:$0x1ED20] =	vst v63  }
0x175: {  	s13 =	simm.s32 $0x2180  }
0x176: {  	[spmem:s2] =	stream.indirect.scatter.add.f32 [tilespmem:s25], [sflag:$0x4], $0x10, s13, s21, $0xb8;
	[tilespmem:$0x1ED20] =	vst v63  }
0x177: {  	s14 =	simm.s32 $0x2200  }
0x178: {  	[spmem:s2] =	stream.indirect.scatter.add.f32 [tilespmem:s26], [sflag:$0x4], $0x10, s14, s21, $0xb8;
	[tilespmem:$0x1ED20] =	vst v63  }
0x179: {  	s17 =	simm.s32 $0x2280  }
0x17a: {  	[spmem:s2] =	stream.indirect.scatter.add.f32 [tilespmem:s28], [sflag:$0x4], $0x10, s17, s21, $0xb8;
	[tilespmem:$0x1ED20] =	vst v63  }
0x17b: {  	s18 =	simm.s32 $0x2300  }
0x17c: {  	[spmem:s2] =	stream.indirect.scatter.add.f32 [tilespmem:s29], [sflag:$0x4], $0x10, s18, s21, $0xb8;
	[tilespmem:$0x1ED20] =	vst v63  }
0x17d: {  	s19 =	simm.s32 $0x2380  }
0x17e: {  	[spmem:s2] =	stream.indirect.scatter.add.f32 [tilespmem:s30], [sflag:$0x4], $0x10, s19, s21, $0xb8;
	[tilespmem:$0x1ED20] =	vst v63  }
0x17f: {  	s13 =	simm.s32 $0x2400  }
0x180: {  	[spmem:s2] =	stream.indirect.scatter.add.f32 [tilespmem:s31], [sflag:$0x4], $0x10, s13, s21, $0xb8;
	[tilespmem:$0x1ED20] =	vst v63  }
0x181: {  	s14 =	simm.s32 $0x2480  }
0x182: {  	[spmem:s2] =	stream.indirect.scatter.add.f32 [tilespmem:s1], [sflag:$0x4], $0x10, s14, s21, $0xb8;
	[tilespmem:$0x1ED20] =	vst v63  }
0x183: {  	s17 =	simm.s32 $0x2500  }
0x184: {  	[spmem:s2] =	stream.indirect.scatter.add.f32 [tilespmem:s0], [sflag:$0x4], $0x10, s17, s21, $0xb8;
	[tilespmem:$0x1ED20] =	vst v63  }
0x185: {  	s18 =	simm.s32 $0x2580  }
0x186: {  	[spmem:s2] =	stream.indirect.scatter.add.f32 [tilespmem:s3], [sflag:$0x4], $0x10, s18, s21, $0xb8;
	[tilespmem:$0x1ED20] =	vst v63  }
0x187: {  	s19 =	simm.s32 $0x2600  }
0x188: {  	[spmem:s2] =	stream.indirect.scatter.add.f32 [tilespmem:s6], [sflag:$0x4], $0x10, s19, s21, $0xb8;
	[tilespmem:$0x1ED20] =	vst v63  }
0x189: {  	s13 =	simm.s32 $0x2680  }
0x18a: {  	[spmem:s2] =	stream.indirect.scatter.add.f32 [tilespmem:s7], [sflag:$0x4], $0x10, s13, s21, $0xb8;
	[tilespmem:$0x1ED20] =	vst v63  }
0x18b: {  	s14 =	simm.s32 $0x2700  }
0x18c: {  	[spmem:s2] =	stream.indirect.scatter.add.f32 [tilespmem:s11], [sflag:$0x4], $0x10, s14, s21, $0xb8;
	[tilespmem:$0x1ED20] =	vst v63  }
0x18d: {  	s17 =	simm.s32 $0x2780  }
0x18e: {  	[spmem:s2] =	stream.indirect.scatter.add.f32 [tilespmem:s12], [sflag:$0x4], $0x10, s17, s21, $0xb8;
	[tilespmem:$0x1ED20] =	vst v63  }
0x18f: {  	_ =	swait.ge [sflag:s5], $0x7D0  }
0x190: {  	[sflag:s5] =	ssyncset.done $0x0  }
0x191: {  	[sflag:s5] =	ssyncadd.s32 $0xFFFFF830  }
0x192: {  	_ =	swait.ge [sflag:s5], $0x7D0  }
0x193: {  	[sflag:s5] =	ssyncset.done $0x0  }
0x194: {  	[sflag:s5] =	ssyncadd.s32 $0xFFFFF830  }
0x195: {  	_ =	swait.ge [sflag:s5], $0x7D0  }
0x196: {  	[sflag:s5] =	ssyncset.done $0x0  }
0x197: {  	[sflag:s5] =	ssyncadd.s32 $0xFFFFF830  }
0x198: {  	_ =	swait.ge [sflag:s5], $0x7D0  }
0x199: {  	[sflag:s5] =	ssyncset.done $0x0  }
0x19a: {  	[sflag:s5] =	ssyncadd.s32 $0xFFFFF830  }
0x19b: {  	_ =	swait.ge [sflag:s5], $0x7D0  }
0x19c: {  	[sflag:s5] =	ssyncset.done $0x0  }
0x19d: {  	[sflag:s5] =	ssyncadd.s32 $0xFFFFF830  }
0x19e: {  	_ =	swait.ge [sflag:s5], $0x7D0  }
0x19f: {  	[sflag:s5] =	ssyncset.done $0x0  }
0x1a0: {  	[sflag:s5] =	ssyncadd.s32 $0xFFFFF830  }
0x1a1: {  	_ =	swait.ge [sflag:s5], $0x7D0  }
0x1a2: {  	[sflag:s5] =	ssyncset.done $0x0  }
0x1a3: {  	[sflag:s5] =	ssyncadd.s32 $0xFFFFF830  }
0x1a4: {  	_ =	swait.ge [sflag:s5], $0x7D0  }
0x1a5: {  	[sflag:s5] =	ssyncset.done $0x0  }
0x1a6: {  	[sflag:s5] =	ssyncadd.s32 $0xFFFFF830  }
0x1a7: {  	_ =	swait.ge [sflag:s5], $0x7D0  }
0x1a8: {  	[sflag:s5] =	ssyncset.done $0x0  }
0x1a9: {  	[sflag:s5] =	ssyncadd.s32 $0xFFFFF830  }
0x1aa: {  	_ =	swait.ge [sflag:s5], $0x7D0  }
0x1ab: {  	[sflag:s5] =	ssyncset.done $0x0  }
0x1ac: {  	[sflag:s5] =	ssyncadd.s32 $0xFFFFF830  }
0x1ad: {  	_ =	swait.ge [sflag:s5], $0x7D0  }
0x1ae: {  	[sflag:s5] =	ssyncset.done $0x0  }
0x1af: {  	[sflag:s5] =	ssyncadd.s32 $0xFFFFF830  }
0x1b0: {  	_ =	swait.ge [sflag:s5], $0x7D0  }
0x1b1: {  	[sflag:s5] =	ssyncset.done $0x0  }
0x1b2: {  	[sflag:s5] =	ssyncadd.s32 $0xFFFFF830  }
0x1b3: {  	_ =	swait.ge [sflag:s5], $0x7D0  }
0x1b4: {  	[sflag:s5] =	ssyncset.done $0x0  }
0x1b5: {  	[sflag:s5] =	ssyncadd.s32 $0xFFFFF830  }
0x1b6: {  	_ =	swait.ge [sflag:s5], $0x7D0  }
0x1b7: {  	[sflag:s5] =	ssyncset.done $0x0  }
0x1b8: {  	[sflag:s5] =	ssyncadd.s32 $0xFFFFF830  }
0x1b9: {  	_ =	swait.ge [sflag:s5], $0x7D0  }
0x1ba: {  	[sflag:s5] =	ssyncset.done $0x0  }
0x1bb: {  	[sflag:s5] =	ssyncadd.s32 $0xFFFFF830  }
0x1bc: {  	_ =	swait.ge [sflag:s5], $0x7D0  }
0x1bd: {  	[sflag:s5] =	ssyncset.done $0x0  }
0x1be: {  	[sflag:s5] =	ssyncadd.s32 $0xFFFFF830  }
0x1bf: {  	[bflag:$0x0] =	sbarrier.arrive $0xFFFF  }
0x1c0: {  	s19 =	simm.s32 $0x19F00;
	s14 =	simm.s32 $0x5;
	s17 =	rddreg [dreg:$0x6]  }
0x1c1: {  	[tilespmem:s19], [sflag:$0x5] =	stream.linear.gather [spmem:s17], $0x2710, $0x38;
	[tilespmem:$0x1ED20] =	vst v63  }
0x1c2: {  	_ =	swait.ge [sflag:s14], $0x2710  }
0x1c3: {  	[sflag:s14] =	ssyncset.done $0x0  }
0x1c4: {  	s13 =	simm.s32 $0x0;
	s18 =	rddreg [dreg:$0x7];
	[sflag:s14] =	ssyncadd.s32 $0xFFFFD8F0  }
0x1c5: {  	[hbm4b:s18+s13] =	stream.linear.scatter [tilespmem:s19], [sflag:$0x5], $0x2710, $0x38;
	[tilespmem:$0x1ED20] =	vst v63  }
0x1c6: {  	_ =	swait.ge [sflag:s14], $0x2710  }
0x1c7: {  	s8 =	rddreg [dreg:$0x9]  }
0x1c8: {  	s18 =	sadd.s32 $0x1, s8;
	s8 =	rddreg [dreg:$0x8]  }
0x1c9: {  	p0 =	sne.s32 s18, s8  }
.Ltmp5:
0x1ca: {  	_ = 	snop;
	(pc) =	sbr.rel @p0 .LBB2_1-.Ltmp5, $3  }
0x1cb: {  	_ =	sdelay $0x1  }
0x1cc: {  	[sflag:s14] =	ssyncset.done $0x0  }
0x1cd: {  	[sflag:s14] =	ssyncadd.s32 $0xFFFFD8F0  }
0x1ce: {  	_ =	sfence.sel $0x180000  }
0x1cf: {  	[bflag:$0x0] =	sbarrier.arrive $0xFFFF  }
0x1d0: {  	_ =	strace $0x90000047  }
0x1d1: {  	s0 =	stileid.u32;
	[bflag:$0x2] =	sbarrier.arrive $0xFFFF  }
0x1d2: {  	p0 =	sne.s32 s0, $0x0;
	s0 =	rddreg [dreg:$0x2]  }
0x1d3: {  	s0 =	sadd.s32 @!p0 $0x100000, s0  }
0x1d4: {  	[sflag:s0] =	ssyncadd.tile.s32 @!p0 $0x1;
	_ =	shalt  }
.Lfunc_end2:
_tile_overlayer_lowered:
.L_overlay_start_2:
0x1d5: {  	(tag) =	ssettag $0x2  }
0x1d6: {  	s0 =	rddreg [dreg:$0x0];
	s2 =	stileid.u32  }
0x1d7: {  	s1 =	rddreg [dreg:$0x1];
	p0 =	sne.s32 s2, $0x0  }
0x1d8: {  	s3 =	rddreg [dreg:$0x2];
	[bflag:$0x3] =	sbarrier.arrive $0xFFFF;
	s2 =	simm.s32 @!p0 $0x1C05  }
0x1d9: {  	[timem:s3], [sflag:s2] =	dma.local @!p0 [hbm:s0], s1  }
0x1da: {  	s0 =	simm.s32 @!p0 $0x5  }
0x1db: {  	_ =	swait.ge @!p0 [sflag:s0], s1  }
0x1dc: {  	s1 =	ssub.s32 @!p0 $0x0, s1;
	[sflag:s0] =	ssyncset.done @!p0 $0x0  }
0x1dd: {  	[sflag:s0] =	ssyncadd.s32 @!p0 s1  }
0x1de: {  	[bflag:$0x3] =	sbarrier.arrive $0xFFFF  }
0x1df: {  	_ =	shalt  }

</sc_bundles>
